<compile_context>
chip_gen: v7x
topology: tpu7x:2x2x1
jax: 0.10.2.dev20260603
libtpu: 0.0.44.dev20260713+nightly
codegen_flags: <defaults>
</compile_context>

<pallas_src>
import functools

import jax
import jax.numpy as jnp
from jax import lax
from jax.experimental import pallas as pl
from jax.experimental.pallas import tpu as pltpu
from jax.experimental.pallas import tpu_sc as plsc

B = 1024
K = 100000
D = 128
KT = 1024
KP = ((K + KT - 1) // KT) * KT
C = 128
S = 20
BT = 32


def _nrm(x):
    ss = jnp.sum(x * x, axis=1, keepdims=True)
    return x * lax.rsqrt(jnp.maximum(ss, jnp.float32(1e-24)))


SEG = 128
NSEG = KP // SEG


def _scores_body(state_ref, mem_ref, out_ref, segmax_ref, qn_ref):
    k = pl.program_id(0)

    @pl.when(k == 0)
    def _():
        qn_ref[...] = _nrm(state_ref[...]).astype(jnp.bfloat16)

    m = mem_ref[...]
    s = lax.dot_general(qn_ref[...], _nrm(m).astype(jnp.bfloat16),
                        (((1,), (1,)), ((), ())),
                        preferred_element_type=jnp.float32)
    col = k * KT + lax.broadcasted_iota(jnp.int32, (B, KT), 1)
    s = jnp.where(col >= K, jnp.float32(-2.0), s)
    out_ref[...] = s
    segmax_ref[...] = jnp.max(s.reshape(B, KT // SEG, SEG), axis=2)[None]


def _scores(state_past, memory_past):
    mem_p = jnp.pad(memory_past, ((0, KP - K), (0, 0)))
    return pl.pallas_call(
        _scores_body,
        grid=(KP // KT,),
        in_specs=[
            pl.BlockSpec((B, D), lambda k: (0, 0)),
            pl.BlockSpec((KT, D), lambda k: (k, 0)),
        ],
        out_specs=[
            pl.BlockSpec((B, KT), lambda k: (0, k)),
            pl.BlockSpec((1, B, KT // SEG), lambda k: (k, 0, 0)),
        ],
        out_shape=[
            jax.ShapeDtypeStruct((B, KP), jnp.float32),
            jax.ShapeDtypeStruct((KP // KT, B, KT // SEG), jnp.float32),
        ],
        scratch_shapes=[pltpu.VMEM((B, D), jnp.bfloat16)],
    )(state_past, mem_p)


def _bdot(x, w):
    return lax.dot_general(x.astype(jnp.bfloat16), w.astype(jnp.bfloat16),
                           (((1,), (0,)), ((), ())),
                           preferred_element_type=jnp.float32)


def _selector_body(state_ref, mps_ref,
                   wq1, bq1, wq2, bq2, wq3, bq3,
                   wm1, bm1, wm2, bm2, wm3, bm3,
                   q_ref, mo_ref):
    x = state_ref[...]
    h = jnp.maximum(_bdot(x, wq1[...]) + bq1[...], 0.0)
    h = jnp.maximum(_bdot(h, wq2[...]) + bq2[...], 0.0)
    q_ref[...] = _bdot(h, wq3[...]) + bq3[...]

    m = mps_ref[...].reshape(BT * C, D)
    hm = jnp.maximum(_bdot(m, wm1[...]) + bm1[...], 0.0)
    hm = jnp.maximum(_bdot(hm, wm2[...]) + bm2[...], 0.0)
    mo_ref[...] = (_bdot(hm, wm3[...]) + bm3[...]).reshape(BT, C, D)


def _selector(state_past, mem_past_sel,
              Wq1, bq1, Wq2, bq2, Wq3, bq3,
              Wm1, bm1, Wm2, bm2, Wm3, bm3):
    w_specs = []
    w_args = []
    for w, b in ((Wq1, bq1), (Wq2, bq2), (Wq3, bq3),
                 (Wm1, bm1), (Wm2, bm2), (Wm3, bm3)):
        b2 = b.reshape(1, -1)
        w_specs.append(pl.BlockSpec(w.shape, lambda i: (0, 0)))
        w_specs.append(pl.BlockSpec(b2.shape, lambda i: (0, 0)))
        w_args.append(w)
        w_args.append(b2)
    return pl.pallas_call(
        _selector_body,
        grid=(B // BT,),
        in_specs=[
            pl.BlockSpec((BT, D), lambda i: (i, 0)),
            pl.BlockSpec((BT, C, D), lambda i: (i, 0, 0)),
        ] + w_specs,
        out_specs=[
            pl.BlockSpec((BT, D), lambda i: (i, 0)),
            pl.BlockSpec((BT, C, D), lambda i: (i, 0, 0)),
        ],
        out_shape=[
            jax.ShapeDtypeStruct((B, D), jnp.float32),
            jax.ShapeDtypeStruct((B, C, D), jnp.float32),
        ],
    )(state_past, mem_past_sel, *w_args)


def _l2n(x, axis):
    n = jnp.linalg.norm(x, axis=axis, keepdims=True)
    return x / jnp.clip(n, 1e-12, None)


def _sc_gather_fut(memory_fut, idx_flat):
    info = plsc.get_sparse_core_info()
    nw = info.num_cores * info.num_subcores
    n = idx_flat.shape[0]
    per_w = n // nw
    mesh = plsc.VectorSubcoreMesh(core_axis_name="c", subcore_axis_name="s")

    @functools.partial(
        pl.kernel, mesh=mesh,
        out_type=jax.ShapeDtypeStruct((n, D), jnp.float32),
        scratch_types=[
            pltpu.VMEM((per_w,), jnp.int32),
            pltpu.VMEM((per_w, D), jnp.float32),
            pltpu.SemaphoreType.DMA,
        ],
    )
    def k(table_hbm, idx_hbm, out_hbm, idx_v, rows_v, sem):
        wid = lax.axis_index("s") * info.num_cores + lax.axis_index("c")
        base = wid * per_w
        pltpu.sync_copy(idx_hbm.at[pl.ds(base, per_w)], idx_v)
        pltpu.async_copy(table_hbm.at[idx_v], rows_v, sem).wait()
        pltpu.sync_copy(rows_v, out_hbm.at[pl.ds(base, per_w)])

    return k(memory_fut, idx_flat)


def kernel(state_past, memory_past, memory_fut, Wq1, bq1, Wq2, bq2, Wq3, bq3,
           Wm1, bm1, Wm2, bm2, Wm3, bm3):
    scores, segmax3 = _scores(state_past, memory_past)
    segmax = jnp.transpose(segmax3, (1, 0, 2)).reshape(B, NSEG)
    _, seg1 = jax.lax.top_k(segmax, C)
    g1 = jnp.sort(seg1, axis=1)
    s1 = jnp.take_along_axis(scores.reshape(B, NSEG, SEG), g1[:, :, None],
                             axis=1)
    s1f = s1.reshape(B, C * SEG)
    m2 = jnp.max(s1f.reshape(B, (C * SEG) // 16, 16), axis=2)
    _, ch2 = jax.lax.top_k(m2, C)
    g2 = jnp.sort(ch2, axis=1)
    s2 = jnp.take_along_axis(s1f.reshape(B, (C * SEG) // 16, 16),
                             g2[:, :, None], axis=1)
    _, p2 = jax.lax.top_k(s2.reshape(B, C * 16), C)
    pos1 = jnp.take_along_axis(g2, p2 // 16, axis=1) * 16 + p2 % 16
    index_max = (jnp.take_along_axis(g1, pos1 // SEG, axis=1) * SEG
                 + pos1 % SEG)
    mem_past_sel = jnp.take(memory_past, index_max, axis=0)
    q, mo = _selector(state_past, mem_past_sel,
                      Wq1, bq1, Wq2, bq2, Wq3, bq3,
                      Wm1, bm1, Wm2, bm2, Wm3, bm3)
    w2 = jnp.einsum('bqd,bcd->bc', _l2n(q[:, None, :], 2), _l2n(mo, 2))
    _, smi = jax.lax.top_k(w2, S)
    idx_final = jnp.take_along_axis(index_max, smi, axis=1)
    return _sc_gather_fut(memory_fut, idx_final.reshape(-1)).reshape(B, S, D)

# --- scband reference (transcript-rebuilt; emitter-appended) ---
"""Pipeline reference for scband-memo-net-24051816857759 (READ-ONLY COPY).

The authoritative reference and input builder live on the scoring server;
editing this copy changes nothing except your own understanding.
"""

import jax, jax.numpy as jnp
import numpy as np

B = 1024
K = 100000
D = 128
COSINE_NUM = 128
SELECTOR_NUM = 20


def _l2norm(x, axis):
    n = jnp.linalg.norm(x, axis=axis, keepdims=True)
    return x / jnp.clip(n, 1e-12, None)


def _mlp(x, W1, b1, W2, b2, W3, b3):
    h = jax.nn.relu(x @ W1 + b1)
    h = jax.nn.relu(h @ W2 + b2)
    return h @ W3 + b3


def setup_inputs(seed: int = 0) -> dict:
    key = jax.random.key(seed)
    ks = jax.random.split(key, 16)
    inp = {
        'state_past': jax.random.normal(ks[0], (B, D), dtype=jnp.float32),
        'memory_past': jax.random.normal(ks[1], (K, D), dtype=jnp.float32),
        'memory_fut': jax.random.normal(ks[2], (K, D), dtype=jnp.float32),
        'Wq1': jax.random.normal(ks[3], (D, 256), dtype=jnp.float32) * 0.05,
        'bq1': jnp.zeros((256,), dtype=jnp.float32),
        'Wq2': jax.random.normal(ks[4], (256, 256), dtype=jnp.float32) * 0.05,
        'bq2': jnp.zeros((256,), dtype=jnp.float32),
        'Wq3': jax.random.normal(ks[5], (256, D), dtype=jnp.float32) * 0.05,
        'bq3': jnp.zeros((D,), dtype=jnp.float32),
        'Wm1': jax.random.normal(ks[6], (D, 256), dtype=jnp.float32) * 0.05,
        'bm1': jnp.zeros((256,), dtype=jnp.float32),
        'Wm2': jax.random.normal(ks[7], (256, 256), dtype=jnp.float32) * 0.05,
        'bm2': jnp.zeros((256,), dtype=jnp.float32),
        'Wm3': jax.random.normal(ks[8], (256, D), dtype=jnp.float32) * 0.05,
        'bm3': jnp.zeros((D,), dtype=jnp.float32),
    }
    return inp


def reference(state_past, memory_past, memory_fut,
              Wq1, bq1, Wq2, bq2, Wq3, bq3,
              Wm1, bm1, Wm2, bm2, Wm3, bm3):
    # --- get_memory_index: cosine similarity retrieval over the memory bank ---
    past_normalized = _l2norm(memory_past, axis=1)
    state_normalized = _l2norm(state_past, axis=1)
    weight_read = state_normalized @ past_normalized.T  # [B, K]
    # torch.sort(descending=True) then taking first cosine_num columns == top_k
    _, index_max = jax.lax.top_k(weight_read, COSINE_NUM)  # [B, C]
    # gather top cosine_num memory entries (loop of gathers in torch == batched gather)
    mem_past_sel = jnp.take(memory_past, index_max, axis=0)  # [B, C, D]
    mem_fut_sel = jnp.take(memory_fut, index_max, axis=0)    # [B, C, D]
    # --- learned selector: input_query_w / past_memory_w MLPs ---
    state_past_selector = _mlp(state_past, Wq1, bq1, Wq2, bq2, Wq3, bq3)[:, None, :]  # [B,1,D]
    memory_past_selector = _mlp(mem_past_sel, Wm1, bm1, Wm2, bm2, Wm3, bm3)          # [B,C,D]
    # --- get_memory_index_batch ---
    q_n = _l2norm(state_past_selector, axis=2)
    m_n = _l2norm(memory_past_selector, axis=2)
    weight_read2 = jnp.einsum('bqd,bcd->bc', q_n, m_n)  # [B, C] (squeeze(1))
    _, sample_memory_index = jax.lax.top_k(weight_read2, SELECTOR_NUM)  # [B, S]
    # gather selected future features (loop over selector_num in torch)
    feat_fut = jnp.take_along_axis(mem_fut_sel, sample_memory_index[:, :, None], axis=1)  # [B, S, D]
    return feat_fut


if False:  # reference __main__ guard neutralized (emitter)
    out = reference(**setup_inputs())
    print(out.shape)

if __name__ == "__main__":
    import jax
    _d = setup_inputs()
    print(jax.jit(kernel)(*tuple(_d.values())))

</pallas_src>

<mosaic_0001>
#map = affine_map<(d0, d1) -> (0, 0)>
#map1 = affine_map<(d0, d1) -> (0)>
module attributes {stable_mosaic.version = 14 : i64} {
  func.func @k(%arg0: i32, %arg1: i32, %arg2: memref<100000x128xf32, #tpu.memory_space<hbm>>, %arg3: memref<20480xi32, #tpu.memory_space<hbm>>, %arg4: memref<20480x128xf32, #tpu.memory_space<hbm>>, %arg5: memref<640xi32, #tpu.memory_space<vmem>>, %arg6: memref<640x128xf32, #tpu.memory_space<vmem>>, %arg7: memref<!tpu.dma_semaphore, #tpu.memory_space<semaphore_mem>>) attributes {dimension_semantics = [#tpu.dimension_semantics<core_parallel>, #tpu.dimension_semantics<subcore_parallel>], iteration_bounds = array<i64: 2, 16>, scalar_prefetch = 0 : i64, scratch_operands = 3 : i64, tpu.core_type = #tpu.core_type<sc_vector_subcore>, window_params = [{transform_indices = #map}, {transform_indices = #map1}, {transform_indices = #map}]} {
    %mul3A = arith.constant 2 : i32
    %mul3A_0 = arith.muli %arg1, %mul3A : i32
    %add3A = arith.addi %mul3A_0, %arg0 : i32
    %mul3A_1 = arith.constant 640 : i32
    %mul3A_2 = arith.muli %add3A, %mul3A_1 : i32
    "tpu.region"() ({
      %run_scoped3A = tpu.sem_alloc : memref<!tpu.dma_semaphore, #tpu.memory_space<semaphore_mem>>
      %dma_start3A_7 = tpu.memref_slice %arg3[%mul3A_2] : memref<20480xi32, #tpu.memory_space<hbm>> -> memref<640xi32, #tpu.memory_space<hbm>>
      %dma_start3A_8 = tpu.memref_slice %arg3[%mul3A_2] : memref<20480xi32, #tpu.memory_space<hbm>> -> memref<640xi32, #tpu.memory_space<hbm>>
      tpu.enqueue_dma source(%dma_start3A_8 : memref<640xi32, #tpu.memory_space<hbm>>) target(%arg5 : memref<640xi32, #tpu.memory_space<vmem>>) target_semaphore(%run_scoped3A : memref<!tpu.dma_semaphore, #tpu.memory_space<semaphore_mem>>)
      %dma_wait3A_9 = tpu.memref_slice %arg3[%mul3A_2] : memref<20480xi32, #tpu.memory_space<hbm>> -> memref<640xi32, #tpu.memory_space<hbm>>
      %dma_wait3A_10 = tpu.memref_slice %arg3[%mul3A_2] : memref<20480xi32, #tpu.memory_space<hbm>> -> memref<640xi32, #tpu.memory_space<hbm>>
      tpu.wait_dma2 semaphore(%run_scoped3A : memref<!tpu.dma_semaphore, #tpu.memory_space<semaphore_mem>>) src(%dma_wait3A_10 : memref<640xi32, #tpu.memory_space<hbm>>) dst(%arg5 : memref<640xi32, #tpu.memory_space<vmem>>)
      tpu.yield
    }) : () -> ()
    %dma_start3A = arith.constant 0 : i32
    %dma_start3A_3 = arith.constant 0 : i32
    %dma_start3A_4 = tpu.memref_slice %arg2[%dma_start3A, %dma_start3A_3] : memref<100000x128xf32, #tpu.memory_space<hbm>> -> memref<100000x128xf32, #tpu.memory_space<hbm>>
    tpu.enqueue_indirect_dma source(%dma_start3A_4 : memref<100000x128xf32, #tpu.memory_space<hbm>>) target(%arg6 : memref<640x128xf32, #tpu.memory_space<vmem>>) offsets(%arg5 : memref<640xi32, #tpu.memory_space<vmem>>) semaphore(%arg7 : memref<!tpu.dma_semaphore, #tpu.memory_space<semaphore_mem>>)
    %dma_wait3A = arith.constant 0 : i32
    %dma_wait3A_5 = arith.constant 0 : i32
    %dma_wait3A_6 = tpu.memref_slice %arg2[%dma_wait3A, %dma_wait3A_5] : memref<100000x128xf32, #tpu.memory_space<hbm>> -> memref<100000x128xf32, #tpu.memory_space<hbm>>
    tpu.wait_indirect_dma semaphore(%arg7 : memref<!tpu.dma_semaphore, #tpu.memory_space<semaphore_mem>>) src(%dma_wait3A_6 : memref<100000x128xf32, #tpu.memory_space<hbm>>) dst(%arg6 : memref<640x128xf32, #tpu.memory_space<vmem>>)
    "tpu.region"() ({
      %run_scoped3A = tpu.sem_alloc : memref<!tpu.dma_semaphore, #tpu.memory_space<semaphore_mem>>
      %dma_start3A_7 = arith.constant 0 : i32
      %dma_start3A_8 = tpu.memref_slice %arg4[%mul3A_2, %dma_start3A_7] : memref<20480x128xf32, #tpu.memory_space<hbm>> -> memref<640x128xf32, #tpu.memory_space<hbm>>
      %dma_start3A_9 = arith.constant 0 : i32
      %dma_start3A_10 = tpu.memref_slice %arg4[%mul3A_2, %dma_start3A_9] : memref<20480x128xf32, #tpu.memory_space<hbm>> -> memref<640x128xf32, #tpu.memory_space<hbm>>
      tpu.enqueue_dma source(%arg6 : memref<640x128xf32, #tpu.memory_space<vmem>>) target(%dma_start3A_10 : memref<640x128xf32, #tpu.memory_space<hbm>>) target_semaphore(%run_scoped3A : memref<!tpu.dma_semaphore, #tpu.memory_space<semaphore_mem>>)
      %dma_wait3A_11 = arith.constant 0 : i32
      %dma_wait3A_12 = tpu.memref_slice %arg4[%mul3A_2, %dma_wait3A_11] : memref<20480x128xf32, #tpu.memory_space<hbm>> -> memref<640x128xf32, #tpu.memory_space<hbm>>
      %dma_wait3A_13 = arith.constant 0 : i32
      %dma_wait3A_14 = tpu.memref_slice %arg4[%mul3A_2, %dma_wait3A_13] : memref<20480x128xf32, #tpu.memory_space<hbm>> -> memref<640x128xf32, #tpu.memory_space<hbm>>
      tpu.wait_dma2 semaphore(%run_scoped3A : memref<!tpu.dma_semaphore, #tpu.memory_space<semaphore_mem>>) src(%arg6 : memref<640x128xf32, #tpu.memory_space<vmem>>) dst(%dma_wait3A_14 : memref<640x128xf32, #tpu.memory_space<hbm>>)
      tpu.yield
    }) : () -> ()
    return
  }
}

module attributes {stable_mosaic.version = 14 : i64} {
  func.func @_scores_body(%arg0: i32, %arg1: memref<1024x128xf32, #tpu.memory_space<vmem>>, %arg2: memref<1024x128xf32, #tpu.memory_space<vmem>>, %arg3: memref<1024x1024xf32, #tpu.memory_space<vmem>>, %arg4: memref<1x1024x8xf32, #tpu.memory_space<vmem>>, %arg5: memref<1024x128xbf16, #tpu.memory_space<vmem>>) attributes {dimension_semantics = [#tpu.dimension_semantics<arbitrary>], iteration_bounds = array<i64: 98>, scalar_prefetch = 0 : i64, scratch_operands = 1 : i64, tpu.core_type = #tpu.core_type<tc>, window_params = [{pipeline_mode = #tpu.pipeline_mode<synchronous>, transform_indices = @transform_0, window_bounds = array<i64: 1024, 128>}, {transform_indices = @transform_1, window_bounds = array<i64: 1024, 128>}, {transform_indices = @transform_2, window_bounds = array<i64: 1024, 1024>}, {transform_indices = @transform_3, window_bounds = array<i64: 1, 1024, 8>}]} {
    %eq3A = arith.constant 0 : i32
    %eq3A_0 = arith.cmpi eq, %arg0, %eq3A : i32
    %convert_element_type3A = arith.extui %eq3A_0 : i1 to i32
    %cond3A = arith.constant 0 : i32
    %cond3A_1 = arith.cmpi ne, %convert_element_type3A, %cond3A : i32
    scf.if %cond3A_1 {
      %get3A_28 = arith.constant 0 : index
      %get3A_29 = arith.constant 0 : index
      %get3A_30 = vector.load %arg1[%get3A_28, %get3A_29] : memref<1024x128xf32, #tpu.memory_space<vmem>>, vector<1024x128xf32>
      %mul3A_31 = arith.mulf %get3A_30, %get3A_30 : vector<1024x128xf32>
      %reduce_sum3A_32 = arith.constant dense<0.000000e+00> : vector<1024xf32>
      %reduce_sum3A_33 = vector.multi_reduction <add>, %mul3A_31, %reduce_sum3A_32 [1] : vector<1024x128xf32> to vector<1024xf32>
      %broadcast_in_dim3A_34 = vector.shape_cast %reduce_sum3A_33 : vector<1024xf32> to vector<1024x1xf32>
      %max3A_35 = arith.constant 1.000000e-24 : f32
      %max3A_36 = vector.broadcast %max3A_35 : f32 to vector<1024x1xf32>
      %max3A_37 = arith.maximumf %broadcast_in_dim3A_34, %max3A_36 : vector<1024x1xf32>
      %rsqrt3A_38 = math.rsqrt %max3A_37 : vector<1024x1xf32>
      %mul3A_39 = vector.broadcast %rsqrt3A_38 : vector<1024x1xf32> to vector<1024x128xf32>
      %mul3A_40 = arith.mulf %get3A_30, %mul3A_39 : vector<1024x128xf32>
      %convert_element_type3A_41 = arith.truncf %mul3A_40 : vector<1024x128xf32> to vector<1024x128xbf16>
      %swap3A_42 = arith.constant 0 : index
      %swap3A_43 = arith.constant 0 : index
      %swap3A_44 = vector.load %arg5[%swap3A_42, %swap3A_43] : memref<1024x128xbf16, #tpu.memory_space<vmem>>, vector<1024x128xbf16>
      tpu.vector_store %arg5[%swap3A_42, %swap3A_43], %convert_element_type3A_41 {strides = array<i32>} : memref<1024x128xbf16, #tpu.memory_space<vmem>>, vector<1024x128xbf16>,
    } else {
    }
    %get3A = arith.constant 0 : index
    %get3A_2 = arith.constant 0 : index
    %get3A_3 = vector.load %arg2[%get3A, %get3A_2] : memref<1024x128xf32, #tpu.memory_space<vmem>>, vector<1024x128xf32>
    %get3A_4 = arith.constant 0 : index
    %get3A_5 = arith.constant 0 : index
    %get3A_6 = vector.load %arg5[%get3A_4, %get3A_5] : memref<1024x128xbf16, #tpu.memory_space<vmem>>, vector<1024x128xbf16>
    %mul3A = arith.mulf %get3A_3, %get3A_3 : vector<1024x128xf32>
    %reduce_sum3A = arith.constant dense<0.000000e+00> : vector<1024xf32>
    %reduce_sum3A_7 = vector.multi_reduction <add>, %mul3A, %reduce_sum3A [1] : vector<1024x128xf32> to vector<1024xf32>
    %broadcast_in_dim3A = vector.shape_cast %reduce_sum3A_7 : vector<1024xf32> to vector<1024x1xf32>
    %max3A = arith.constant 1.000000e-24 : f32
    %max3A_8 = vector.broadcast %max3A : f32 to vector<1024x1xf32>
    %max3A_9 = arith.maximumf %broadcast_in_dim3A, %max3A_8 : vector<1024x1xf32>
    %rsqrt3A = math.rsqrt %max3A_9 : vector<1024x1xf32>
    %mul3A_10 = vector.broadcast %rsqrt3A : vector<1024x1xf32> to vector<1024x128xf32>
    %mul3A_11 = arith.mulf %get3A_3, %mul3A_10 : vector<1024x128xf32>
    %convert_element_type3A_12 = arith.truncf %mul3A_11 : vector<1024x128xf32> to vector<1024x128xbf16>
    %dot_general3A = arith.constant dense<0.000000e+00> : vector<1024x1024xf32>
    %dot_general3A_13 = tpu.matmul %get3A_6, %convert_element_type3A_12, %dot_general3A {dimension_numbers = #tpu.dot_dimension_numbers<[1], [1], [0], [0], [0, 0, 1, 0], [], []>, transpose_lhs_hint = false} : vector<1024x128xbf16>, vector<1024x128xbf16>, vector<1024x1024xf32> -> vector<1024x1024xf32>
    %mul3A_14 = arith.constant 1024 : i32
    %mul3A_15 = arith.muli %arg0, %mul3A_14 : i32
    %iota3A = tpu.iota {dimensions = array<i32: 1>} : vector<1024x1024xi32>
    %add3A = vector.broadcast %mul3A_15 : i32 to vector<1024x1024xi32>
    %add3A_16 = arith.addi %add3A, %iota3A : vector<1024x1024xi32>
    %ge3A = arith.constant 100000 : i32
    %ge3A_17 = vector.broadcast %ge3A : i32 to vector<1024x1024xi32>
    %ge3A_18 = arith.cmpi sge, %add3A_16, %ge3A_17 : vector<1024x1024xi32>
    %jit3A = arith.constant -2.000000e+00 : f32
    %broadcast_in_dim3A_19 = vector.broadcast %jit3A : f32 to vector<1024x1024xf32>
    %select_n3A = arith.select %ge3A_18, %broadcast_in_dim3A_19, %dot_general3A_13 : vector<1024x1024xi1>, vector<1024x1024xf32>
    %swap3A = arith.constant 0 : index
    %swap3A_20 = arith.constant 0 : index
    %swap3A_21 = vector.load %arg3[%swap3A, %swap3A_20] : memref<1024x1024xf32, #tpu.memory_space<vmem>>, vector<1024x1024xf32>
    tpu.vector_store %arg3[%swap3A, %swap3A_20], %select_n3A {strides = array<i32>} : memref<1024x1024xf32, #tpu.memory_space<vmem>>, vector<1024x1024xf32>,
    %reshape3A = vector.shape_cast %select_n3A : vector<1024x1024xf32> to vector<1024x8x128xf32>
    %reduce_max3A = arith.constant dense<0xFF800000> : vector<1024x8xf32>
    %reduce_max3A_22 = vector.multi_reduction <maximumf>, %reshape3A, %reduce_max3A [2] : vector<1024x8x128xf32> to vector<1024x8xf32>
    %broadcast_in_dim3A_23 = vector.shape_cast %reduce_max3A_22 : vector<1024x8xf32> to vector<1x1024x8xf32>
    %swap3A_24 = arith.constant 0 : index
    %swap3A_25 = arith.constant 0 : index
    %swap3A_26 = arith.constant 0 : index
    %swap3A_27 = vector.load %arg4[%swap3A_24, %swap3A_25, %swap3A_26] : memref<1x1024x8xf32, #tpu.memory_space<vmem>>, vector<1x1024x8xf32>
    tpu.vector_store %arg4[%swap3A_24, %swap3A_25, %swap3A_26], %broadcast_in_dim3A_23 {strides = array<i32>} : memref<1x1024x8xf32, #tpu.memory_space<vmem>>, vector<1x1024x8xf32>,
    return
  }
  func.func @transform_0(%arg0: i32) -> (i32, i32) {
    %c0_i32 = arith.constant 0 : i32
    %c0_i32_0 = arith.constant 0 : i32
    %c0_i32_1 = arith.constant 0 : i32
    return %c0_i32, %c0_i32_0 : i32, i32
  }
  func.func @transform_1(%arg0: i32) -> (i32, i32) {
    %c0_i32 = arith.constant 0 : i32
    %c0_i32_0 = arith.constant 0 : i32
    return %arg0, %c0_i32 : i32, i32
  }
  func.func @transform_2(%arg0: i32) -> (i32, i32) {
    %c0_i32 = arith.constant 0 : i32
    %c0_i32_0 = arith.constant 0 : i32
    return %c0_i32, %arg0 : i32, i32
  }
  func.func @transform_3(%arg0: i32) -> (i32, i32, i32) {
    %c0_i32 = arith.constant 0 : i32
    %c0_i32_0 = arith.constant 0 : i32
    %c0_i32_1 = arith.constant 0 : i32
    return %arg0, %c0_i32, %c0_i32_0 : i32, i32, i32
  }
}

module attributes {stable_mosaic.version = 14 : i64} {
  func.func @_selector_body(%arg0: i32, %arg1: memref<32x128xf32, #tpu.memory_space<vmem>>, %arg2: memref<32x128x128xf32, #tpu.memory_space<vmem>>, %arg3: memref<128x256xf32, #tpu.memory_space<vmem>>, %arg4: memref<1x256xf32, #tpu.memory_space<vmem>>, %arg5: memref<256x256xf32, #tpu.memory_space<vmem>>, %arg6: memref<1x256xf32, #tpu.memory_space<vmem>>, %arg7: memref<256x128xf32, #tpu.memory_space<vmem>>, %arg8: memref<1x128xf32, #tpu.memory_space<vmem>>, %arg9: memref<128x256xf32, #tpu.memory_space<vmem>>, %arg10: memref<1x256xf32, #tpu.memory_space<vmem>>, %arg11: memref<256x256xf32, #tpu.memory_space<vmem>>, %arg12: memref<1x256xf32, #tpu.memory_space<vmem>>, %arg13: memref<256x128xf32, #tpu.memory_space<vmem>>, %arg14: memref<1x128xf32, #tpu.memory_space<vmem>>, %arg15: memref<32x128xf32, #tpu.memory_space<vmem>>, %arg16: memref<32x128x128xf32, #tpu.memory_space<vmem>>) attributes {dimension_semantics = [#tpu.dimension_semantics<arbitrary>], iteration_bounds = array<i64: 32>, scalar_prefetch = 0 : i64, scratch_operands = 0 : i64, tpu.core_type = #tpu.core_type<tc>, window_params = [{transform_indices = @transform_0, window_bounds = array<i64: 32, 128>}, {transform_indices = @transform_1, window_bounds = array<i64: 32, 128, 128>}, {pipeline_mode = #tpu.pipeline_mode<synchronous>, transform_indices = @transform_2, window_bounds = array<i64: 128, 256>}, {pipeline_mode = #tpu.pipeline_mode<synchronous>, transform_indices = @transform_3, window_bounds = array<i64: 1, 256>}, {pipeline_mode = #tpu.pipeline_mode<synchronous>, transform_indices = @transform_4, window_bounds = array<i64: 256, 256>}, {pipeline_mode = #tpu.pipeline_mode<synchronous>, transform_indices = @transform_5, window_bounds = array<i64: 1, 256>}, {pipeline_mode = #tpu.pipeline_mode<synchronous>, transform_indices = @transform_6, window_bounds = array<i64: 256, 128>}, {pipeline_mode = #tpu.pipeline_mode<synchronous>, transform_indices = @transform_7, window_bounds = array<i64: 1, 128>}, {pipeline_mode = #tpu.pipeline_mode<synchronous>, transform_indices = @transform_8, window_bounds = array<i64: 128, 256>}, {pipeline_mode = #tpu.pipeline_mode<synchronous>, transform_indices = @transform_9, window_bounds = array<i64: 1, 256>}, {pipeline_mode = #tpu.pipeline_mode<synchronous>, transform_indices = @transform_10, window_bounds = array<i64: 256, 256>}, {pipeline_mode = #tpu.pipeline_mode<synchronous>, transform_indices = @transform_11, window_bounds = array<i64: 1, 256>}, {pipeline_mode = #tpu.pipeline_mode<synchronous>, transform_indices = @transform_12, window_bounds = array<i64: 256, 128>}, {pipeline_mode = #tpu.pipeline_mode<synchronous>, transform_indices = @transform_13, window_bounds = array<i64: 1, 128>}, {transform_indices = @transform_14, window_bounds = array<i64: 32, 128>}, {transform_indices = @transform_15, window_bounds = array<i64: 32, 128, 128>}]} {
    %get3A = arith.constant 0 : index
    %get3A_0 = arith.constant 0 : index
    %get3A_1 = vector.load %arg1[%get3A, %get3A_0] : memref<32x128xf32, #tpu.memory_space<vmem>>, vector<32x128xf32>
    %get3A_2 = arith.constant 0 : index
    %get3A_3 = arith.constant 0 : index
    %get3A_4 = vector.load %arg3[%get3A_2, %get3A_3] : memref<128x256xf32, #tpu.memory_space<vmem>>, vector<128x256xf32>
    %convert_element_type3A = arith.truncf %get3A_1 : vector<32x128xf32> to vector<32x128xbf16>
    %convert_element_type3A_5 = arith.truncf %get3A_4 : vector<128x256xf32> to vector<128x256xbf16>
    %dot_general3A = arith.constant dense<0.000000e+00> : vector<32x256xf32>
    %dot_general3A_6 = tpu.matmul %convert_element_type3A, %convert_element_type3A_5, %dot_general3A {dimension_numbers = #tpu.dot_dimension_numbers<[1], [0], [0], [1], [0, 0, 1, 1], [], []>, transpose_lhs_hint = false} : vector<32x128xbf16>, vector<128x256xbf16>, vector<32x256xf32> -> vector<32x256xf32>
    %get3A_7 = arith.constant 0 : index
    %get3A_8 = arith.constant 0 : index
    %get3A_9 = vector.load %arg4[%get3A_7, %get3A_8] : memref<1x256xf32, #tpu.memory_space<vmem>>, vector<1x256xf32>
    %add3A = vector.broadcast %get3A_9 : vector<1x256xf32> to vector<32x256xf32>
    %add3A_10 = arith.addf %dot_general3A_6, %add3A : vector<32x256xf32>
    %max3A = arith.constant 0.000000e+00 : f32
    %max3A_11 = vector.broadcast %max3A : f32 to vector<32x256xf32>
    %max3A_12 = arith.maximumf %add3A_10, %max3A_11 : vector<32x256xf32>
    %get3A_13 = arith.constant 0 : index
    %get3A_14 = arith.constant 0 : index
    %get3A_15 = vector.load %arg5[%get3A_13, %get3A_14] : memref<256x256xf32, #tpu.memory_space<vmem>>, vector<256x256xf32>
    %convert_element_type3A_16 = arith.truncf %max3A_12 : vector<32x256xf32> to vector<32x256xbf16>
    %convert_element_type3A_17 = arith.truncf %get3A_15 : vector<256x256xf32> to vector<256x256xbf16>
    %dot_general3A_18 = arith.constant dense<0.000000e+00> : vector<32x256xf32>
    %dot_general3A_19 = tpu.matmul %convert_element_type3A_16, %convert_element_type3A_17, %dot_general3A_18 {dimension_numbers = #tpu.dot_dimension_numbers<[1], [0], [0], [1], [0, 0, 1, 1], [], []>, transpose_lhs_hint = false} : vector<32x256xbf16>, vector<256x256xbf16>, vector<32x256xf32> -> vector<32x256xf32>
    %get3A_20 = arith.constant 0 : index
    %get3A_21 = arith.constant 0 : index
    %get3A_22 = vector.load %arg6[%get3A_20, %get3A_21] : memref<1x256xf32, #tpu.memory_space<vmem>>, vector<1x256xf32>
    %add3A_23 = vector.broadcast %get3A_22 : vector<1x256xf32> to vector<32x256xf32>
    %add3A_24 = arith.addf %dot_general3A_19, %add3A_23 : vector<32x256xf32>
    %max3A_25 = arith.constant 0.000000e+00 : f32
    %max3A_26 = vector.broadcast %max3A_25 : f32 to vector<32x256xf32>
    %max3A_27 = arith.maximumf %add3A_24, %max3A_26 : vector<32x256xf32>
    %get3A_28 = arith.constant 0 : index
    %get3A_29 = arith.constant 0 : index
    %get3A_30 = vector.load %arg7[%get3A_28, %get3A_29] : memref<256x128xf32, #tpu.memory_space<vmem>>, vector<256x128xf32>
    %convert_element_type3A_31 = arith.truncf %max3A_27 : vector<32x256xf32> to vector<32x256xbf16>
    %convert_element_type3A_32 = arith.truncf %get3A_30 : vector<256x128xf32> to vector<256x128xbf16>
    %dot_general3A_33 = arith.constant dense<0.000000e+00> : vector<32x128xf32>
    %dot_general3A_34 = tpu.matmul %convert_element_type3A_31, %convert_element_type3A_32, %dot_general3A_33 {dimension_numbers = #tpu.dot_dimension_numbers<[1], [0], [0], [1], [0, 0, 1, 1], [], []>, transpose_lhs_hint = false} : vector<32x256xbf16>, vector<256x128xbf16>, vector<32x128xf32> -> vector<32x128xf32>
    %get3A_35 = arith.constant 0 : index
    %get3A_36 = arith.constant 0 : index
    %get3A_37 = vector.load %arg8[%get3A_35, %get3A_36] : memref<1x128xf32, #tpu.memory_space<vmem>>, vector<1x128xf32>
    %add3A_38 = vector.broadcast %get3A_37 : vector<1x128xf32> to vector<32x128xf32>
    %add3A_39 = arith.addf %dot_general3A_34, %add3A_38 : vector<32x128xf32>
    %swap3A = arith.constant 0 : index
    %swap3A_40 = arith.constant 0 : index
    %swap3A_41 = vector.load %arg15[%swap3A, %swap3A_40] : memref<32x128xf32, #tpu.memory_space<vmem>>, vector<32x128xf32>
    tpu.vector_store %arg15[%swap3A, %swap3A_40], %add3A_39 {strides = array<i32>} : memref<32x128xf32, #tpu.memory_space<vmem>>, vector<32x128xf32>,
    %get3A_42 = arith.constant 0 : index
    %get3A_43 = arith.constant 0 : index
    %get3A_44 = arith.constant 0 : index
    %get3A_45 = vector.load %arg2[%get3A_42, %get3A_43, %get3A_44] : memref<32x128x128xf32, #tpu.memory_space<vmem>>, vector<32x128x128xf32>
    %reshape3A = vector.shape_cast %get3A_45 : vector<32x128x128xf32> to vector<4096x128xf32>
    %get3A_46 = arith.constant 0 : index
    %get3A_47 = arith.constant 0 : index
    %get3A_48 = vector.load %arg9[%get3A_46, %get3A_47] : memref<128x256xf32, #tpu.memory_space<vmem>>, vector<128x256xf32>
    %convert_element_type3A_49 = arith.truncf %reshape3A : vector<4096x128xf32> to vector<4096x128xbf16>
    %convert_element_type3A_50 = arith.truncf %get3A_48 : vector<128x256xf32> to vector<128x256xbf16>
    %dot_general3A_51 = arith.constant dense<0.000000e+00> : vector<4096x256xf32>
    %dot_general3A_52 = tpu.matmul %convert_element_type3A_49, %convert_element_type3A_50, %dot_general3A_51 {dimension_numbers = #tpu.dot_dimension_numbers<[1], [0], [0], [1], [0, 0, 1, 1], [], []>, transpose_lhs_hint = false} : vector<4096x128xbf16>, vector<128x256xbf16>, vector<4096x256xf32> -> vector<4096x256xf32>
    %get3A_53 = arith.constant 0 : index
    %get3A_54 = arith.constant 0 : index
    %get3A_55 = vector.load %arg10[%get3A_53, %get3A_54] : memref<1x256xf32, #tpu.memory_space<vmem>>, vector<1x256xf32>
    %add3A_56 = vector.broadcast %get3A_55 : vector<1x256xf32> to vector<4096x256xf32>
    %add3A_57 = arith.addf %dot_general3A_52, %add3A_56 : vector<4096x256xf32>
    %max3A_58 = arith.constant 0.000000e+00 : f32
    %max3A_59 = vector.broadcast %max3A_58 : f32 to vector<4096x256xf32>
    %max3A_60 = arith.maximumf %add3A_57, %max3A_59 : vector<4096x256xf32>
    %get3A_61 = arith.constant 0 : index
    %get3A_62 = arith.constant 0 : index
    %get3A_63 = vector.load %arg11[%get3A_61, %get3A_62] : memref<256x256xf32, #tpu.memory_space<vmem>>, vector<256x256xf32>
    %convert_element_type3A_64 = arith.truncf %max3A_60 : vector<4096x256xf32> to vector<4096x256xbf16>
    %convert_element_type3A_65 = arith.truncf %get3A_63 : vector<256x256xf32> to vector<256x256xbf16>
    %dot_general3A_66 = arith.constant dense<0.000000e+00> : vector<4096x256xf32>
    %dot_general3A_67 = tpu.matmul %convert_element_type3A_64, %convert_element_type3A_65, %dot_general3A_66 {dimension_numbers = #tpu.dot_dimension_numbers<[1], [0], [0], [1], [0, 0, 1, 1], [], []>, transpose_lhs_hint = false} : vector<4096x256xbf16>, vector<256x256xbf16>, vector<4096x256xf32> -> vector<4096x256xf32>
    %get3A_68 = arith.constant 0 : index
    %get3A_69 = arith.constant 0 : index
    %get3A_70 = vector.load %arg12[%get3A_68, %get3A_69] : memref<1x256xf32, #tpu.memory_space<vmem>>, vector<1x256xf32>
    %add3A_71 = vector.broadcast %get3A_70 : vector<1x256xf32> to vector<4096x256xf32>
    %add3A_72 = arith.addf %dot_general3A_67, %add3A_71 : vector<4096x256xf32>
    %max3A_73 = arith.constant 0.000000e+00 : f32
    %max3A_74 = vector.broadcast %max3A_73 : f32 to vector<4096x256xf32>
    %max3A_75 = arith.maximumf %add3A_72, %max3A_74 : vector<4096x256xf32>
    %get3A_76 = arith.constant 0 : index
    %get3A_77 = arith.constant 0 : index
    %get3A_78 = vector.load %arg13[%get3A_76, %get3A_77] : memref<256x128xf32, #tpu.memory_space<vmem>>, vector<256x128xf32>
    %convert_element_type3A_79 = arith.truncf %max3A_75 : vector<4096x256xf32> to vector<4096x256xbf16>
    %convert_element_type3A_80 = arith.truncf %get3A_78 : vector<256x128xf32> to vector<256x128xbf16>
    %dot_general3A_81 = arith.constant dense<0.000000e+00> : vector<4096x128xf32>
    %dot_general3A_82 = tpu.matmul %convert_element_type3A_79, %convert_element_type3A_80, %dot_general3A_81 {dimension_numbers = #tpu.dot_dimension_numbers<[1], [0], [0], [1], [0, 0, 1, 1], [], []>, transpose_lhs_hint = false} : vector<4096x256xbf16>, vector<256x128xbf16>, vector<4096x128xf32> -> vector<4096x128xf32>
    %get3A_83 = arith.constant 0 : index
    %get3A_84 = arith.constant 0 : index
    %get3A_85 = vector.load %arg14[%get3A_83, %get3A_84] : memref<1x128xf32, #tpu.memory_space<vmem>>, vector<1x128xf32>
    %add3A_86 = vector.broadcast %get3A_85 : vector<1x128xf32> to vector<4096x128xf32>
    %add3A_87 = arith.addf %dot_general3A_82, %add3A_86 : vector<4096x128xf32>
    %reshape3A_88 = vector.shape_cast %add3A_87 : vector<4096x128xf32> to vector<32x128x128xf32>
    %swap3A_89 = arith.constant 0 : index
    %swap3A_90 = arith.constant 0 : index
    %swap3A_91 = arith.constant 0 : index
    %swap3A_92 = vector.load %arg16[%swap3A_89, %swap3A_90, %swap3A_91] : memref<32x128x128xf32, #tpu.memory_space<vmem>>, vector<32x128x128xf32>
    tpu.vector_store %arg16[%swap3A_89, %swap3A_90, %swap3A_91], %reshape3A_88 {strides = array<i32>} : memref<32x128x128xf32, #tpu.memory_space<vmem>>, vector<32x128x128xf32>,
    return
  }
  func.func @transform_0(%arg0: i32) -> (i32, i32) {
    %c0_i32 = arith.constant 0 : i32
    %c0_i32_0 = arith.constant 0 : i32
    return %arg0, %c0_i32 : i32, i32
  }
  func.func @transform_1(%arg0: i32) -> (i32, i32, i32) {
    %c0_i32 = arith.constant 0 : i32
    %c0_i32_0 = arith.constant 0 : i32
    %c0_i32_1 = arith.constant 0 : i32
    return %arg0, %c0_i32, %c0_i32_0 : i32, i32, i32
  }
  func.func @transform_2(%arg0: i32) -> (i32, i32) {
    %c0_i32 = arith.constant 0 : i32
    %c0_i32_0 = arith.constant 0 : i32
    %c0_i32_1 = arith.constant 0 : i32
    return %c0_i32, %c0_i32_0 : i32, i32
  }
  func.func @transform_3(%arg0: i32) -> (i32, i32) {
    %c0_i32 = arith.constant 0 : i32
    %c0_i32_0 = arith.constant 0 : i32
    %c0_i32_1 = arith.constant 0 : i32
    return %c0_i32, %c0_i32_0 : i32, i32
  }
  func.func @transform_4(%arg0: i32) -> (i32, i32) {
    %c0_i32 = arith.constant 0 : i32
    %c0_i32_0 = arith.constant 0 : i32
    %c0_i32_1 = arith.constant 0 : i32
    return %c0_i32, %c0_i32_0 : i32, i32
  }
  func.func @transform_5(%arg0: i32) -> (i32, i32) {
    %c0_i32 = arith.constant 0 : i32
    %c0_i32_0 = arith.constant 0 : i32
    %c0_i32_1 = arith.constant 0 : i32
    return %c0_i32, %c0_i32_0 : i32, i32
  }
  func.func @transform_6(%arg0: i32) -> (i32, i32) {
    %c0_i32 = arith.constant 0 : i32
    %c0_i32_0 = arith.constant 0 : i32
    %c0_i32_1 = arith.constant 0 : i32
    return %c0_i32, %c0_i32_0 : i32, i32
  }
  func.func @transform_7(%arg0: i32) -> (i32, i32) {
    %c0_i32 = arith.constant 0 : i32
    %c0_i32_0 = arith.constant 0 : i32
    %c0_i32_1 = arith.constant 0 : i32
    return %c0_i32, %c0_i32_0 : i32, i32
  }
  func.func @transform_8(%arg0: i32) -> (i32, i32) {
    %c0_i32 = arith.constant 0 : i32
    %c0_i32_0 = arith.constant 0 : i32
    %c0_i32_1 = arith.constant 0 : i32
    return %c0_i32, %c0_i32_0 : i32, i32
  }
  func.func @transform_9(%arg0: i32) -> (i32, i32) {
    %c0_i32 = arith.constant 0 : i32
    %c0_i32_0 = arith.constant 0 : i32
    %c0_i32_1 = arith.constant 0 : i32
    return %c0_i32, %c0_i32_0 : i32, i32
  }
  func.func @transform_10(%arg0: i32) -> (i32, i32) {
    %c0_i32 = arith.constant 0 : i32
    %c0_i32_0 = arith.constant 0 : i32
    %c0_i32_1 = arith.constant 0 : i32
    return %c0_i32, %c0_i32_0 : i32, i32
  }
  func.func @transform_11(%arg0: i32) -> (i32, i32) {
    %c0_i32 = arith.constant 0 : i32
    %c0_i32_0 = arith.constant 0 : i32
    %c0_i32_1 = arith.constant 0 : i32
    return %c0_i32, %c0_i32_0 : i32, i32
  }
  func.func @transform_12(%arg0: i32) -> (i32, i32) {
    %c0_i32 = arith.constant 0 : i32
    %c0_i32_0 = arith.constant 0 : i32
    %c0_i32_1 = arith.constant 0 : i32
    return %c0_i32, %c0_i32_0 : i32, i32
  }
  func.func @transform_13(%arg0: i32) -> (i32, i32) {
    %c0_i32 = arith.constant 0 : i32
    %c0_i32_0 = arith.constant 0 : i32
    %c0_i32_1 = arith.constant 0 : i32
    return %c0_i32, %c0_i32_0 : i32, i32
  }
  func.func @transform_14(%arg0: i32) -> (i32, i32) {
    %c0_i32 = arith.constant 0 : i32
    %c0_i32_0 = arith.constant 0 : i32
    return %arg0, %c0_i32 : i32, i32
  }
  func.func @transform_15(%arg0: i32) -> (i32, i32, i32) {
    %c0_i32 = arith.constant 0 : i32
    %c0_i32_0 = arith.constant 0 : i32
    %c0_i32_1 = arith.constant 0 : i32
    return %arg0, %c0_i32, %c0_i32_0 : i32, i32, i32
  }
}

</mosaic_0001>

<sc_bundles>
// kernel: gather_offload_async_start.1
scs
__scs_entry_jumppad:
0x0: {  	(pc) =	sbr.rel $0x88, $3  }
0x1: {  	(tag) =	ssettag $0x0;
	lr =	simm.s32 $0x1  }
0x2: {  	[smem:$0x3F92] =	sst lr;
	_ =	strace $0xD0000000  }
0x3: {  	_ = 	snop  }
0x4: {  	_ = 	snop  }
0x5: {  	_ = 	snop  }
0x6: {  	_ = 	snop  }
0x7: {  	_ = 	snop  }
__scs_overlays_trampoline_lowered:
0x8: {  	[smem:$0x3FA1] =	sst s0  }
0x9: {  	[smem:$0x3FA2] =	sst s1  }
0xa: {  	[smem:$0x3FA3] =	sst s2  }
0xb: {  	[smem:$0x3FA4] =	sst s3  }
0xc: {  	[smem:$0x3FA5] =	sst s4  }
0xd: {  	[smem:$0x3FA6] =	sst s5  }
0xe: {  	[smem:$0x3FA7] =	sst s6  }
0xf: {  	[smem:$0x3FA8] =	sst s7  }
0x10: {  	[smem:$0x3FA9] =	sst s8  }
0x11: {  	[smem:$0x3FAA] =	sst s9;
	s0 =	simm.s32 @!p0 $0x0  }
0x12: {  	s1 =	sld [smem:$0x3F90];
	s0 =	simm.s32 @p0 $0x1  }
0x13: {  	[smem:$0x3FAB] =	sst s0;
	s0 =	simm.s32 @!p1 $0x0  }
0x14: {  	s2 =	sld [smem:$0x3F8F];
	s0 =	simm.s32 @p1 $0x1  }
0x15: {  	[smem:$0x3FAC] =	sst s0;
	s0 =	simm.s32 @!p2 $0x0  }
0x16: {  	s3 =	sld [smem:$0x3FDB];
	s0 =	simm.s32 @p2 $0x1  }
0x17: {  	s4 =	simm.s32 $0x1BF5;
	[smem:$0x3FAE] =	sst s0  }
0x18: {  	s0 =	sld [smem:$0x3F91];
	_ =	swait.ge [sflag:s4], $0x0  }
0x19: {  	s7 =	sld [smem:$0x3F92]  }
0x1a: {  	s8 =	sadd.s32 $0xFFFFE003, lr  }
0x1b: {  	s9 =	sadd.s32 $0xFFFFFEF7, lr;
	s5 =	simm.s32 $0xFFFFFFFF;
	p2 =	slt.u32 s8, $0xFFFFF086  }
0x1c: {  	p1 =	slt.u32 s9, $0xF7A;
	s5 =	simm.s32 @!p2 $0x0  }
0x1d: {  	s5 =	simm.s32 @p1 $0x1;
	p0 =	seq.s32 s7, s2  }
0x1e: {  	s7 =	smul.u32 @!p0 $0xF7A, s2;
	p2 =	seq.s32 @!p0 s5, $0x0  }
0x1f: {  	s9 =	smul.u32 $0xF7A, s1;
	s8 =	simm.s32 @!p0 $0x1BF5;
	p2 =	por !p2, p0  }
0x20: {  	[sflag:s8] =	ssyncset.s32 @!p0 $0xFFFFF086;
	s6 =	sadd.s32 @!p0 s3, s7;
	s7 =	simm.s32 @!p0 $0x108  }
0x21: {  	s3 =	sadd.s32 s3, s9;
	s6 =	sadd.s32 @!p0 $0x88, s6;
	s7 =	simm.s32 @p2 $0x1082  }
0x22: {  	[simem:s7], [sflag:s8] =	dma.local @!p0 [hbm:s6], $0xF7A  }
0x23: {  	s9 =	sor.u32 $0xD0000000, s2;
	s6 =	simm.s32 $0x108;
	_ =	swait.ge @!p0 [sflag:s8], $0x0  }
0x24: {  	s3 =	sadd.s32 $0x88, s3;
	s6 =	simm.s32 @!p1 $0x1082;
	[sflag:s4] =	ssyncset.s32 $0xFFFFF086  }
0x25: {  	[simem:s6], [sflag:s4] =	dma.local [hbm:s3], $0xF7A  }
0x26: {  	[smem:$0x3F92] =	sst s1;
	(tag) =	ssettag s2;
	_ =	strace s9  }
0x27: {  	s1 =	sld [smem:$0x3FA2]  }
0x28: {  	s2 =	sld [smem:$0x3FA3]  }
0x29: {  	s4 =	sld [smem:$0x3FA5]  }
0x2a: {  	p0 =	seq.s32 s5, $0x0;
	s5 =	sld [smem:$0x3FA6]  }
0x2b: {  	s6 =	sld [smem:$0x3FA7]  }
0x2c: {  	s7 =	sld [smem:$0x3FA8]  }
0x2d: {  	s3 =	simm.s32 $0x108;
	s8 =	sld [smem:$0x3FA9]  }
0x2e: {  	s3 =	simm.s32 @!p0 $0x1082;
	s9 =	sld [smem:$0x3FAA]  }
0x2f: {  	lr =	sadd.s32 s0, s3;
	s0 =	sld [smem:$0x3FA1]  }
0x30: {  	s3 =	sld [smem:$0x3FA4]  }
0x31: {  	[smem:$0x3FAD] =	sst s10  }
0x32: {  	s10 =	sld [smem:$0x3FAB];
	_ =	sdelay $0x3  }
0x33: {  	p0 =	seq.s32 s10, $0x1;
	s10 =	sld [smem:$0x3FAD];
	_ =	sdelay $0x3  }
0x34: {  	[smem:$0x3FAD] =	sst s10  }
0x35: {  	s10 =	sld [smem:$0x3FAC];
	_ =	sdelay $0x3  }
0x36: {  	p1 =	seq.s32 s10, $0x1;
	s10 =	sld [smem:$0x3FAD];
	_ =	sdelay $0x3  }
0x37: {  	[smem:$0x3FAD] =	sst s10  }
0x38: {  	s10 =	sld [smem:$0x3FAE]  }
0x39: {  	_ = 	snop;
	(pc) =	sbr.ind lr, $3  }
0x3a: {  	_ = 	snop  }
0x3b: {  	_ = 	snop  }
0x3c: {  	p2 =	seq.s32 s10, $0x1;
	s10 =	sld [smem:$0x3FAD]  }
0x3d: {  	_ =	shalt  }
0x3e: {  	_ =	shalt  }
0x3f: {  	_ =	shalt  }
0x40: {  	_ =	shalt  }
0x41: {  	_ =	shalt  }
0x42: {  	_ =	shalt  }
0x43: {  	_ =	shalt  }
0x44: {  	_ =	shalt  }
0x45: {  	_ =	shalt  }
0x46: {  	_ =	shalt  }
0x47: {  	_ =	shalt  }
0x48: {  	_ =	shalt  }
0x49: {  	_ =	shalt  }
0x4a: {  	_ =	shalt  }
0x4b: {  	_ =	shalt  }
0x4c: {  	_ =	shalt  }
0x4d: {  	_ =	shalt  }
0x4e: {  	_ =	shalt  }
0x4f: {  	_ =	shalt  }
0x50: {  	_ =	shalt  }
0x51: {  	_ =	shalt  }
0x52: {  	_ =	shalt  }
0x53: {  	_ =	shalt  }
0x54: {  	_ =	shalt  }
0x55: {  	_ =	shalt  }
0x56: {  	_ =	shalt  }
0x57: {  	_ =	shalt  }
0x58: {  	_ =	shalt  }
0x59: {  	_ =	shalt  }
0x5a: {  	_ =	shalt  }
0x5b: {  	_ =	shalt  }
0x5c: {  	_ =	shalt  }
0x5d: {  	_ =	shalt  }
0x5e: {  	_ =	shalt  }
0x5f: {  	_ =	shalt  }
0x60: {  	_ =	shalt  }
0x61: {  	_ =	shalt  }
0x62: {  	_ =	shalt  }
0x63: {  	_ =	shalt  }
0x64: {  	_ =	shalt  }
0x65: {  	_ =	shalt  }
0x66: {  	_ =	shalt  }
0x67: {  	_ =	shalt  }
0x68: {  	_ =	shalt  }
0x69: {  	_ =	shalt  }
0x6a: {  	_ =	shalt  }
0x6b: {  	_ =	shalt  }
0x6c: {  	_ =	shalt  }
0x6d: {  	_ =	shalt  }
0x6e: {  	_ =	shalt  }
0x6f: {  	_ =	shalt  }
0x70: {  	_ =	shalt  }
0x71: {  	_ =	shalt  }
0x72: {  	_ =	shalt  }
0x73: {  	_ =	shalt  }
0x74: {  	_ =	shalt  }
0x75: {  	_ =	shalt  }
0x76: {  	_ =	shalt  }
0x77: {  	_ =	shalt  }
0x78: {  	_ =	shalt  }
0x79: {  	_ =	shalt  }
0x7a: {  	_ =	shalt  }
0x7b: {  	_ =	shalt  }
0x7c: {  	_ =	shalt  }
0x7d: {  	_ =	shalt  }
0x7e: {  	_ =	shalt  }
0x7f: {  	_ =	shalt  }
0x80: {  	_ =	shalt  }
0x81: {  	_ =	shalt  }
0x82: {  	_ =	shalt  }
0x83: {  	_ =	shalt  }
0x84: {  	_ =	shalt  }
0x85: {  	_ =	shalt  }
0x86: {  	_ =	shalt  }
0x87: {  	_ =	shalt  }
.Lfunc_end0:
.L_simem_size_0:
called_computation.3_lowered:
.L_overlay_start_0:
0x88: {  	s2 =	sld [smem:$0x3FD9]  }
0x89: {  	s3 =	sld [smem:$0x3FFE];
	_ =	sdelay $0x1  }
0x8a: {  	s1 =	srdreg.scid  }
0x8b: {  	s0 =	sand.u32 $0x1, s1  }
0x8c: {  	s17 =	sshll.u32 s0, $0xA;
	s2 =	sadd.s32 s3, s2  }
0x8d: {  	s2 =	sadd.s32 s2, s17  }
0x8e: {  	[smem:$0x3FB9] =	sst s2  }
0x8f: {  	_ = 	snop  }
0x90: {  	s2 =	sld [smem:$0x3FD0];
	(tm) =	ssettm $0x1  }
0x91: {  	s18 =	sld [smem:$0x3FFB];
	_ =	sdelay $0x3  }
0x92: {  	_ =	strace s18  }
0x93: {  	s3 =	sld [smem:$0x3FFC];
	_ =	sdelay $0x3  }
0x94: {  	_ =	strace s3  }
0x95: {  	s3 =	sld [smem:$0x3FFD];
	_ =	sdelay $0x3  }
0x96: {  	_ =	strace s3  }
0x97: {  	_ =	strace $0x8FFFFFFF  }
0x98: {  	s19 =	sld [smem:$0x3FDB];
	_ =	sdelay $0x1  }
0x99: {  	s4 =	simm.s32 $_scs_section_size  }
0x9a: {  	s5 =	simm.s32 $_size__tile_overlayer_lowered;
	s6 =	simm.s32 $_tile_overlayer_lowered  }
0x9b: {  	s22 =	simm.s32 $0x1BFF;
	s21 =	sshll.u32 s6, $0x1;
	s3 =	sadd.s32 s4, s19  }
0x9c: {  	s7 =	simm.s32 $0x0;
	s20 =	sshll.u32 s5, $0x1;
	s5 =	sadd.s32 s21, s3  }
0x9d: {  	[timem:s7], [sflag:s22] =	dma.local [hbm:s5], s20  }
0x9e: {  	_ =	swait.ge [sflag:s22], s20  }
0x9f: {  	s4 =	ssub.s32 $0x0, s20;
	[sflag:s22] =	ssyncset.done $0x0  }
0xa0: {  	[sflag:s22] =	ssyncadd.s32 s4;
	_ =	sdelay $0x1  }
0xa1: {  	s23 =	simm.s32 $0x1B8B  }
0xa2: {  	_ =	swait.ge [sflag:s23], $0x1  }
0xa3: {  	[sflag:s23] =	ssyncset.done $0x0  }
0xa4: {  	s25 =	simm.s32 $0x1B8E;
	s24 =	sld [smem:$0x3FFE];
	[sflag:s23] =	ssyncadd.s32 $0xFFFFFFFF  }
0xa5: {  	s26 =	simm.s32 $execute0_lowered;
	[smem:$0x3FD2] =	sst s25  }
0xa6: {  	s5 =	sshll.u32 s26, $0x1;
	_ =	strace $0x80000049;
	[dreg:$0x1] =	wrdreg $0xFFFFFFFF  }
0xa7: {  	s28 =	simm.s32 $_size_execute0_lowered;
	s3 =	sadd.s32 s3, s5;
	[dreg:$0x0] =	wrdreg $0x0  }
0xa8: {  	s5 =	sshll.u32 s28, $0x1;
	[dreg:$0x2] =	wrdreg s3  }
0xa9: {  	[dreg:$0x3] =	wrdreg s5  }
0xaa: {  	[dreg:$0x4] =	wrdreg $0xC0  }
0xab: {  	_ =	task [dreg:s7], $0x5FFFF  }
0xac: {  	[dreg:$0x1] =	wrdreg $0xFFFFFFFF  }
0xad: {  	[dreg:$0x0] =	wrdreg $0x60  }
0xae: {  	[dreg:$0x2] =	wrdreg s24  }
0xaf: {  	[dreg:$0x3] =	wrdreg s2  }
0xb0: {  	[dreg:$0x4] =	wrdreg $0x9  }
0xb1: {  	_ =	task.clear_ibuf [dreg:s7], $0x5FFFF;
	_ =	strace $0x90000049  }
0xb2: {  	s29 =	simm.s32 $0x9;
	_ =	strace $0x8000004B  }
0xb3: {  	_ =	swait.ge [sflag:s29], $0x1  }
0xb4: {  	[sflag:s29] =	ssyncadd.s32 $0xFFFFFFFF  }
0xb5: {  	_ =	strace $0x9000004B  }
0xb6: {  	_ =	sfence  }
0xb7: {  	s30 =	sld [smem:$0x0];
	_ =	sdelay $0x2  }
0xb8: {  	s31 =	sshll.u32 s1, $0xD;
	s1 =	sshrl.u32 s1, $0x2  }
0xb9: {  	s3 =	sand.u32 $0x4000, s31;
	s1 =	sadd.s32 s1, s30  }
0xba: {  	s0 =	sor.u32 s3, s0;
	s1 =	sshll.u32 s1, $0x11  }
0xbb: {  	s0 =	sor.u32 s1, s0  }
0xbc: {  	s0 =	sadd.s32 $0x8F2B, s0  }
0xbd: {  	[sflag:s0] =	ssyncadd.remote.s32 $0x1  }
0xbe: {  	_ =	sfence.sel $0xFFFF  }
0xbf: {  	[dreg:$0x0] =	wrdreg $0xFFFFFFFF;
	(pc) =	sbr.abs _section_cstart, $3  }
0xc0: {  	[dreg:$0x1] =	wrdreg $0xFFFFFFFF  }
0xc1: {  	_ =	task.clear_ibuf [dreg:s7], $0x2FFFF;
	_ =	strace $0x9FFFFFFF  }
0xc2: {  	(tm) =	ssettm $0x7FFFFFFF  }
0xc3: {  	_ =	shalt  }
tec
execute0_lowered:
.L_overlay_start_1:
0x0: {  	(tag) =	ssettag $0x1  }
0x1: {  	s7 =	rddreg [dreg:$0x0]  }
0x2: {  	s2 =	rddreg [dreg:$0x1]  }
0x3: {  	s0 =	rddreg [dreg:$0x2]  }
0x4: {  	s1 =	srdreg.scid;
	_ =	strace $0x8000004A;
	s4 =	simm.s32 $0x1  }
0x5: {  	s9 =	simm.s32 $0x3;
	s11 =	simm.s32 $0x0;
	s5 =	sshll.u32 s1, $0x4  }
.Ltmp0:
0x6: {  	s1 =	stileid.u32;
	s5 =	sand.u32 $0x10, s5;
	(pc) =	sbr.rel .LBB2_1-.Ltmp0, $4  }
0x7: {  	p0 =	por $0x0, $0x0;
	s3 =	sadd.s32 $0xF50000, s7;
	s6 =	sor.u32 s1, s5  }
0x8: {  	[sflag:s4] =	ssyncpa.u1 $0x0;
	s5 =	simm.s32 $0x2;
	s6 =	sshll.u32 s6, $0xC  }
0x9: {  	s7 =	sadd.s32 $0x8000, s7;
	[sflag:s5] =	ssyncpa.u1 $0x0;
	s8 =	sadd.s32 $0x1000, s6  }
0xa: {  	vm0 =	vmmov $0xff;
	vm1 =	vcmask $0x3F20;
	[sflag:s9] =	ssyncpa.u1 $0x0;
	s10 =	smov.u32 s6;
	s9 =	simm.s32 $0x0  }
.LBB2_7:
0xb: {  	p1 =	slt.u32 s9, $0x2;
	s11 =	sadd.s32 $0x100, s10  }
0xc: {  	s13 =	smov.u32 s6;
	s9 =	sadd.s32 $0x1, s9;
	p2 =	slt.s32 s11, s8  }
0xd: {  	s13 =	smov.u32 @p2 s11;
	p2 =	sne.s32 s9, $0x12  }
.Ltmp1:
0xe: {  	_ = 	snop;
	(pc) =	sbr.rel @!p2 .LBB2_8-.Ltmp1, $4  }
0xf: {  	s12 =	simm.s32 @!p1 $0x3  }
0x10: {  	_ =	swait.ge @!p1 [sflag:s12], $0x8000  }
0x11: {  	p0 =	por !p0, !p0;
	[sflag:s12] =	ssyncset.done @!p1 $0x0  }
0x12: {  	s11 =	smov.u32 s10;
	s10 =	smov.u32 s13;
	[sflag:s12] =	ssyncadd.s32 @!p1 $0xFFFF8000  }
.LBB2_1:
0x13: {  	p1 =	sgt.u32 s9, $0xF  }
0x14: {  	s12 =	sxor.u32 @!p1 $0xFFFFFFFF, s9  }
0x15: {  	s13 =	sshrl.u32 @!p1 s10, $0x3;
	s12 =	sshll.u32 @!p1 s12, $0x8  }
0x16: {  	s14 =	sand.u32 @!p1 $0x7, s10;
	s13 =	sadd.s32 @!p1 s2, s13;
	s12 =	sand.u32 @!p1 $0x100, s12  }
0x17: {  	[tilespmem:s12], [sflag:$0x2] =	stream.linear.gather @!p1 [hbm4b:s13+s14], $0x100, $0x38;
	[tilespmem:$0x10200] =	vst v63  }
0x18: {  	p1 =	seq.s32 s9, $0x0  }
0x19: {  	p2 =	seq.s32 @!p1 s9, $0x11  }
0x1a: {  	p1 =	por p1, p2  }
.Ltmp2:
0x1b: {  	_ = 	snop;
	(pc) =	sbr.rel @p1 .LBB2_7-.Ltmp2, $1  }
0x1c: {  	_ =	sdelay $0x3  }
0x1d: {  	s12 =	simm.s32 $0x1  }
0x1e: {  	_ =	swait.ge [sflag:s5], $0x100;
	s12 =	simm.s32 @!p0 $0x0  }
0x1f: {  	[sflag:s5] =	ssyncset.done $0x0;
	s14 =	sshll.u32 s12, $0x8  }
0x20: {  	[sflag:s5] =	ssyncadd.s32 $0xFFFFFF00;
	s13 =	sadd.s32 $0x0, s14  }
0x21: {  	v0 =	vld.msk [tilespmem:s13+$0x0 ss:$0x1], $0xffff;
	_ =	sdelay $0x4  }
0x22: {  	v1 =	vand.u32 $0x3FF, v0;
	v2 =	vshrl.u32 v0, $0x3  }
0x23: {  	vm2 =	veq.s32 v0, $0x80000000;
	v0 =	vmul.u32 $0x18800, v1;
	v1 =	vand.u32 $0x1FF80, v2  }
0x24: {  	v1 =	vsel vm2, $0xFFFFFF80, v1  }
0x25: {  	v0 =	vsel vm2, $0xFFFE7800, v0;
	v2 =	vand.u32 $0xFFFFFC00, v1  }
0x26: {  	v1 =	vand.u32 $0x380, v1;
	v0 =	vadd.s32 v0, v2  }
0x27: {  	v0 =	vor.u32 v1, v0  }
0x28: {  	v0 =	vshrl.u32 v0, $0x3;
	_ =	sdelay $0x2  }
0x29: {  	s12 =	sshll.u32 s12, $0xF  }
0x2a: {  	s12 =	sor.u32 $0x200, s12  }
0x2b: {  	[tilespmem:s12], [sflag:$0x1] =	stream.indirect_vreg.gather [hbm:s3], $0x80, v0, vm0, $0x38;
	[tilespmem:$0x10200] =	vst v63  }
0x2c: {  	s15 =	sadd.s32 $0x10, s14;
	s13 =	sadd.s32 $0x400, s12  }
0x2d: {  	[tilespmem:s13], [sflag:$0x1] =	stream.indirect_vreg.gather [hbm:s3], $0x80, v0, vm1, $0x38;
	[tilespmem:$0x10200] =	vst v63  }
0x2e: {  	s16 =	simm.s32 $0x80;
	v0 =	vld.msk [tilespmem:s15+$0x0 ss:$0x1], $0xffff;
	s15 =	smov.u32 s12  }
.LBB2_3:
0x2f: {  	p1 =	sne.s32 s16, $0x3C0;
	_ =	sdelay $0x4  }
0x30: {  	v1 =	vand.u32 $0x3FF, v0;
	v2 =	vshrl.u32 v0, $0x3  }
0x31: {  	vm2 =	veq.s32 v0, $0x80000000;
	v0 =	vmul.u32 $0x18800, v1;
	v1 =	vand.u32 $0x1FF80, v2  }
0x32: {  	v1 =	vsel vm2, $0xFFFFFF80, v1  }
0x33: {  	v0 =	vsel vm2, $0xFFFE7800, v0;
	v2 =	vand.u32 $0xFFFFFC00, v1  }
0x34: {  	v1 =	vand.u32 $0x380, v1;
	v0 =	vadd.s32 v0, v2  }
0x35: {  	v0 =	vor.u32 v1, v0  }
0x36: {  	v0 =	vshrl.u32 v0, $0x3;
	_ =	sdelay $0x3  }
.Ltmp3:
0x37: {  	s17 =	sshra.s32 s16, $0x2;
	s15 =	sadd.s32 $0x800, s15;
	(pc) =	sbr.rel @p1 .LBB2_3-.Ltmp3, $4  }
0x38: {  	[tilespmem:s15], [sflag:$0x1] =	stream.indirect_vreg.gather [hbm:s3], $0x80, v0, vm0, $0x38;
	[tilespmem:$0x10200] =	vst v63  }
0x39: {  	s17 =	sadd.s32 s17, s14;
	s18 =	sadd.s32 $0x400, s15  }
0x3a: {  	[tilespmem:s18], [sflag:$0x1] =	stream.indirect_vreg.gather [hbm:s3], $0x80, v0, vm1, $0x38;
	[tilespmem:$0x10200] =	vst v63  }
0x3b: {  	s16 =	sadd.s32 $0x40, s16;
	v0 =	vld.msk [tilespmem:s17+$0x0 ss:$0x1], $0xffff  }
0x3c: {  	_ =	sdelay $0x3  }
0x3d: {  	v1 =	vand.u32 $0x3FF, v0;
	v2 =	vshrl.u32 v0, $0x3  }
0x3e: {  	vm2 =	veq.s32 v0, $0x80000000;
	v61 =	vmul.u32 $0x18800, v1;
	v62 =	vand.u32 $0x1FF80, v2  }
0x3f: {  	v1 =	vsel vm2, $0xFFFFFF80, v62  }
0x40: {  	v0 =	vsel vm2, $0xFFFE7800, v61;
	v63 =	vand.u32 $0xFFFFFC00, v1  }
0x41: {  	v1 =	vand.u32 $0x380, v1;
	v0 =	vadd.s32 v0, v63  }
0x42: {  	v0 =	vor.u32 v1, v0  }
0x43: {  	v0 =	vshrl.u32 v0, $0x3;
	_ =	sdelay $0x3  }
0x44: {  	s14 =	sadd.s32 $0x800, s15  }
0x45: {  	[tilespmem:s14], [sflag:$0x1] =	stream.indirect_vreg.gather [hbm:s3], $0x80, v0, vm0, $0x38;
	[tilespmem:$0x10200] =	vst v63  }
0x46: {  	s14 =	sadd.s32 $0x400, s14  }
0x47: {  	[tilespmem:s14], [sflag:$0x1] =	stream.indirect_vreg.gather [hbm:s3], $0x80, v0, vm1, $0x38;
	[tilespmem:$0x10200] =	vst v63  }
0x48: {  	s11 =	sshll.u32 s11, $0x4;
	_ =	swait.ge [sflag:s4], $0x8000  }
0x49: {  	s11 =	sadd.s32 s11, s7;
	[sflag:s4] =	ssyncset.done $0x0  }
0x4a: {  	s15 =	sadd.s32 $0x0, s11;
	s14 =	simm.s32 $0x80;
	[sflag:s4] =	ssyncadd.s32 $0xFFFF8000  }
.LBB2_5:
0x4b: {  	[hbm:s15] =	stream.linear.scatter [tilespmem:s12], [sflag:$0x3], $0x400, $0x38;
	[tilespmem:$0x10200] =	vst v63  }
0x4c: {  	s15 =	smov.u32 s14;
	s12 =	smov.u32 s13;
	p1 =	sne.s32 s14, $0xF80  }
.Ltmp4:
0x4d: {  	s14 =	sadd.s32 $0x80, s14;
	(pc) =	sbr.rel @p1 .LBB2_5-.Ltmp4, $2  }
0x4e: {  	_ =	sdelay $0x2  }
0x4f: {  	s13 =	sadd.s32 $0x400, s13;
	s15 =	sadd.s32 s15, s11  }
.Ltmp5:
0x50: {  	(pc) =	sbr.rel .LBB2_7-.Ltmp5, $2  }
0x51: {  	_ =	sdelay $0x2  }
0x52: {  	[hbm:s15] =	stream.linear.scatter [tilespmem:s12], [sflag:$0x3], $0x400, $0x38;
	[tilespmem:$0x10200] =	vst v63  }
.LBB2_8:
0x53: {  	_ =	sfence.sel $0x180000  }
0x54: {  	s2 =	simm.s32 $0x2;
	[bflag:$0x0] =	sbarrier.arrive $0xFFFF  }
0x55: {  	s30 =	simm.s32 $0x3;
	[sflag:s2] =	ssyncpa.u1 $0x1  }
0x56: {  	s31 =	simm.s32 $0x1;
	[sflag:s30] =	ssyncpa.u1 $0x1  }
0x57: {  	[sflag:s31] =	ssyncpa.u1 $0x1  }
0x58: {  	p0 =	sne.s32 s1, $0x0;
	_ =	strace $0x9000004A  }
0x59: {  	s0 =	sadd.s32 @!p0 $0x100000, s0;
	[bflag:$0x2] =	sbarrier.arrive $0xFFFF  }
0x5a: {  	[sflag:s0] =	ssyncadd.tile.s32 @!p0 $0x1;
	_ =	shalt  }
.Lfunc_end2:
_tile_overlayer_lowered:
.L_overlay_start_2:
0x5b: {  	(tag) =	ssettag $0x2  }
0x5c: {  	s0 =	rddreg [dreg:$0x0];
	s2 =	stileid.u32  }
0x5d: {  	s1 =	rddreg [dreg:$0x1];
	p0 =	sne.s32 s2, $0x0  }
0x5e: {  	s3 =	rddreg [dreg:$0x2];
	[bflag:$0x3] =	sbarrier.arrive $0xFFFF;
	s2 =	simm.s32 @!p0 $0x1C01  }
0x5f: {  	[timem:s3], [sflag:s2] =	dma.local @!p0 [hbm:s0], s1  }
0x60: {  	s0 =	simm.s32 @!p0 $0x1  }
0x61: {  	_ =	swait.ge @!p0 [sflag:s0], s1  }
0x62: {  	s1 =	ssub.s32 @!p0 $0x0, s1;
	[sflag:s0] =	ssyncset.done @!p0 $0x0  }
0x63: {  	[sflag:s0] =	ssyncadd.s32 @!p0 s1  }
0x64: {  	[bflag:$0x3] =	sbarrier.arrive $0xFFFF  }
0x65: {  	_ =	shalt  }

// kernel: gather_offload_async_start.2
scs
__scs_entry_jumppad:
0x0: {  	(pc) =	sbr.rel $0x88, $3  }
0x1: {  	(tag) =	ssettag $0x0;
	lr =	simm.s32 $0x1  }
0x2: {  	[smem:$0x3F92] =	sst lr;
	_ =	strace $0xD0000000  }
0x3: {  	_ = 	snop  }
0x4: {  	_ = 	snop  }
0x5: {  	_ = 	snop  }
0x6: {  	_ = 	snop  }
0x7: {  	_ = 	snop  }
__scs_overlays_trampoline_lowered:
0x8: {  	[smem:$0x3FA1] =	sst s0  }
0x9: {  	[smem:$0x3FA2] =	sst s1  }
0xa: {  	[smem:$0x3FA3] =	sst s2  }
0xb: {  	[smem:$0x3FA4] =	sst s3  }
0xc: {  	[smem:$0x3FA5] =	sst s4  }
0xd: {  	[smem:$0x3FA6] =	sst s5  }
0xe: {  	[smem:$0x3FA7] =	sst s6  }
0xf: {  	[smem:$0x3FA8] =	sst s7  }
0x10: {  	[smem:$0x3FA9] =	sst s8  }
0x11: {  	[smem:$0x3FAA] =	sst s9;
	s0 =	simm.s32 @!p0 $0x0  }
0x12: {  	s1 =	sld [smem:$0x3F90];
	s0 =	simm.s32 @p0 $0x1  }
0x13: {  	[smem:$0x3FAB] =	sst s0;
	s0 =	simm.s32 @!p1 $0x0  }
0x14: {  	s2 =	sld [smem:$0x3F8F];
	s0 =	simm.s32 @p1 $0x1  }
0x15: {  	[smem:$0x3FAC] =	sst s0;
	s0 =	simm.s32 @!p2 $0x0  }
0x16: {  	s3 =	sld [smem:$0x3FDB];
	s0 =	simm.s32 @p2 $0x1  }
0x17: {  	s4 =	simm.s32 $0x1BF5;
	[smem:$0x3FAE] =	sst s0  }
0x18: {  	s0 =	sld [smem:$0x3F91];
	_ =	swait.ge [sflag:s4], $0x0  }
0x19: {  	s7 =	sld [smem:$0x3F92]  }
0x1a: {  	s8 =	sadd.s32 $0xFFFFE003, lr  }
0x1b: {  	s9 =	sadd.s32 $0xFFFFFEF7, lr;
	s5 =	simm.s32 $0xFFFFFFFF;
	p2 =	slt.u32 s8, $0xFFFFF086  }
0x1c: {  	p1 =	slt.u32 s9, $0xF7A;
	s5 =	simm.s32 @!p2 $0x0  }
0x1d: {  	s5 =	simm.s32 @p1 $0x1;
	p0 =	seq.s32 s7, s2  }
0x1e: {  	s7 =	smul.u32 @!p0 $0xF7A, s2;
	p2 =	seq.s32 @!p0 s5, $0x0  }
0x1f: {  	s9 =	smul.u32 $0xF7A, s1;
	s8 =	simm.s32 @!p0 $0x1BF5;
	p2 =	por !p2, p0  }
0x20: {  	[sflag:s8] =	ssyncset.s32 @!p0 $0xFFFFF086;
	s6 =	sadd.s32 @!p0 s3, s7;
	s7 =	simm.s32 @!p0 $0x108  }
0x21: {  	s3 =	sadd.s32 s3, s9;
	s6 =	sadd.s32 @!p0 $0x88, s6;
	s7 =	simm.s32 @p2 $0x1082  }
0x22: {  	[simem:s7], [sflag:s8] =	dma.local @!p0 [hbm:s6], $0xF7A  }
0x23: {  	s9 =	sor.u32 $0xD0000000, s2;
	s6 =	simm.s32 $0x108;
	_ =	swait.ge @!p0 [sflag:s8], $0x0  }
0x24: {  	s3 =	sadd.s32 $0x88, s3;
	s6 =	simm.s32 @!p1 $0x1082;
	[sflag:s4] =	ssyncset.s32 $0xFFFFF086  }
0x25: {  	[simem:s6], [sflag:s4] =	dma.local [hbm:s3], $0xF7A  }
0x26: {  	[smem:$0x3F92] =	sst s1;
	(tag) =	ssettag s2;
	_ =	strace s9  }
0x27: {  	s1 =	sld [smem:$0x3FA2]  }
0x28: {  	s2 =	sld [smem:$0x3FA3]  }
0x29: {  	s4 =	sld [smem:$0x3FA5]  }
0x2a: {  	p0 =	seq.s32 s5, $0x0;
	s5 =	sld [smem:$0x3FA6]  }
0x2b: {  	s6 =	sld [smem:$0x3FA7]  }
0x2c: {  	s7 =	sld [smem:$0x3FA8]  }
0x2d: {  	s3 =	simm.s32 $0x108;
	s8 =	sld [smem:$0x3FA9]  }
0x2e: {  	s3 =	simm.s32 @!p0 $0x1082;
	s9 =	sld [smem:$0x3FAA]  }
0x2f: {  	lr =	sadd.s32 s0, s3;
	s0 =	sld [smem:$0x3FA1]  }
0x30: {  	s3 =	sld [smem:$0x3FA4]  }
0x31: {  	[smem:$0x3FAD] =	sst s10  }
0x32: {  	s10 =	sld [smem:$0x3FAB];
	_ =	sdelay $0x3  }
0x33: {  	p0 =	seq.s32 s10, $0x1;
	s10 =	sld [smem:$0x3FAD];
	_ =	sdelay $0x3  }
0x34: {  	[smem:$0x3FAD] =	sst s10  }
0x35: {  	s10 =	sld [smem:$0x3FAC];
	_ =	sdelay $0x3  }
0x36: {  	p1 =	seq.s32 s10, $0x1;
	s10 =	sld [smem:$0x3FAD];
	_ =	sdelay $0x3  }
0x37: {  	[smem:$0x3FAD] =	sst s10  }
0x38: {  	s10 =	sld [smem:$0x3FAE]  }
0x39: {  	_ = 	snop;
	(pc) =	sbr.ind lr, $3  }
0x3a: {  	_ = 	snop  }
0x3b: {  	_ = 	snop  }
0x3c: {  	p2 =	seq.s32 s10, $0x1;
	s10 =	sld [smem:$0x3FAD]  }
0x3d: {  	_ =	shalt  }
0x3e: {  	_ =	shalt  }
0x3f: {  	_ =	shalt  }
0x40: {  	_ =	shalt  }
0x41: {  	_ =	shalt  }
0x42: {  	_ =	shalt  }
0x43: {  	_ =	shalt  }
0x44: {  	_ =	shalt  }
0x45: {  	_ =	shalt  }
0x46: {  	_ =	shalt  }
0x47: {  	_ =	shalt  }
0x48: {  	_ =	shalt  }
0x49: {  	_ =	shalt  }
0x4a: {  	_ =	shalt  }
0x4b: {  	_ =	shalt  }
0x4c: {  	_ =	shalt  }
0x4d: {  	_ =	shalt  }
0x4e: {  	_ =	shalt  }
0x4f: {  	_ =	shalt  }
0x50: {  	_ =	shalt  }
0x51: {  	_ =	shalt  }
0x52: {  	_ =	shalt  }
0x53: {  	_ =	shalt  }
0x54: {  	_ =	shalt  }
0x55: {  	_ =	shalt  }
0x56: {  	_ =	shalt  }
0x57: {  	_ =	shalt  }
0x58: {  	_ =	shalt  }
0x59: {  	_ =	shalt  }
0x5a: {  	_ =	shalt  }
0x5b: {  	_ =	shalt  }
0x5c: {  	_ =	shalt  }
0x5d: {  	_ =	shalt  }
0x5e: {  	_ =	shalt  }
0x5f: {  	_ =	shalt  }
0x60: {  	_ =	shalt  }
0x61: {  	_ =	shalt  }
0x62: {  	_ =	shalt  }
0x63: {  	_ =	shalt  }
0x64: {  	_ =	shalt  }
0x65: {  	_ =	shalt  }
0x66: {  	_ =	shalt  }
0x67: {  	_ =	shalt  }
0x68: {  	_ =	shalt  }
0x69: {  	_ =	shalt  }
0x6a: {  	_ =	shalt  }
0x6b: {  	_ =	shalt  }
0x6c: {  	_ =	shalt  }
0x6d: {  	_ =	shalt  }
0x6e: {  	_ =	shalt  }
0x6f: {  	_ =	shalt  }
0x70: {  	_ =	shalt  }
0x71: {  	_ =	shalt  }
0x72: {  	_ =	shalt  }
0x73: {  	_ =	shalt  }
0x74: {  	_ =	shalt  }
0x75: {  	_ =	shalt  }
0x76: {  	_ =	shalt  }
0x77: {  	_ =	shalt  }
0x78: {  	_ =	shalt  }
0x79: {  	_ =	shalt  }
0x7a: {  	_ =	shalt  }
0x7b: {  	_ =	shalt  }
0x7c: {  	_ =	shalt  }
0x7d: {  	_ =	shalt  }
0x7e: {  	_ =	shalt  }
0x7f: {  	_ =	shalt  }
0x80: {  	_ =	shalt  }
0x81: {  	_ =	shalt  }
0x82: {  	_ =	shalt  }
0x83: {  	_ =	shalt  }
0x84: {  	_ =	shalt  }
0x85: {  	_ =	shalt  }
0x86: {  	_ =	shalt  }
0x87: {  	_ =	shalt  }
.Lfunc_end0:
.L_simem_size_0:
called_computation.4_lowered:
.L_overlay_start_0:
0x88: {  	s2 =	sld [smem:$0x3FD9]  }
0x89: {  	s3 =	sld [smem:$0x3FFE];
	_ =	sdelay $0x1  }
0x8a: {  	s1 =	srdreg.scid  }
0x8b: {  	s0 =	sand.u32 $0x1, s1  }
0x8c: {  	s17 =	sshll.u32 s0, $0xA;
	s2 =	sadd.s32 s3, s2  }
0x8d: {  	s2 =	sadd.s32 s2, s17  }
0x8e: {  	[smem:$0x3FB9] =	sst s2  }
0x8f: {  	_ = 	snop  }
0x90: {  	s2 =	sld [smem:$0x3FD0];
	(tm) =	ssettm $0x1  }
0x91: {  	s18 =	sld [smem:$0x3FFB];
	_ =	sdelay $0x3  }
0x92: {  	_ =	strace s18  }
0x93: {  	s3 =	sld [smem:$0x3FFC];
	_ =	sdelay $0x3  }
0x94: {  	_ =	strace s3  }
0x95: {  	s3 =	sld [smem:$0x3FFD];
	_ =	sdelay $0x3  }
0x96: {  	_ =	strace s3  }
0x97: {  	_ =	strace $0x8FFFFFFF  }
0x98: {  	s19 =	sld [smem:$0x3FDB];
	_ =	sdelay $0x1  }
0x99: {  	s4 =	simm.s32 $_scs_section_size  }
0x9a: {  	s5 =	simm.s32 $_size__tile_overlayer_lowered;
	s6 =	simm.s32 $_tile_overlayer_lowered  }
0x9b: {  	s22 =	simm.s32 $0x1BFF;
	s21 =	sshll.u32 s6, $0x1;
	s3 =	sadd.s32 s4, s19  }
0x9c: {  	s7 =	simm.s32 $0x0;
	s20 =	sshll.u32 s5, $0x1;
	s5 =	sadd.s32 s21, s3  }
0x9d: {  	[timem:s7], [sflag:s22] =	dma.local [hbm:s5], s20  }
0x9e: {  	_ =	swait.ge [sflag:s22], s20  }
0x9f: {  	s4 =	ssub.s32 $0x0, s20;
	[sflag:s22] =	ssyncset.done $0x0  }
0xa0: {  	[sflag:s22] =	ssyncadd.s32 s4;
	_ =	sdelay $0x1  }
0xa1: {  	s23 =	simm.s32 $0x1B8B  }
0xa2: {  	_ =	swait.ge [sflag:s23], $0x1  }
0xa3: {  	[sflag:s23] =	ssyncset.done $0x0  }
0xa4: {  	s25 =	simm.s32 $0x1B8E;
	s24 =	sld [smem:$0x3FFE];
	[sflag:s23] =	ssyncadd.s32 $0xFFFFFFFF  }
0xa5: {  	s26 =	simm.s32 $execute0_lowered;
	[smem:$0x3FD2] =	sst s25  }
0xa6: {  	s5 =	sshll.u32 s26, $0x1;
	_ =	strace $0x8000004F;
	[dreg:$0x1] =	wrdreg $0xFFFFFFFF  }
0xa7: {  	s28 =	simm.s32 $_size_execute0_lowered;
	s3 =	sadd.s32 s3, s5;
	[dreg:$0x0] =	wrdreg $0x0  }
0xa8: {  	s5 =	sshll.u32 s28, $0x1;
	[dreg:$0x2] =	wrdreg s3  }
0xa9: {  	[dreg:$0x3] =	wrdreg s5  }
0xaa: {  	[dreg:$0x4] =	wrdreg $0xC0  }
0xab: {  	_ =	task [dreg:s7], $0x5FFFF  }
0xac: {  	[dreg:$0x1] =	wrdreg $0xFFFFFFFF  }
0xad: {  	[dreg:$0x0] =	wrdreg $0x60  }
0xae: {  	[dreg:$0x2] =	wrdreg s24  }
0xaf: {  	[dreg:$0x3] =	wrdreg s2  }
0xb0: {  	[dreg:$0x4] =	wrdreg $0x9  }
0xb1: {  	_ =	task.clear_ibuf [dreg:s7], $0x5FFFF;
	_ =	strace $0x9000004F  }
0xb2: {  	s29 =	simm.s32 $0x9;
	_ =	strace $0x80000051  }
0xb3: {  	_ =	swait.ge [sflag:s29], $0x1  }
0xb4: {  	[sflag:s29] =	ssyncadd.s32 $0xFFFFFFFF  }
0xb5: {  	_ =	strace $0x90000051  }
0xb6: {  	_ =	sfence  }
0xb7: {  	s30 =	sld [smem:$0x0];
	_ =	sdelay $0x2  }
0xb8: {  	s31 =	sshll.u32 s1, $0xD;
	s1 =	sshrl.u32 s1, $0x2  }
0xb9: {  	s3 =	sand.u32 $0x4000, s31;
	s1 =	sadd.s32 s1, s30  }
0xba: {  	s0 =	sor.u32 s3, s0;
	s1 =	sshll.u32 s1, $0x11  }
0xbb: {  	s0 =	sor.u32 s1, s0  }
0xbc: {  	s0 =	sadd.s32 $0x8F2B, s0  }
0xbd: {  	[sflag:s0] =	ssyncadd.remote.s32 $0x1  }
0xbe: {  	_ =	sfence.sel $0xFFFF  }
0xbf: {  	[dreg:$0x0] =	wrdreg $0xFFFFFFFF;
	(pc) =	sbr.abs _section_cstart, $3  }
0xc0: {  	[dreg:$0x1] =	wrdreg $0xFFFFFFFF  }
0xc1: {  	_ =	task.clear_ibuf [dreg:s7], $0x2FFFF;
	_ =	strace $0x9FFFFFFF  }
0xc2: {  	(tm) =	ssettm $0x7FFFFFFF  }
0xc3: {  	_ =	shalt  }
tec
execute0_lowered:
.L_overlay_start_1:
0x0: {  	(tag) =	ssettag $0x1  }
0x1: {  	s7 =	rddreg [dreg:$0x0]  }
0x2: {  	s0 =	srdreg.scid;
	s2 =	rddreg [dreg:$0x1]  }
0x3: {  	s1 =	stileid.u32;
	s5 =	simm.s32 $0x1;
	s6 =	simm.s32 $0x2  }
0x4: {  	s10 =	simm.s32 $0x3;
	s11 =	simm.s32 $0x0;
	s3 =	sshll.u32 s0, $0xB  }
0x5: {  	s14 =	simm.s32 $0x0;
	s4 =	sshll.u32 s1, $0xC;
	s3 =	sand.u32 $0x800, s3  }
0x6: {  	s0 =	rddreg [dreg:$0x2];
	_ =	strace $0x80000050;
	s3 =	sor.u32 s4, s3  }
0x7: {  	s13 =	simm.s32 $0x0;
	[sflag:s5] =	ssyncpa.u1 $0x0;
	s8 =	ssub.s32 $0x20000, s3  }
.Ltmp0:
0x8: {  	s4 =	sadd.s32 $0x208000, s7;
	s9 =	sand.u32 $0xF800, s8;
	(pc) =	sbr.rel .LBB2_1-.Ltmp0, $4  }
0x9: {  	[sflag:s6] =	ssyncpa.u1 $0x0;
	p0 =	sne.s32 s9, $0x0;
	s9 =	simm.s32 $0x1  }
0xa: {  	s7 =	sadd.s32 $0xC000, s7;
	s8 =	sshrl.u32 s8, $0x10;
	s9 =	simm.s32 @!p0 $0x0  }
0xb: {  	[sflag:s10] =	ssyncpa.u1 $0x0;
	s12 =	smov.u32 s3;
	s8 =	sadd.s32 s9, s8  }
0xc: {  	vm0 =	vmmov $0xffff;
	v0 =	vlaneseq.u32;
	p0 =	por $0x0, $0x0;
	s9 =	sadd.s32 $0x20000, s2;
	s10 =	sadd.s32 $0x1, s8  }
.LBB2_4:
0xd: {  	_ =	sdelay $0x1  }
0xe: {  	(ifvalue) =	ssetifvalue $0x7FFFFFFF  }
0xf: {  	s17 =	sshll.u32 s14, $0x3;
	(ifvalue) =	ssetifvalue $0x7FFFFFFF  }
0x10: {  	[tilespmem:s23], [sflag:$0x1] =	stream.indirect_vreg.gather [hbm4b:s4+s11], $0x1, v1, vm0, $0x4038;
	[tilespmem:$0x11000] =	vst v63  }
0x11: {  	s30 =	sand.u32 $0x78, s14;
	s17 =	sand.u32 $0xFFFFFC00, s17  }
0x12: {  	_ =	swait.ge [sflag:s5], $0x8000;
	s14 =	sor.u32 s30, s17  }
0x13: {  	[sflag:s5] =	ssyncset.done $0x0;
	s14 =	sshrl.u32 s14, $0x3  }
0x14: {  	[sflag:s5] =	ssyncadd.s32 $0xFFFF8000;
	s31 =	sadd.s32 s2, s14  }
0x15: {  	[hbm:s31] =	stream.linear.scatter [tilespmem:s16], [sflag:$0x3], $0x4000, $0x38;
	[tilespmem:$0x11000] =	vst v63  }
0x16: {  	s15 =	sadd.s32 $0x5000, s15;
	s14 =	sadd.s32 s14, s9  }
0x17: {  	[hbm:s14] =	stream.linear.scatter [tilespmem:s15], [sflag:$0x3], $0x4000, $0x38;
	[tilespmem:$0x11000] =	vst v63  }
.LBB2_5:
0x18: {  	s16 =	sadd.s32 $0x10000, s12  }
0x19: {  	p2 =	sgt.s32 s16, $0x1FFFF  }
0x1a: {  	s16 =	smov.u32 @p2 s3;
	p2 =	sne.s32 s13, s10  }
.Ltmp1:
0x1b: {  	p1 =	slt.u32 s13, $0x2;
	(pc) =	sbr.rel @!p2 .LBB2_6-.Ltmp1, $4  }
0x1c: {  	s15 =	simm.s32 @!p1 $0x3  }
0x1d: {  	s17 =	sadd.s32 $0x1, s13;
	_ =	swait.ge @!p1 [sflag:s15], $0x8000  }
0x1e: {  	s14 =	smov.u32 s12;
	p0 =	por !p0, !p0;
	[sflag:s15] =	ssyncset.done @!p1 $0x0  }
0x1f: {  	s13 =	smov.u32 s17;
	s12 =	smov.u32 s16;
	[sflag:s15] =	ssyncadd.s32 @!p1 $0xFFFF8000  }
.LBB2_1:
0x20: {  	p1 =	sge.u32 s13, s8  }
0x21: {  	s15 =	sxor.u32 @!p1 $0xFFFFFFFF, s13  }
0x22: {  	s31 =	sadd.s32 $0xFFFFFFFF, s13;
	s16 =	sshrl.u32 @!p1 s12, $0x3;
	s15 =	sshll.u32 @!p1 s15, $0xB  }
0x23: {  	s17 =	sand.u32 @!p1 $0x7, s12;
	s16 =	sadd.s32 @!p1 s7, s16;
	s15 =	sand.u32 @!p1 $0x800, s15  }
0x24: {  	[tilespmem:s15], [sflag:$0x2] =	stream.linear.gather @!p1 [hbm4b:s16+s17], $0x800, $0x38;
	[tilespmem:$0x11000] =	vst v63  }
0x25: {  	p1 =	sge.u32 s31, s8  }
.Ltmp2:
0x26: {  	_ = 	snop;
	(pc) =	sbr.rel @p1 .LBB2_5-.Ltmp2, $1  }
0x27: {  	_ =	sdelay $0x3  }
0x28: {  	s15 =	simm.s32 $0x1;
	_ =	swait.ge [sflag:s6], $0x800  }
0x29: {  	s15 =	simm.s32 @!p0 $0x0;
	[sflag:s6] =	ssyncset.done $0x0  }
0x2a: {  	s19 =	sshll.u32 s15, $0xB;
	[sflag:s6] =	ssyncadd.s32 $0xFFFFF800  }
0x2b: {  	v1 =	vld.msk [tilespmem:s19+$0x0 ss:$0x1], $0xffff;
	_ =	sdelay $0x3  }
0x2c: {  	s20 =	ssub.s32 $0x20000, s14  }
0x2d: {  	p1 =	slt.s32 s20, $0x800;
	v2 =	vshrl.u32 v1, $0xA  }
0x2e: {  	s20 =	simm.s32 @!p1 $0x800;
	vm1 =	veq.s32 v1, $0x80000000;
	v2 =	vand.u32 $0x3FF, v2  }
0x2f: {  	p1 =	sgt.s32 s20, $0x0;
	s15 =	smov.u32 s20;
	v1 =	vshll.u32 v1, $0xE;
	v2 =	vsel vm1, $0xFFFFFFFF, v2  }
0x30: {  	s15 =	simm.s32 @!p1 $0x0;
	v1 =	vand.u32 $0xFFC000, v1;
	v3 =	vshll.u32 v2, $0x3  }
0x31: {  	s15 =	smin.u32 s15, $0x10;
	v1 =	vsel vm1, $0xFFFFC000, v1;
	v3 =	vand.u32 $0xFFFFFC00, v3  }
0x32: {  	v4 =	vmov s15;
	v2 =	vand.u32 $0x7F, v2;
	v1 =	vadd.s32 v1, v3  }
0x33: {  	vm1 =	vgt.u32 v4, v0;
	v1 =	vor.u32 v2, v1  }
0x34: {  	s26 =	sshll.u32 s13, $0xF;
	v2 =	vnsel vm1, $0x7FFFFFFF, v1  }
0x35: {  	s18 =	simm.s32 $0x0;
	s15 =	sand.u32 $0x8000, s26  }
0x36: {  	s17 =	simm.s32 $0x0;
	s18 =	sand.u32 $0x3C00, s18;
	s16 =	sor.u32 $0x1000, s15;
	v3 =	vor.u32 $0x80, v1  }
0x37: {  	s21 =	sand.u32 $0x70, s17;
	(ifvalue) =	ssetifvalue $0x7FFFFFFF;
	s18 =	sadd.s32 s18, s16;
	v3 =	vnsel vm1, $0x7FFFFFFF, v3  }
0x38: {  	(ifvalue) =	ssetifvalue $0x7FFFFFFF;
	s21 =	sadd.s32 s21, s18  }
0x39: {  	v51 =	vor.u32 $0x100, v1;
	[tilespmem:s21], [sflag:$0x1] =	stream.indirect_vreg.gather [hbm4b:s4+s11], $0x1, v2, vm0, $0x4038;
	[tilespmem:$0x11000] =	vst v63  }
0x3a: {  	v2 =	vnsel vm1, $0x7FFFFFFF, v51;
	(ifvalue) =	ssetifvalue $0x7FFFFFFF  }
0x3b: {  	s18 =	sadd.s32 $0x80, s21;
	(ifvalue) =	ssetifvalue $0x7FFFFFFF  }
0x3c: {  	v52 =	vor.u32 $0x180, v1;
	[tilespmem:s18], [sflag:$0x1] =	stream.indirect_vreg.gather [hbm4b:s4+s11], $0x1, v3, vm0, $0x4038;
	[tilespmem:$0x11000] =	vst v63  }
0x3d: {  	v3 =	vnsel vm1, $0x7FFFFFFF, v52;
	(ifvalue) =	ssetifvalue $0x7FFFFFFF  }
0x3e: {  	s28 =	sadd.s32 $0x100, s21;
	(ifvalue) =	ssetifvalue $0x7FFFFFFF  }
0x3f: {  	v53 =	vor.u32 $0x200, v1;
	[tilespmem:s28], [sflag:$0x1] =	stream.indirect_vreg.gather [hbm4b:s4+s11], $0x1, v2, vm0, $0x4038;
	[tilespmem:$0x11000] =	vst v63  }
0x40: {  	v2 =	vnsel vm1, $0x7FFFFFFF, v53;
	(ifvalue) =	ssetifvalue $0x7FFFFFFF  }
0x41: {  	s29 =	sadd.s32 $0x180, s21;
	(ifvalue) =	ssetifvalue $0x7FFFFFFF  }
0x42: {  	v54 =	vor.u32 $0x280, v1;
	[tilespmem:s29], [sflag:$0x1] =	stream.indirect_vreg.gather [hbm4b:s4+s11], $0x1, v3, vm0, $0x4038;
	[tilespmem:$0x11000] =	vst v63  }
0x43: {  	v3 =	vnsel vm1, $0x7FFFFFFF, v54;
	(ifvalue) =	ssetifvalue $0x7FFFFFFF  }
0x44: {  	s30 =	sadd.s32 $0x200, s21;
	(ifvalue) =	ssetifvalue $0x7FFFFFFF  }
0x45: {  	v55 =	vor.u32 $0x300, v1;
	[tilespmem:s30], [sflag:$0x1] =	stream.indirect_vreg.gather [hbm4b:s4+s11], $0x1, v2, vm0, $0x4038;
	[tilespmem:$0x11000] =	vst v63  }
0x46: {  	v2 =	vnsel vm1, $0x7FFFFFFF, v55;
	(ifvalue) =	ssetifvalue $0x7FFFFFFF  }
0x47: {  	s31 =	sand.u32 $0x7, s17;
	s22 =	sadd.s32 $0x280, s21;
	(ifvalue) =	ssetifvalue $0x7FFFFFFF  }
0x48: {  	v56 =	vor.u32 $0x380, v1;
	[tilespmem:s22], [sflag:$0x1] =	stream.indirect_vreg.gather [hbm4b:s4+s11], $0x1, v3, vm0, $0x4038;
	[tilespmem:$0x11000] =	vst v63  }
0x49: {  	s18 =	sshll.u32 s31, $0x4;
	v3 =	vnsel vm1, $0x7FFFFFFF, v56;
	(ifvalue) =	ssetifvalue $0x7FFFFFFF  }
0x4a: {  	s23 =	sadd.s32 $0x300, s21;
	s18 =	sadd.s32 $0x0, s18;
	(ifvalue) =	ssetifvalue $0x7FFFFFFF  }
0x4b: {  	v57 =	vadd.s32 $0x2000, v1;
	[tilespmem:s23], [sflag:$0x1] =	stream.indirect_vreg.gather [hbm4b:s4+s11], $0x1, v2, vm0, $0x4038;
	[tilespmem:$0x11000] =	vst v63  }
0x4c: {  	s18 =	sor.u32 $0x380, s18;
	v2 =	vnsel vm1, $0x7FFFFFFF, v57;
	(ifvalue) =	ssetifvalue $0x7FFFFFFF  }
0x4d: {  	s18 =	sadd.s32 s18, s16;
	(ifvalue) =	ssetifvalue $0x7FFFFFFF  }
0x4e: {  	v58 =	vadd.s32 $0x2080, v1;
	[tilespmem:s18], [sflag:$0x1] =	stream.indirect_vreg.gather [hbm4b:s4+s11], $0x1, v3, vm0, $0x4038;
	[tilespmem:$0x11000] =	vst v63  }
0x4f: {  	v3 =	vnsel vm1, $0x7FFFFFFF, v58;
	(ifvalue) =	ssetifvalue $0x7FFFFFFF  }
0x50: {  	s24 =	sadd.s32 $0x4000, s21;
	(ifvalue) =	ssetifvalue $0x7FFFFFFF  }
0x51: {  	v59 =	vadd.s32 $0x2100, v1;
	[tilespmem:s24], [sflag:$0x1] =	stream.indirect_vreg.gather [hbm4b:s4+s11], $0x1, v2, vm0, $0x4038;
	[tilespmem:$0x11000] =	vst v63  }
0x52: {  	v2 =	vnsel vm1, $0x7FFFFFFF, v59;
	(ifvalue) =	ssetifvalue $0x7FFFFFFF  }
0x53: {  	s25 =	sadd.s32 $0x4080, s21;
	(ifvalue) =	ssetifvalue $0x7FFFFFFF  }
0x54: {  	v60 =	vadd.s32 $0x2180, v1;
	[tilespmem:s25], [sflag:$0x1] =	stream.indirect_vreg.gather [hbm4b:s4+s11], $0x1, v3, vm0, $0x4038;
	[tilespmem:$0x11000] =	vst v63  }
0x55: {  	v3 =	vnsel vm1, $0x7FFFFFFF, v60;
	(ifvalue) =	ssetifvalue $0x7FFFFFFF  }
0x56: {  	s26 =	sadd.s32 $0x4100, s21;
	(ifvalue) =	ssetifvalue $0x7FFFFFFF  }
0x57: {  	v61 =	vadd.s32 $0x2200, v1;
	[tilespmem:s26], [sflag:$0x1] =	stream.indirect_vreg.gather [hbm4b:s4+s11], $0x1, v2, vm0, $0x4038;
	[tilespmem:$0x11000] =	vst v63  }
0x58: {  	v2 =	vnsel vm1, $0x7FFFFFFF, v61;
	(ifvalue) =	ssetifvalue $0x7FFFFFFF  }
0x59: {  	s28 =	sadd.s32 $0x4180, s21;
	(ifvalue) =	ssetifvalue $0x7FFFFFFF  }
0x5a: {  	v62 =	vadd.s32 $0x2280, v1;
	[tilespmem:s28], [sflag:$0x1] =	stream.indirect_vreg.gather [hbm4b:s4+s11], $0x1, v3, vm0, $0x4038;
	[tilespmem:$0x11000] =	vst v63  }
0x5b: {  	v3 =	vnsel vm1, $0x7FFFFFFF, v62;
	(ifvalue) =	ssetifvalue $0x7FFFFFFF  }
0x5c: {  	s29 =	sadd.s32 $0x4200, s21;
	(ifvalue) =	ssetifvalue $0x7FFFFFFF  }
0x5d: {  	v63 =	vadd.s32 $0x2300, v1;
	[tilespmem:s29], [sflag:$0x1] =	stream.indirect_vreg.gather [hbm4b:s4+s11], $0x1, v2, vm0, $0x4038;
	[tilespmem:$0x11000] =	vst v63  }
0x5e: {  	s19 =	sadd.s32 $0x10, s19;
	s20 =	sadd.s32 $0xFFFFFFF0, s20;
	v2 =	vnsel vm1, $0x7FFFFFFF, v63;
	(ifvalue) =	ssetifvalue $0x7FFFFFFF  }
0x5f: {  	s31 =	sadd.s32 $0x4300, s21;
	s30 =	sadd.s32 $0x4280, s21;
	(ifvalue) =	ssetifvalue $0x7FFFFFFF  }
0x60: {  	[tilespmem:s30], [sflag:$0x1] =	stream.indirect_vreg.gather [hbm4b:s4+s11], $0x1, v3, vm0, $0x4038;
	[tilespmem:$0x11000] =	vst v63  }
0x61: {  	v1 =	vadd.s32 $0x2380, v1;
	s22 =	simm.s32 $0x0;
	s23 =	sadd.s32 $0x4380, s21;
	(ifvalue) =	ssetifvalue $0x7FFFFFFF  }
0x62: {  	v1 =	vnsel vm1, $0x7FFFFFFF, v1;
	s21 =	simm.s32 $0xFFFFC080;
	s18 =	simm.s32 $0x10;
	(ifvalue) =	ssetifvalue $0x7FFFFFFF  }
0x63: {  	[tilespmem:s31], [sflag:$0x1] =	stream.indirect_vreg.gather [hbm4b:s4+s11], $0x1, v2, vm0, $0x4038;
	[tilespmem:$0x11000] =	vst v63  }
.LBB2_3:
0x64: {  	(ifvalue) =	ssetifvalue $0x7FFFFFFF  }
0x65: {  	s17 =	sadd.s32 $0x80, s17;
	s22 =	sadd.s32 $0x1, s22;
	s24 =	smov.u32 s18  }
0x66: {  	p1 =	sne.s32 s18, $0x7F0;
	s18 =	sadd.s32 $0x10, s18;
	(ifvalue) =	ssetifvalue $0x7FFFFFFF  }
0x67: {  	[tilespmem:s23], [sflag:$0x1] =	stream.indirect_vreg.gather [hbm4b:s4+s11], $0x1, v1, vm0, $0x4038;
	[tilespmem:$0x11000] =	vst v63  }
0x68: {  	v1 =	vld.msk [tilespmem:s19+$0x0 ss:$0x1], $0xffff;
	_ =	sdelay $0x5  }
0x69: {  	p2 =	sgt.s32 s20, $0x0;
	s23 =	smov.u32 s20;
	v2 =	vshrl.u32 v1, $0xA;
	v3 =	vshll.u32 v1, $0xE  }
0x6a: {  	s23 =	simm.s32 @!p2 $0x0;
	vm1 =	veq.s32 v1, $0x80000000;
	v1 =	vand.u32 $0x3FF, v2;
	v2 =	vand.u32 $0xFFC000, v3  }
0x6b: {  	s23 =	smin.u32 s23, $0x10;
	v1 =	vsel vm1, $0xFFFFFFFF, v1;
	v2 =	vsel vm1, $0xFFFFC000, v2  }
0x6c: {  	v4 =	vmov s23;
	v3 =	vand.u32 $0x7F, v1;
	v1 =	vshll.u32 v1, $0x3  }
0x6d: {  	vm1 =	vgt.u32 v4, v0;
	v1 =	vand.u32 $0xFFFFFC00, v1  }
0x6e: {  	v1 =	vadd.s32 v2, v1  }
0x6f: {  	s23 =	sadd.s32 $0x4000, s21;
	v1 =	vor.u32 v3, v1  }
0x70: {  	s23 =	sand.u32 $0x3C00, s23;
	v2 =	vnsel vm1, $0x7FFFFFFF, v1;
	v3 =	vor.u32 $0x80, v1;
	v4 =	vor.u32 $0x100, v1  }
0x71: {  	s24 =	sand.u32 $0x70, s24;
	s23 =	sadd.s32 s23, s16;
	v5 =	vor.u32 $0x180, v1;
	v3 =	vnsel vm1, $0x7FFFFFFF, v3;
	v4 =	vnsel vm1, $0x7FFFFFFF, v4;
	(ifvalue) =	ssetifvalue $0x7FFFFFFF  }
0x72: {  	s23 =	sadd.s32 s24, s23;
	v6 =	vor.u32 $0x200, v1;
	v7 =	vor.u32 $0x280, v1;
	v5 =	vnsel vm1, $0x7FFFFFFF, v5;
	(ifvalue) =	ssetifvalue $0x7FFFFFFF  }
0x73: {  	v8 =	vor.u32 $0x300, v1;
	v6 =	vnsel vm1, $0x7FFFFFFF, v6;
	v7 =	vnsel vm1, $0x7FFFFFFF, v7  }
0x74: {  	v9 =	vor.u32 $0x380, v1;
	v10 =	vadd.s32 $0x2000, v1;
	v8 =	vnsel vm1, $0x7FFFFFFF, v8  }
0x75: {  	[tilespmem:s23], [sflag:$0x1] =	stream.indirect_vreg.gather [hbm4b:s4+s11], $0x1, v2, vm0, $0x4038;
	v2 =	vnsel vm1, $0x7FFFFFFF, v9;
	v9 =	vnsel vm1, $0x7FFFFFFF, v10;
	v10 =	vadd.s32 $0x2080, v1;
	[tilespmem:$0x11000] =	vst v63  }
0x76: {  	v11 =	vadd.s32 $0x2100, v1;
	v12 =	vadd.s32 $0x2180, v1;
	(ifvalue) =	ssetifvalue $0x7FFFFFFF;
	v10 =	vnsel vm1, $0x7FFFFFFF, v10  }
0x77: {  	s24 =	sadd.s32 $0x80, s23;
	v13 =	vadd.s32 $0x2200, v1;
	v11 =	vnsel vm1, $0x7FFFFFFF, v11;
	v12 =	vnsel vm1, $0x7FFFFFFF, v12;
	(ifvalue) =	ssetifvalue $0x7FFFFFFF  }
0x78: {  	v14 =	vadd.s32 $0x2300, v1;
	[tilespmem:s24], [sflag:$0x1] =	stream.indirect_vreg.gather [hbm4b:s4+s11], $0x1, v3, vm0, $0x4038;
	v3 =	vnsel vm1, $0x7FFFFFFF, v13;
	v13 =	vadd.s32 $0x2280, v1;
	[tilespmem:$0x11000] =	vst v63  }
0x79: {  	v14 =	vnsel vm1, $0x7FFFFFFF, v14;
	v1 =	vadd.s32 $0x2380, v1;
	(ifvalue) =	ssetifvalue $0x7FFFFFFF;
	v13 =	vnsel vm1, $0x7FFFFFFF, v13  }
0x7a: {  	s24 =	sadd.s32 $0x100, s23;
	v1 =	vnsel vm1, $0x7FFFFFFF, v1;
	(ifvalue) =	ssetifvalue $0x7FFFFFFF  }
0x7b: {  	[tilespmem:s24], [sflag:$0x1] =	stream.indirect_vreg.gather [hbm4b:s4+s11], $0x1, v4, vm0, $0x4038;
	[tilespmem:$0x11000] =	vst v63  }
0x7c: {  	(ifvalue) =	ssetifvalue $0x7FFFFFFF  }
0x7d: {  	s24 =	sadd.s32 $0x180, s23;
	(ifvalue) =	ssetifvalue $0x7FFFFFFF  }
0x7e: {  	[tilespmem:s24], [sflag:$0x1] =	stream.indirect_vreg.gather [hbm4b:s4+s11], $0x1, v5, vm0, $0x4038;
	[tilespmem:$0x11000] =	vst v63  }
0x7f: {  	(ifvalue) =	ssetifvalue $0x7FFFFFFF  }
0x80: {  	s24 =	sadd.s32 $0x200, s23;
	(ifvalue) =	ssetifvalue $0x7FFFFFFF  }
0x81: {  	[tilespmem:s24], [sflag:$0x1] =	stream.indirect_vreg.gather [hbm4b:s4+s11], $0x1, v6, vm0, $0x4038;
	[tilespmem:$0x11000] =	vst v63  }
0x82: {  	(ifvalue) =	ssetifvalue $0x7FFFFFFF  }
0x83: {  	s25 =	sadd.s32 $0x280, s23;
	s24 =	sand.u32 $0x7, s22;
	(ifvalue) =	ssetifvalue $0x7FFFFFFF  }
0x84: {  	[tilespmem:s25], [sflag:$0x1] =	stream.indirect_vreg.gather [hbm4b:s4+s11], $0x1, v7, vm0, $0x4038;
	[tilespmem:$0x11000] =	vst v63  }
0x85: {  	s24 =	sshll.u32 s24, $0x4;
	(ifvalue) =	ssetifvalue $0x7FFFFFFF  }
0x86: {  	s24 =	sadd.s32 s24, s17;
	s25 =	sadd.s32 $0x300, s23;
	(ifvalue) =	ssetifvalue $0x7FFFFFFF  }
0x87: {  	[tilespmem:s25], [sflag:$0x1] =	stream.indirect_vreg.gather [hbm4b:s4+s11], $0x1, v8, vm0, $0x4038;
	[tilespmem:$0x11000] =	vst v63  }
0x88: {  	s24 =	sor.u32 $0x380, s24;
	(ifvalue) =	ssetifvalue $0x7FFFFFFF  }
0x89: {  	s24 =	sadd.s32 s24, s16;
	(ifvalue) =	ssetifvalue $0x7FFFFFFF  }
0x8a: {  	[tilespmem:s24], [sflag:$0x1] =	stream.indirect_vreg.gather [hbm4b:s4+s11], $0x1, v2, vm0, $0x4038;
	[tilespmem:$0x11000] =	vst v63  }
0x8b: {  	(ifvalue) =	ssetifvalue $0x7FFFFFFF  }
0x8c: {  	s24 =	sadd.s32 $0x4000, s23;
	(ifvalue) =	ssetifvalue $0x7FFFFFFF  }
0x8d: {  	[tilespmem:s24], [sflag:$0x1] =	stream.indirect_vreg.gather [hbm4b:s4+s11], $0x1, v9, vm0, $0x4038;
	[tilespmem:$0x11000] =	vst v63  }
0x8e: {  	(ifvalue) =	ssetifvalue $0x7FFFFFFF  }
0x8f: {  	s25 =	sadd.s32 $0x4100, s23;
	s24 =	sadd.s32 $0x4080, s23;
	(ifvalue) =	ssetifvalue $0x7FFFFFFF  }
0x90: {  	[tilespmem:s24], [sflag:$0x1] =	stream.indirect_vreg.gather [hbm4b:s4+s11], $0x1, v10, vm0, $0x4038;
	[tilespmem:$0x11000] =	vst v63  }
0x91: {  	(ifvalue) =	ssetifvalue $0x7FFFFFFF  }
0x92: {  	(ifvalue) =	ssetifvalue $0x7FFFFFFF  }
0x93: {  	[tilespmem:s25], [sflag:$0x1] =	stream.indirect_vreg.gather [hbm4b:s4+s11], $0x1, v11, vm0, $0x4038;
	[tilespmem:$0x11000] =	vst v63  }
0x94: {  	(ifvalue) =	ssetifvalue $0x7FFFFFFF  }
0x95: {  	s24 =	sadd.s32 $0x4180, s23;
	s25 =	sadd.s32 $0x4200, s23;
	(ifvalue) =	ssetifvalue $0x7FFFFFFF  }
0x96: {  	[tilespmem:s24], [sflag:$0x1] =	stream.indirect_vreg.gather [hbm4b:s4+s11], $0x1, v12, vm0, $0x4038;
	[tilespmem:$0x11000] =	vst v63  }
0x97: {  	(ifvalue) =	ssetifvalue $0x7FFFFFFF  }
0x98: {  	s24 =	sadd.s32 $0x4280, s23;
	(ifvalue) =	ssetifvalue $0x7FFFFFFF  }
0x99: {  	[tilespmem:s25], [sflag:$0x1] =	stream.indirect_vreg.gather [hbm4b:s4+s11], $0x1, v3, vm0, $0x4038;
	[tilespmem:$0x11000] =	vst v63  }
0x9a: {  	(ifvalue) =	ssetifvalue $0x7FFFFFFF  }
.Ltmp3:
0x9b: {  	s25 =	sadd.s32 $0x4300, s23;
	(ifvalue) =	ssetifvalue $0x7FFFFFFF;
	(pc) =	sbr.rel @p1 .LBB2_3-.Ltmp3, $4  }
0x9c: {  	[tilespmem:s24], [sflag:$0x1] =	stream.indirect_vreg.gather [hbm4b:s4+s11], $0x1, v13, vm0, $0x4038;
	[tilespmem:$0x11000] =	vst v63  }
0x9d: {  	s20 =	sadd.s32 $0xFFFFFFF0, s20;
	s19 =	sadd.s32 $0x10, s19;
	(ifvalue) =	ssetifvalue $0x7FFFFFFF  }
0x9e: {  	s21 =	sadd.s32 $0x80, s21;
	s23 =	sadd.s32 $0x4380, s23;
	(ifvalue) =	ssetifvalue $0x7FFFFFFF  }
0x9f: {  	[tilespmem:s25], [sflag:$0x1] =	stream.indirect_vreg.gather [hbm4b:s4+s11], $0x1, v14, vm0, $0x4038;
	[tilespmem:$0x11000] =	vst v63  }
.Ltmp4:
0xa0: {  	_ = 	snop;
	(pc) =	sbr.rel .LBB2_4-.Ltmp4, $1  }
0xa1: {  	_ =	sdelay $0x3  }
.LBB2_6:
0xa2: {  	_ =	sfence.sel $0x180000  }
0xa3: {  	s2 =	simm.s32 $0x2;
	[bflag:$0x0] =	sbarrier.arrive $0xFFFF  }
0xa4: {  	s30 =	simm.s32 $0x3;
	[sflag:s2] =	ssyncpa.u1 $0x1  }
0xa5: {  	s31 =	simm.s32 $0x1;
	[sflag:s30] =	ssyncpa.u1 $0x1  }
0xa6: {  	[sflag:s31] =	ssyncpa.u1 $0x1  }
0xa7: {  	p0 =	sne.s32 s1, $0x0;
	_ =	strace $0x90000050  }
0xa8: {  	s0 =	sadd.s32 @!p0 $0x100000, s0;
	[bflag:$0x2] =	sbarrier.arrive $0xFFFF  }
0xa9: {  	[sflag:s0] =	ssyncadd.tile.s32 @!p0 $0x1;
	_ =	shalt  }
.Lfunc_end2:
_tile_overlayer_lowered:
.L_overlay_start_2:
0xaa: {  	(tag) =	ssettag $0x2  }
0xab: {  	s0 =	rddreg [dreg:$0x0];
	s2 =	stileid.u32  }
0xac: {  	s1 =	rddreg [dreg:$0x1];
	p0 =	sne.s32 s2, $0x0  }
0xad: {  	s3 =	rddreg [dreg:$0x2];
	[bflag:$0x3] =	sbarrier.arrive $0xFFFF;
	s2 =	simm.s32 @!p0 $0x1C01  }
0xae: {  	[timem:s3], [sflag:s2] =	dma.local @!p0 [hbm:s0], s1  }
0xaf: {  	s0 =	simm.s32 @!p0 $0x1  }
0xb0: {  	_ =	swait.ge @!p0 [sflag:s0], s1  }
0xb1: {  	s1 =	ssub.s32 @!p0 $0x0, s1;
	[sflag:s0] =	ssyncset.done @!p0 $0x0  }
0xb2: {  	[sflag:s0] =	ssyncadd.s32 @!p0 s1  }
0xb3: {  	[bflag:$0x3] =	sbarrier.arrive $0xFFFF  }
0xb4: {  	_ =	shalt  }

// kernel: gather_offload_async_start.3
scs
__scs_entry_jumppad:
0x0: {  	(pc) =	sbr.rel $0x88, $3  }
0x1: {  	(tag) =	ssettag $0x0;
	lr =	simm.s32 $0x1  }
0x2: {  	[smem:$0x3F92] =	sst lr;
	_ =	strace $0xD0000000  }
0x3: {  	_ = 	snop  }
0x4: {  	_ = 	snop  }
0x5: {  	_ = 	snop  }
0x6: {  	_ = 	snop  }
0x7: {  	_ = 	snop  }
__scs_overlays_trampoline_lowered:
0x8: {  	[smem:$0x3FA1] =	sst s0  }
0x9: {  	[smem:$0x3FA2] =	sst s1  }
0xa: {  	[smem:$0x3FA3] =	sst s2  }
0xb: {  	[smem:$0x3FA4] =	sst s3  }
0xc: {  	[smem:$0x3FA5] =	sst s4  }
0xd: {  	[smem:$0x3FA6] =	sst s5  }
0xe: {  	[smem:$0x3FA7] =	sst s6  }
0xf: {  	[smem:$0x3FA8] =	sst s7  }
0x10: {  	[smem:$0x3FA9] =	sst s8  }
0x11: {  	[smem:$0x3FAA] =	sst s9;
	s0 =	simm.s32 @!p0 $0x0  }
0x12: {  	s1 =	sld [smem:$0x3F90];
	s0 =	simm.s32 @p0 $0x1  }
0x13: {  	[smem:$0x3FAB] =	sst s0;
	s0 =	simm.s32 @!p1 $0x0  }
0x14: {  	s2 =	sld [smem:$0x3F8F];
	s0 =	simm.s32 @p1 $0x1  }
0x15: {  	[smem:$0x3FAC] =	sst s0;
	s0 =	simm.s32 @!p2 $0x0  }
0x16: {  	s3 =	sld [smem:$0x3FDB];
	s0 =	simm.s32 @p2 $0x1  }
0x17: {  	s4 =	simm.s32 $0x1BF5;
	[smem:$0x3FAE] =	sst s0  }
0x18: {  	s0 =	sld [smem:$0x3F91];
	_ =	swait.ge [sflag:s4], $0x0  }
0x19: {  	s7 =	sld [smem:$0x3F92]  }
0x1a: {  	s8 =	sadd.s32 $0xFFFFE003, lr  }
0x1b: {  	s9 =	sadd.s32 $0xFFFFFEF7, lr;
	s5 =	simm.s32 $0xFFFFFFFF;
	p2 =	slt.u32 s8, $0xFFFFF086  }
0x1c: {  	p1 =	slt.u32 s9, $0xF7A;
	s5 =	simm.s32 @!p2 $0x0  }
0x1d: {  	s5 =	simm.s32 @p1 $0x1;
	p0 =	seq.s32 s7, s2  }
0x1e: {  	s7 =	smul.u32 @!p0 $0xF7A, s2;
	p2 =	seq.s32 @!p0 s5, $0x0  }
0x1f: {  	s9 =	smul.u32 $0xF7A, s1;
	s8 =	simm.s32 @!p0 $0x1BF5;
	p2 =	por !p2, p0  }
0x20: {  	[sflag:s8] =	ssyncset.s32 @!p0 $0xFFFFF086;
	s6 =	sadd.s32 @!p0 s3, s7;
	s7 =	simm.s32 @!p0 $0x108  }
0x21: {  	s3 =	sadd.s32 s3, s9;
	s6 =	sadd.s32 @!p0 $0x88, s6;
	s7 =	simm.s32 @p2 $0x1082  }
0x22: {  	[simem:s7], [sflag:s8] =	dma.local @!p0 [hbm:s6], $0xF7A  }
0x23: {  	s9 =	sor.u32 $0xD0000000, s2;
	s6 =	simm.s32 $0x108;
	_ =	swait.ge @!p0 [sflag:s8], $0x0  }
0x24: {  	s3 =	sadd.s32 $0x88, s3;
	s6 =	simm.s32 @!p1 $0x1082;
	[sflag:s4] =	ssyncset.s32 $0xFFFFF086  }
0x25: {  	[simem:s6], [sflag:s4] =	dma.local [hbm:s3], $0xF7A  }
0x26: {  	[smem:$0x3F92] =	sst s1;
	(tag) =	ssettag s2;
	_ =	strace s9  }
0x27: {  	s1 =	sld [smem:$0x3FA2]  }
0x28: {  	s2 =	sld [smem:$0x3FA3]  }
0x29: {  	s4 =	sld [smem:$0x3FA5]  }
0x2a: {  	p0 =	seq.s32 s5, $0x0;
	s5 =	sld [smem:$0x3FA6]  }
0x2b: {  	s6 =	sld [smem:$0x3FA7]  }
0x2c: {  	s7 =	sld [smem:$0x3FA8]  }
0x2d: {  	s3 =	simm.s32 $0x108;
	s8 =	sld [smem:$0x3FA9]  }
0x2e: {  	s3 =	simm.s32 @!p0 $0x1082;
	s9 =	sld [smem:$0x3FAA]  }
0x2f: {  	lr =	sadd.s32 s0, s3;
	s0 =	sld [smem:$0x3FA1]  }
0x30: {  	s3 =	sld [smem:$0x3FA4]  }
0x31: {  	[smem:$0x3FAD] =	sst s10  }
0x32: {  	s10 =	sld [smem:$0x3FAB];
	_ =	sdelay $0x3  }
0x33: {  	p0 =	seq.s32 s10, $0x1;
	s10 =	sld [smem:$0x3FAD];
	_ =	sdelay $0x3  }
0x34: {  	[smem:$0x3FAD] =	sst s10  }
0x35: {  	s10 =	sld [smem:$0x3FAC];
	_ =	sdelay $0x3  }
0x36: {  	p1 =	seq.s32 s10, $0x1;
	s10 =	sld [smem:$0x3FAD];
	_ =	sdelay $0x3  }
0x37: {  	[smem:$0x3FAD] =	sst s10  }
0x38: {  	s10 =	sld [smem:$0x3FAE]  }
0x39: {  	_ = 	snop;
	(pc) =	sbr.ind lr, $3  }
0x3a: {  	_ = 	snop  }
0x3b: {  	_ = 	snop  }
0x3c: {  	p2 =	seq.s32 s10, $0x1;
	s10 =	sld [smem:$0x3FAD]  }
0x3d: {  	_ =	shalt  }
0x3e: {  	_ =	shalt  }
0x3f: {  	_ =	shalt  }
0x40: {  	_ =	shalt  }
0x41: {  	_ =	shalt  }
0x42: {  	_ =	shalt  }
0x43: {  	_ =	shalt  }
0x44: {  	_ =	shalt  }
0x45: {  	_ =	shalt  }
0x46: {  	_ =	shalt  }
0x47: {  	_ =	shalt  }
0x48: {  	_ =	shalt  }
0x49: {  	_ =	shalt  }
0x4a: {  	_ =	shalt  }
0x4b: {  	_ =	shalt  }
0x4c: {  	_ =	shalt  }
0x4d: {  	_ =	shalt  }
0x4e: {  	_ =	shalt  }
0x4f: {  	_ =	shalt  }
0x50: {  	_ =	shalt  }
0x51: {  	_ =	shalt  }
0x52: {  	_ =	shalt  }
0x53: {  	_ =	shalt  }
0x54: {  	_ =	shalt  }
0x55: {  	_ =	shalt  }
0x56: {  	_ =	shalt  }
0x57: {  	_ =	shalt  }
0x58: {  	_ =	shalt  }
0x59: {  	_ =	shalt  }
0x5a: {  	_ =	shalt  }
0x5b: {  	_ =	shalt  }
0x5c: {  	_ =	shalt  }
0x5d: {  	_ =	shalt  }
0x5e: {  	_ =	shalt  }
0x5f: {  	_ =	shalt  }
0x60: {  	_ =	shalt  }
0x61: {  	_ =	shalt  }
0x62: {  	_ =	shalt  }
0x63: {  	_ =	shalt  }
0x64: {  	_ =	shalt  }
0x65: {  	_ =	shalt  }
0x66: {  	_ =	shalt  }
0x67: {  	_ =	shalt  }
0x68: {  	_ =	shalt  }
0x69: {  	_ =	shalt  }
0x6a: {  	_ =	shalt  }
0x6b: {  	_ =	shalt  }
0x6c: {  	_ =	shalt  }
0x6d: {  	_ =	shalt  }
0x6e: {  	_ =	shalt  }
0x6f: {  	_ =	shalt  }
0x70: {  	_ =	shalt  }
0x71: {  	_ =	shalt  }
0x72: {  	_ =	shalt  }
0x73: {  	_ =	shalt  }
0x74: {  	_ =	shalt  }
0x75: {  	_ =	shalt  }
0x76: {  	_ =	shalt  }
0x77: {  	_ =	shalt  }
0x78: {  	_ =	shalt  }
0x79: {  	_ =	shalt  }
0x7a: {  	_ =	shalt  }
0x7b: {  	_ =	shalt  }
0x7c: {  	_ =	shalt  }
0x7d: {  	_ =	shalt  }
0x7e: {  	_ =	shalt  }
0x7f: {  	_ =	shalt  }
0x80: {  	_ =	shalt  }
0x81: {  	_ =	shalt  }
0x82: {  	_ =	shalt  }
0x83: {  	_ =	shalt  }
0x84: {  	_ =	shalt  }
0x85: {  	_ =	shalt  }
0x86: {  	_ =	shalt  }
0x87: {  	_ =	shalt  }
.Lfunc_end0:
.L_simem_size_0:
called_computation.5_lowered:
.L_overlay_start_0:
0x88: {  	s2 =	sld [smem:$0x3FD9]  }
0x89: {  	s3 =	sld [smem:$0x3FFE];
	_ =	sdelay $0x1  }
0x8a: {  	s1 =	srdreg.scid  }
0x8b: {  	s0 =	sand.u32 $0x1, s1  }
0x8c: {  	s17 =	sshll.u32 s0, $0xA;
	s2 =	sadd.s32 s3, s2  }
0x8d: {  	s2 =	sadd.s32 s2, s17  }
0x8e: {  	[smem:$0x3FB9] =	sst s2  }
0x8f: {  	_ = 	snop  }
0x90: {  	s2 =	sld [smem:$0x3FD0];
	(tm) =	ssettm $0x1  }
0x91: {  	s18 =	sld [smem:$0x3FFB];
	_ =	sdelay $0x3  }
0x92: {  	_ =	strace s18  }
0x93: {  	s3 =	sld [smem:$0x3FFC];
	_ =	sdelay $0x3  }
0x94: {  	_ =	strace s3  }
0x95: {  	s3 =	sld [smem:$0x3FFD];
	_ =	sdelay $0x3  }
0x96: {  	_ =	strace s3  }
0x97: {  	_ =	strace $0x8FFFFFFF  }
0x98: {  	s19 =	sld [smem:$0x3FDB];
	_ =	sdelay $0x1  }
0x99: {  	s4 =	simm.s32 $_scs_section_size  }
0x9a: {  	s5 =	simm.s32 $_size__tile_overlayer_lowered;
	s6 =	simm.s32 $_tile_overlayer_lowered  }
0x9b: {  	s22 =	simm.s32 $0x1BFF;
	s21 =	sshll.u32 s6, $0x1;
	s3 =	sadd.s32 s4, s19  }
0x9c: {  	s7 =	simm.s32 $0x0;
	s20 =	sshll.u32 s5, $0x1;
	s5 =	sadd.s32 s21, s3  }
0x9d: {  	[timem:s7], [sflag:s22] =	dma.local [hbm:s5], s20  }
0x9e: {  	_ =	swait.ge [sflag:s22], s20  }
0x9f: {  	s4 =	ssub.s32 $0x0, s20;
	[sflag:s22] =	ssyncset.done $0x0  }
0xa0: {  	[sflag:s22] =	ssyncadd.s32 s4;
	_ =	sdelay $0x1  }
0xa1: {  	s23 =	simm.s32 $0x1B8B  }
0xa2: {  	_ =	swait.ge [sflag:s23], $0x1  }
0xa3: {  	[sflag:s23] =	ssyncset.done $0x0  }
0xa4: {  	s25 =	simm.s32 $0x1B8E;
	s24 =	sld [smem:$0x3FFE];
	[sflag:s23] =	ssyncadd.s32 $0xFFFFFFFF  }
0xa5: {  	s26 =	simm.s32 $execute0_lowered;
	[smem:$0x3FD2] =	sst s25  }
0xa6: {  	s5 =	sshll.u32 s26, $0x1;
	_ =	strace $0x8000005B;
	[dreg:$0x1] =	wrdreg $0xFFFFFFFF  }
0xa7: {  	s28 =	simm.s32 $_size_execute0_lowered;
	s3 =	sadd.s32 s3, s5;
	[dreg:$0x0] =	wrdreg $0x0  }
0xa8: {  	s5 =	sshll.u32 s28, $0x1;
	[dreg:$0x2] =	wrdreg s3  }
0xa9: {  	[dreg:$0x3] =	wrdreg s5  }
0xaa: {  	[dreg:$0x4] =	wrdreg $0xC0  }
0xab: {  	_ =	task [dreg:s7], $0x5FFFF  }
0xac: {  	[dreg:$0x1] =	wrdreg $0xFFFFFFFF  }
0xad: {  	[dreg:$0x0] =	wrdreg $0x60  }
0xae: {  	[dreg:$0x2] =	wrdreg s2  }
0xaf: {  	[dreg:$0x3] =	wrdreg s24  }
0xb0: {  	[dreg:$0x4] =	wrdreg $0x9  }
0xb1: {  	_ =	task.clear_ibuf [dreg:s7], $0x5FFFF;
	_ =	strace $0x9000005B  }
0xb2: {  	s29 =	simm.s32 $0x9;
	_ =	strace $0x8000005D  }
0xb3: {  	_ =	swait.ge [sflag:s29], $0x1  }
0xb4: {  	[sflag:s29] =	ssyncadd.s32 $0xFFFFFFFF  }
0xb5: {  	_ =	strace $0x9000005D  }
0xb6: {  	_ =	sfence  }
0xb7: {  	s30 =	sld [smem:$0x0];
	_ =	sdelay $0x2  }
0xb8: {  	s31 =	sshll.u32 s1, $0xD;
	s1 =	sshrl.u32 s1, $0x2  }
0xb9: {  	s3 =	sand.u32 $0x4000, s31;
	s1 =	sadd.s32 s1, s30  }
0xba: {  	s0 =	sor.u32 s3, s0;
	s1 =	sshll.u32 s1, $0x11  }
0xbb: {  	s0 =	sor.u32 s1, s0  }
0xbc: {  	s0 =	sadd.s32 $0x8F2B, s0  }
0xbd: {  	[sflag:s0] =	ssyncadd.remote.s32 $0x1  }
0xbe: {  	_ =	sfence.sel $0xFFFF  }
0xbf: {  	[dreg:$0x0] =	wrdreg $0xFFFFFFFF;
	(pc) =	sbr.abs _section_cstart, $3  }
0xc0: {  	[dreg:$0x1] =	wrdreg $0xFFFFFFFF  }
0xc1: {  	_ =	task.clear_ibuf [dreg:s7], $0x2FFFF;
	_ =	strace $0x9FFFFFFF  }
0xc2: {  	(tm) =	ssettm $0x7FFFFFFF  }
0xc3: {  	_ =	shalt  }
tec
execute0_lowered:
.L_overlay_start_1:
0x0: {  	(tag) =	ssettag $0x1  }
0x1: {  	s1 =	srdreg.scid;
	s2 =	rddreg [dreg:$0x0]  }
0x2: {  	s0 =	stileid.u32;
	s5 =	rddreg [dreg:$0x1];
	s6 =	simm.s32 $0x1  }
0x3: {  	s9 =	simm.s32 $0x1;
	s10 =	simm.s32 $0x3;
	s1 =	sshll.u32 s1, $0x9  }
0x4: {  	s13 =	simm.s32 $0x0;
	s3 =	sshll.u32 s0, $0xA;
	s4 =	sand.u32 $0x200, s1  }
0x5: {  	s12 =	simm.s32 $0x0;
	s1 =	rddreg [dreg:$0x2];
	s3 =	sor.u32 s3, s4  }
0x6: {  	_ =	strace $0x8000005C;
	s4 =	sadd.s32 $0x4000, s5;
	s8 =	ssub.s32 $0x5000, s3  }
.Ltmp0:
0x7: {  	s5 =	sadd.s32 $0x4A00, s5;
	s7 =	sand.u32 $0x3E00, s8;
	(pc) =	sbr.rel .LBB2_1-.Ltmp0, $4  }
0x8: {  	[sflag:s6] =	ssyncpa.u1 $0x0;
	s11 =	smov.u32 s3;
	p0 =	sne.s32 s7, $0x0  }
0x9: {  	s8 =	sshrl.u32 s8, $0xE;
	s7 =	simm.s32 $0x2;
	s9 =	simm.s32 @!p0 $0x0  }
0xa: {  	[sflag:s7] =	ssyncpa.u1 $0x0;
	p0 =	por $0x0, $0x0;
	s8 =	sadd.s32 s9, s8  }
0xb: {  	vm0 =	vmmov $0xffff;
	[sflag:s10] =	ssyncpa.u1 $0x0;
	s10 =	simm.s32 $0x0;
	s9 =	sadd.s32 $0x1, s8  }
.LBB2_4:
0xc: {  	v5 =	vshrl.u32 v1, $0xA;
	v6 =	vshll.u32 v1, $0x7  }
0xd: {  	vm1 =	veq.s32 v1, $0x80000000;
	v58 =	vand.u32 $0x7F, v5;
	v59 =	vand.u32 $0x1FF80, v6  }
0xe: {  	v1 =	vsel vm1, $0xFFFFFFFF, v58;
	v5 =	vsel vm1, $0xFFFFFF80, v59  }
0xf: {  	v3 =	vor.u32 v4, v3;
	v60 =	vand.u32 $0xFFFFFC00, v5;
	v61 =	vand.u32 $0xFFFFFC00, v1  }
0x10: {  	v2 =	vor.u32 v2, v3;
	v63 =	vand.u32 $0x380, v5;
	v62 =	vadd.s32 v61, v60  }
0x11: {  	v1 =	vand.u32 $0x7F, v1;
	v3 =	vor.u32 v63, v62  }
0x12: {  	v1 =	vor.u32 v1, v3  }
0x13: {  	[tilespmem:s15], [sflag:$0x1] =	stream.indirect_vreg.gather [hbm4b:s2+s10], $0x1, v0, vm0, $0x4038;
	[tilespmem:$0x800] =	vst v63  }
0x14: {  	(ifvalue) =	ssetifvalue $0x7FFFFFFF  }
0x15: {  	[tilespmem:s16], [sflag:$0x1] =	stream.indirect_vreg.gather [hbm4b:s2+s10], $0x1, v2, vm0, $0x4038;
	[tilespmem:$0x800] =	vst v63  }
0x16: {  	s29 =	sadd.s32 $0x10, s16;
	(ifvalue) =	ssetifvalue $0x7FFFFFFF  }
0x17: {  	[tilespmem:s29], [sflag:$0x1] =	stream.indirect_vreg.gather [hbm4b:s2+s10], $0x1, v1, vm0, $0x4038;
	[tilespmem:$0x800] =	vst v63  }
0x18: {  	_ =	swait.ge [sflag:s6], $0x200  }
0x19: {  	s30 =	sshrl.u32 s13, $0x3;
	[sflag:s6] =	ssyncset.done $0x0  }
0x1a: {  	s31 =	sand.u32 $0x7, s13;
	s15 =	sadd.s32 s5, s30;
	[sflag:s6] =	ssyncadd.s32 $0xFFFFFE00  }
0x1b: {  	[hbm4b:s15+s31] =	stream.linear.scatter [tilespmem:s14], [sflag:$0x3], $0x200, $0x38;
	[tilespmem:$0x800] =	vst v63  }
.LBB2_5:
0x1c: {  	s15 =	sadd.s32 $0x4000, s11  }
0x1d: {  	p2 =	sgt.s32 s15, $0x4FFF  }
0x1e: {  	s15 =	smov.u32 @p2 s3;
	p2 =	sne.s32 s12, s9  }
.Ltmp1:
0x1f: {  	p1 =	slt.u32 s12, $0x2;
	(pc) =	sbr.rel @!p2 .LBB2_6-.Ltmp1, $4  }
0x20: {  	s14 =	simm.s32 @!p1 $0x3  }
0x21: {  	s16 =	sadd.s32 $0x1, s12;
	_ =	swait.ge @!p1 [sflag:s14], $0x200  }
0x22: {  	s13 =	smov.u32 s11;
	p0 =	por !p0, !p0;
	[sflag:s14] =	ssyncset.done @!p1 $0x0  }
0x23: {  	s12 =	smov.u32 s16;
	s11 =	smov.u32 s15;
	[sflag:s14] =	ssyncadd.s32 @!p1 $0xFFFFFE00  }
.LBB2_1:
0x24: {  	p1 =	sge.u32 s12, s8  }
0x25: {  	s14 =	sxor.u32 @!p1 $0xFFFFFFFF, s12  }
0x26: {  	s31 =	sadd.s32 $0xFFFFFFFF, s12;
	s15 =	sshrl.u32 @!p1 s11, $0x3;
	s14 =	sshll.u32 @!p1 s14, $0x9  }
0x27: {  	s16 =	sand.u32 @!p1 $0x7, s11;
	s15 =	sadd.s32 @!p1 s4, s15;
	s14 =	sand.u32 @!p1 $0x200, s14  }
0x28: {  	[tilespmem:s14], [sflag:$0x2] =	stream.linear.gather @!p1 [hbm4b:s15+s16], $0x200, $0x38;
	[tilespmem:$0x800] =	vst v63  }
0x29: {  	p1 =	sge.u32 s31, s8  }
.Ltmp2:
0x2a: {  	_ = 	snop;
	(pc) =	sbr.rel @p1 .LBB2_5-.Ltmp2, $1  }
0x2b: {  	_ =	sdelay $0x3  }
0x2c: {  	s14 =	simm.s32 $0x1  }
0x2d: {  	_ =	swait.ge [sflag:s7], $0x200;
	s14 =	simm.s32 @!p0 $0x0  }
0x2e: {  	[sflag:s7] =	ssyncset.done $0x0;
	s14 =	sshll.u32 s14, $0x9  }
0x2f: {  	[sflag:s7] =	ssyncadd.s32 $0xFFFFFE00;
	(ifvalue) =	ssetifvalue $0x7FFFFFFF;
	v0 =	vld.msk [tilespmem:s14+$0x0 ss:$0x1], $0xffff;
	_ =	sdelay $0x4  }
0x30: {  	s15 =	sadd.s32 $0x10, s14;
	v2 =	vshrl.u32 v0, $0xA;
	v3 =	vshll.u32 v0, $0x7  }
0x31: {  	v1 =	vld.msk [tilespmem:s15+$0x0 ss:$0x1], $0xffff;
	vm1 =	veq.s32 v0, $0x80000000;
	v0 =	vand.u32 $0x7F, v2;
	v2 =	vand.u32 $0x1FF80, v3  }
0x32: {  	v0 =	vsel vm1, $0xFFFFFFFF, v0;
	v2 =	vsel vm1, $0xFFFFFF80, v2  }
0x33: {  	v3 =	vand.u32 $0xFFFFFC00, v2;
	v4 =	vand.u32 $0xFFFFFC00, v0  }
0x34: {  	v2 =	vand.u32 $0x380, v2;
	v3 =	vadd.s32 v4, v3  }
0x35: {  	v0 =	vand.u32 $0x7F, v0;
	v2 =	vor.u32 v2, v3  }
0x36: {  	v5 =	vshll.u32 v1, $0x7;
	v4 =	vshrl.u32 v1, $0xA;
	v0 =	vor.u32 v0, v2  }
0x37: {  	s16 =	sshll.u32 s12, $0x9;
	vm1 =	veq.s32 v1, $0x80000000;
	v1 =	vand.u32 $0x7F, v4;
	v4 =	vand.u32 $0x1FF80, v5  }
0x38: {  	s16 =	sand.u32 $0x200, s16;
	s18 =	sadd.s32 $0x10, s15;
	v3 =	vsel vm1, $0xFFFFFFFF, v1;
	v4 =	vsel vm1, $0xFFFFFF80, v4  }
0x39: {  	s17 =	simm.s32 $0x20;
	s15 =	sor.u32 $0x400, s14;
	s14 =	sor.u32 $0x400, s16;
	v1 =	vld.msk [tilespmem:s18+$0x0 ss:$0x1], $0xffff;
	v5 =	vand.u32 $0xFFFFFC00, v4;
	v6 =	vand.u32 $0xFFFFFC00, v3  }
0x3a: {  	s16 =	sadd.s32 $0x10, s15;
	s18 =	sadd.s32 $0x10, s18;
	(ifvalue) =	ssetifvalue $0x7FFFFFFF;
	v2 =	vand.u32 $0x7F, v3;
	v4 =	vand.u32 $0x380, v4;
	v3 =	vadd.s32 v6, v5  }
.LBB2_3:
0x3b: {  	[tilespmem:s15], [sflag:$0x1] =	stream.indirect_vreg.gather [hbm4b:s2+s10], $0x1, v0, vm0, $0x4038;
	[tilespmem:$0x800] =	vst v63  }
0x3c: {  	s17 =	sadd.s32 $0x10, s17  }
0x3d: {  	v3 =	vor.u32 v4, v3;
	p1 =	slt.u32 s17, $0x1F0  }
.Ltmp3:
0x3e: {  	v4 =	vshrl.u32 v1, $0xA;
	v5 =	vshll.u32 v1, $0x7;
	s15 =	smov.u32 s16;
	v0 =	vor.u32 v2, v3;
	v2 =	vmovc v1;
	v1 =	vld.msk [tilespmem:s18+$0x0 ss:$0x1], $0xffff;
	(pc) =	sbr.rel @p1 .LBB2_3-.Ltmp3, $4  }
0x3f: {  	v3 =	vand.u32 $0x1FF80, v5;
	vm1 =	veq.s32 v2, $0x80000000;
	v2 =	vand.u32 $0x7F, v4  }
0x40: {  	v4 =	vsel vm1, $0xFFFFFFFF, v2;
	v5 =	vsel vm1, $0xFFFFFF80, v3  }
0x41: {  	v2 =	vand.u32 $0x7F, v4;
	v3 =	vand.u32 $0xFFFFFC00, v5;
	v4 =	vand.u32 $0xFFFFFC00, v4  }
0x42: {  	s16 =	sadd.s32 $0x10, s16;
	s18 =	sadd.s32 $0x10, s18;
	v3 =	vadd.s32 v4, v3;
	v4 =	vand.u32 $0x380, v5;
	(ifvalue) =	ssetifvalue $0x7FFFFFFF  }
.Ltmp4:
0x43: {  	_ = 	snop;
	(pc) =	sbr.rel .LBB2_4-.Ltmp4, $1  }
0x44: {  	_ =	sdelay $0x3  }
.LBB2_6:
0x45: {  	_ =	sfence.sel $0x180000  }
0x46: {  	s2 =	simm.s32 $0x2;
	[bflag:$0x0] =	sbarrier.arrive $0xFFFF  }
0x47: {  	s30 =	simm.s32 $0x3;
	[sflag:s2] =	ssyncpa.u1 $0x1  }
0x48: {  	s31 =	simm.s32 $0x1;
	[sflag:s30] =	ssyncpa.u1 $0x1  }
0x49: {  	[sflag:s31] =	ssyncpa.u1 $0x1  }
0x4a: {  	p0 =	sne.s32 s0, $0x0;
	_ =	strace $0x9000005C  }
0x4b: {  	s0 =	sadd.s32 @!p0 $0x100000, s1;
	[bflag:$0x2] =	sbarrier.arrive $0xFFFF  }
0x4c: {  	[sflag:s0] =	ssyncadd.tile.s32 @!p0 $0x1;
	_ =	shalt  }
.Lfunc_end2:
_tile_overlayer_lowered:
.L_overlay_start_2:
0x4d: {  	(tag) =	ssettag $0x2  }
0x4e: {  	s0 =	rddreg [dreg:$0x0];
	s2 =	stileid.u32  }
0x4f: {  	s1 =	rddreg [dreg:$0x1];
	p0 =	sne.s32 s2, $0x0  }
0x50: {  	s3 =	rddreg [dreg:$0x2];
	[bflag:$0x3] =	sbarrier.arrive $0xFFFF;
	s2 =	simm.s32 @!p0 $0x1C01  }
0x51: {  	[timem:s3], [sflag:s2] =	dma.local @!p0 [hbm:s0], s1  }
0x52: {  	s0 =	simm.s32 @!p0 $0x1  }
0x53: {  	_ =	swait.ge @!p0 [sflag:s0], s1  }
0x54: {  	s1 =	ssub.s32 @!p0 $0x0, s1;
	[sflag:s0] =	ssyncset.done @!p0 $0x0  }
0x55: {  	[sflag:s0] =	ssyncadd.s32 @!p0 s1  }
0x56: {  	[bflag:$0x3] =	sbarrier.arrive $0xFFFF  }
0x57: {  	_ =	shalt  }

// kernel: gather_offload_async_start.4
scs
__scs_entry_jumppad:
0x0: {  	(pc) =	sbr.rel $0x88, $3  }
0x1: {  	(tag) =	ssettag $0x0;
	lr =	simm.s32 $0x1  }
0x2: {  	[smem:$0x3F92] =	sst lr;
	_ =	strace $0xD0000000  }
0x3: {  	_ = 	snop  }
0x4: {  	_ = 	snop  }
0x5: {  	_ = 	snop  }
0x6: {  	_ = 	snop  }
0x7: {  	_ = 	snop  }
__scs_overlays_trampoline_lowered:
0x8: {  	[smem:$0x3FA1] =	sst s0  }
0x9: {  	[smem:$0x3FA2] =	sst s1  }
0xa: {  	[smem:$0x3FA3] =	sst s2  }
0xb: {  	[smem:$0x3FA4] =	sst s3  }
0xc: {  	[smem:$0x3FA5] =	sst s4  }
0xd: {  	[smem:$0x3FA6] =	sst s5  }
0xe: {  	[smem:$0x3FA7] =	sst s6  }
0xf: {  	[smem:$0x3FA8] =	sst s7  }
0x10: {  	[smem:$0x3FA9] =	sst s8  }
0x11: {  	[smem:$0x3FAA] =	sst s9;
	s0 =	simm.s32 @!p0 $0x0  }
0x12: {  	s1 =	sld [smem:$0x3F90];
	s0 =	simm.s32 @p0 $0x1  }
0x13: {  	[smem:$0x3FAB] =	sst s0;
	s0 =	simm.s32 @!p1 $0x0  }
0x14: {  	s2 =	sld [smem:$0x3F8F];
	s0 =	simm.s32 @p1 $0x1  }
0x15: {  	[smem:$0x3FAC] =	sst s0;
	s0 =	simm.s32 @!p2 $0x0  }
0x16: {  	s3 =	sld [smem:$0x3FDB];
	s0 =	simm.s32 @p2 $0x1  }
0x17: {  	s4 =	simm.s32 $0x1BF5;
	[smem:$0x3FAE] =	sst s0  }
0x18: {  	s0 =	sld [smem:$0x3F91];
	_ =	swait.ge [sflag:s4], $0x0  }
0x19: {  	s7 =	sld [smem:$0x3F92]  }
0x1a: {  	s8 =	sadd.s32 $0xFFFFE003, lr  }
0x1b: {  	s9 =	sadd.s32 $0xFFFFFEF7, lr;
	s5 =	simm.s32 $0xFFFFFFFF;
	p2 =	slt.u32 s8, $0xFFFFF086  }
0x1c: {  	p1 =	slt.u32 s9, $0xF7A;
	s5 =	simm.s32 @!p2 $0x0  }
0x1d: {  	s5 =	simm.s32 @p1 $0x1;
	p0 =	seq.s32 s7, s2  }
0x1e: {  	s7 =	smul.u32 @!p0 $0xF7A, s2;
	p2 =	seq.s32 @!p0 s5, $0x0  }
0x1f: {  	s9 =	smul.u32 $0xF7A, s1;
	s8 =	simm.s32 @!p0 $0x1BF5;
	p2 =	por !p2, p0  }
0x20: {  	[sflag:s8] =	ssyncset.s32 @!p0 $0xFFFFF086;
	s6 =	sadd.s32 @!p0 s3, s7;
	s7 =	simm.s32 @!p0 $0x108  }
0x21: {  	s3 =	sadd.s32 s3, s9;
	s6 =	sadd.s32 @!p0 $0x88, s6;
	s7 =	simm.s32 @p2 $0x1082  }
0x22: {  	[simem:s7], [sflag:s8] =	dma.local @!p0 [hbm:s6], $0xF7A  }
0x23: {  	s9 =	sor.u32 $0xD0000000, s2;
	s6 =	simm.s32 $0x108;
	_ =	swait.ge @!p0 [sflag:s8], $0x0  }
0x24: {  	s3 =	sadd.s32 $0x88, s3;
	s6 =	simm.s32 @!p1 $0x1082;
	[sflag:s4] =	ssyncset.s32 $0xFFFFF086  }
0x25: {  	[simem:s6], [sflag:s4] =	dma.local [hbm:s3], $0xF7A  }
0x26: {  	[smem:$0x3F92] =	sst s1;
	(tag) =	ssettag s2;
	_ =	strace s9  }
0x27: {  	s1 =	sld [smem:$0x3FA2]  }
0x28: {  	s2 =	sld [smem:$0x3FA3]  }
0x29: {  	s4 =	sld [smem:$0x3FA5]  }
0x2a: {  	p0 =	seq.s32 s5, $0x0;
	s5 =	sld [smem:$0x3FA6]  }
0x2b: {  	s6 =	sld [smem:$0x3FA7]  }
0x2c: {  	s7 =	sld [smem:$0x3FA8]  }
0x2d: {  	s3 =	simm.s32 $0x108;
	s8 =	sld [smem:$0x3FA9]  }
0x2e: {  	s3 =	simm.s32 @!p0 $0x1082;
	s9 =	sld [smem:$0x3FAA]  }
0x2f: {  	lr =	sadd.s32 s0, s3;
	s0 =	sld [smem:$0x3FA1]  }
0x30: {  	s3 =	sld [smem:$0x3FA4]  }
0x31: {  	[smem:$0x3FAD] =	sst s10  }
0x32: {  	s10 =	sld [smem:$0x3FAB];
	_ =	sdelay $0x3  }
0x33: {  	p0 =	seq.s32 s10, $0x1;
	s10 =	sld [smem:$0x3FAD];
	_ =	sdelay $0x3  }
0x34: {  	[smem:$0x3FAD] =	sst s10  }
0x35: {  	s10 =	sld [smem:$0x3FAC];
	_ =	sdelay $0x3  }
0x36: {  	p1 =	seq.s32 s10, $0x1;
	s10 =	sld [smem:$0x3FAD];
	_ =	sdelay $0x3  }
0x37: {  	[smem:$0x3FAD] =	sst s10  }
0x38: {  	s10 =	sld [smem:$0x3FAE]  }
0x39: {  	_ = 	snop;
	(pc) =	sbr.ind lr, $3  }
0x3a: {  	_ = 	snop  }
0x3b: {  	_ = 	snop  }
0x3c: {  	p2 =	seq.s32 s10, $0x1;
	s10 =	sld [smem:$0x3FAD]  }
0x3d: {  	_ =	shalt  }
0x3e: {  	_ =	shalt  }
0x3f: {  	_ =	shalt  }
0x40: {  	_ =	shalt  }
0x41: {  	_ =	shalt  }
0x42: {  	_ =	shalt  }
0x43: {  	_ =	shalt  }
0x44: {  	_ =	shalt  }
0x45: {  	_ =	shalt  }
0x46: {  	_ =	shalt  }
0x47: {  	_ =	shalt  }
0x48: {  	_ =	shalt  }
0x49: {  	_ =	shalt  }
0x4a: {  	_ =	shalt  }
0x4b: {  	_ =	shalt  }
0x4c: {  	_ =	shalt  }
0x4d: {  	_ =	shalt  }
0x4e: {  	_ =	shalt  }
0x4f: {  	_ =	shalt  }
0x50: {  	_ =	shalt  }
0x51: {  	_ =	shalt  }
0x52: {  	_ =	shalt  }
0x53: {  	_ =	shalt  }
0x54: {  	_ =	shalt  }
0x55: {  	_ =	shalt  }
0x56: {  	_ =	shalt  }
0x57: {  	_ =	shalt  }
0x58: {  	_ =	shalt  }
0x59: {  	_ =	shalt  }
0x5a: {  	_ =	shalt  }
0x5b: {  	_ =	shalt  }
0x5c: {  	_ =	shalt  }
0x5d: {  	_ =	shalt  }
0x5e: {  	_ =	shalt  }
0x5f: {  	_ =	shalt  }
0x60: {  	_ =	shalt  }
0x61: {  	_ =	shalt  }
0x62: {  	_ =	shalt  }
0x63: {  	_ =	shalt  }
0x64: {  	_ =	shalt  }
0x65: {  	_ =	shalt  }
0x66: {  	_ =	shalt  }
0x67: {  	_ =	shalt  }
0x68: {  	_ =	shalt  }
0x69: {  	_ =	shalt  }
0x6a: {  	_ =	shalt  }
0x6b: {  	_ =	shalt  }
0x6c: {  	_ =	shalt  }
0x6d: {  	_ =	shalt  }
0x6e: {  	_ =	shalt  }
0x6f: {  	_ =	shalt  }
0x70: {  	_ =	shalt  }
0x71: {  	_ =	shalt  }
0x72: {  	_ =	shalt  }
0x73: {  	_ =	shalt  }
0x74: {  	_ =	shalt  }
0x75: {  	_ =	shalt  }
0x76: {  	_ =	shalt  }
0x77: {  	_ =	shalt  }
0x78: {  	_ =	shalt  }
0x79: {  	_ =	shalt  }
0x7a: {  	_ =	shalt  }
0x7b: {  	_ =	shalt  }
0x7c: {  	_ =	shalt  }
0x7d: {  	_ =	shalt  }
0x7e: {  	_ =	shalt  }
0x7f: {  	_ =	shalt  }
0x80: {  	_ =	shalt  }
0x81: {  	_ =	shalt  }
0x82: {  	_ =	shalt  }
0x83: {  	_ =	shalt  }
0x84: {  	_ =	shalt  }
0x85: {  	_ =	shalt  }
0x86: {  	_ =	shalt  }
0x87: {  	_ =	shalt  }
.Lfunc_end0:
.L_simem_size_0:
called_computation.6_lowered:
.L_overlay_start_0:
0x88: {  	s2 =	sld [smem:$0x3FD9]  }
0x89: {  	s3 =	sld [smem:$0x3FFE];
	_ =	sdelay $0x1  }
0x8a: {  	s1 =	srdreg.scid  }
0x8b: {  	s0 =	sand.u32 $0x1, s1  }
0x8c: {  	s16 =	sshll.u32 s0, $0xA;
	s2 =	sadd.s32 s3, s2  }
0x8d: {  	s2 =	sadd.s32 s2, s16  }
0x8e: {  	[smem:$0x3FB9] =	sst s2  }
0x8f: {  	_ = 	snop  }
0x90: {  	(tm) =	ssettm $0x1  }
0x91: {  	s17 =	sld [smem:$0x3FFB];
	_ =	sdelay $0x3  }
0x92: {  	_ =	strace s17  }
0x93: {  	s2 =	sld [smem:$0x3FFC];
	_ =	sdelay $0x3  }
0x94: {  	_ =	strace s2  }
0x95: {  	s2 =	sld [smem:$0x3FFD];
	_ =	sdelay $0x3  }
0x96: {  	_ =	strace s2  }
0x97: {  	_ =	strace $0x8FFFFFFF  }
0x98: {  	s18 =	sld [smem:$0x3FDB];
	_ =	sdelay $0x1  }
0x99: {  	s19 =	simm.s32 $_scs_section_size  }
0x9a: {  	s4 =	simm.s32 $_size__tile_overlayer_lowered;
	s5 =	simm.s32 $_tile_overlayer_lowered  }
0x9b: {  	s22 =	simm.s32 $0x1BFF;
	s21 =	sshll.u32 s5, $0x1;
	s2 =	sadd.s32 s19, s18  }
0x9c: {  	s6 =	simm.s32 $0x0;
	s20 =	sshll.u32 s4, $0x1;
	s4 =	sadd.s32 s21, s2  }
0x9d: {  	[timem:s6], [sflag:s22] =	dma.local [hbm:s4], s20  }
0x9e: {  	_ =	swait.ge [sflag:s22], s20  }
0x9f: {  	s3 =	ssub.s32 $0x0, s20;
	[sflag:s22] =	ssyncset.done $0x0  }
0xa0: {  	[sflag:s22] =	ssyncadd.s32 s3;
	_ =	sdelay $0x1  }
0xa1: {  	s23 =	simm.s32 $0x1B8B  }
0xa2: {  	_ =	swait.ge [sflag:s23], $0x1  }
0xa3: {  	[sflag:s23] =	ssyncset.done $0x0  }
0xa4: {  	s25 =	simm.s32 $0x1B8E;
	s24 =	sld [smem:$0x3FFE];
	[sflag:s23] =	ssyncadd.s32 $0xFFFFFFFF  }
0xa5: {  	s26 =	simm.s32 $execute0_lowered;
	[smem:$0x3FD2] =	sst s25  }
0xa6: {  	s4 =	sshll.u32 s26, $0x1;
	_ =	strace $0x80000052;
	[dreg:$0x1] =	wrdreg $0xFFFFFFFF  }
0xa7: {  	s28 =	simm.s32 $_size_execute0_lowered;
	s2 =	sadd.s32 s2, s4;
	[dreg:$0x0] =	wrdreg $0x0  }
0xa8: {  	s4 =	sshll.u32 s28, $0x1;
	[dreg:$0x2] =	wrdreg s2  }
0xa9: {  	[dreg:$0x3] =	wrdreg s4  }
0xaa: {  	[dreg:$0x4] =	wrdreg $0xC0  }
0xab: {  	_ =	task [dreg:s6], $0x5FFFF  }
0xac: {  	[dreg:$0x1] =	wrdreg $0xFFFFFFFF  }
0xad: {  	[dreg:$0x0] =	wrdreg $0x60  }
0xae: {  	[dreg:$0x2] =	wrdreg s24  }
0xaf: {  	[dreg:$0x3] =	wrdreg $0x9  }
0xb0: {  	_ =	task.clear_ibuf [dreg:s6], $0x4FFFF;
	_ =	strace $0x90000052  }
0xb1: {  	s29 =	simm.s32 $0x9;
	_ =	strace $0x80000054  }
0xb2: {  	_ =	swait.ge [sflag:s29], $0x1  }
0xb3: {  	[sflag:s29] =	ssyncadd.s32 $0xFFFFFFFF  }
0xb4: {  	_ =	strace $0x90000054  }
0xb5: {  	_ =	sfence  }
0xb6: {  	s30 =	sld [smem:$0x0];
	_ =	sdelay $0x2  }
0xb7: {  	s31 =	sshll.u32 s1, $0xD;
	s1 =	sshrl.u32 s1, $0x2  }
0xb8: {  	s3 =	sand.u32 $0x4000, s31;
	s1 =	sadd.s32 s1, s30  }
0xb9: {  	s0 =	sor.u32 s3, s0;
	s1 =	sshll.u32 s1, $0x11  }
0xba: {  	s0 =	sor.u32 s1, s0  }
0xbb: {  	s0 =	sadd.s32 $0x8F2B, s0  }
0xbc: {  	[sflag:s0] =	ssyncadd.remote.s32 $0x1  }
0xbd: {  	_ =	sfence.sel $0xFFFF  }
0xbe: {  	[dreg:$0x0] =	wrdreg $0xFFFFFFFF;
	(pc) =	sbr.abs _section_cstart, $3  }
0xbf: {  	[dreg:$0x1] =	wrdreg $0xFFFFFFFF  }
0xc0: {  	_ =	task.clear_ibuf [dreg:s6], $0x2FFFF;
	_ =	strace $0x9FFFFFFF  }
0xc1: {  	(tm) =	ssettm $0x7FFFFFFF  }
tec
execute0_lowered:
.L_overlay_start_1:
0x0: {  	(tag) =	ssettag $0x1  }
0x1: {  	s0 =	srdreg.scid;
	s5 =	rddreg [dreg:$0x0]  }
0x2: {  	s1 =	stileid.u32;
	s6 =	simm.s32 $0x1;
	s9 =	simm.s32 $0x1  }
0x3: {  	s10 =	simm.s32 $0x3;
	s13 =	simm.s32 $0x0;
	s2 =	sshll.u32 s0, $0xB  }
0x4: {  	s12 =	simm.s32 $0x0;
	s3 =	sshll.u32 s1, $0xC;
	s2 =	sand.u32 $0x800, s2  }
0x5: {  	s0 =	rddreg [dreg:$0x1];
	_ =	strace $0x80000053;
	s2 =	sor.u32 s3, s2  }
0x6: {  	s4 =	sadd.s32 $0xC000, s5;
	[sflag:s6] =	ssyncpa.u1 $0x0;
	s8 =	ssub.s32 $0x20000, s2  }
.Ltmp0:
0x7: {  	s3 =	sadd.s32 $0x8000, s5;
	s7 =	sand.u32 $0xF800, s8;
	(pc) =	sbr.rel .LBB2_1-.Ltmp0, $4  }
0x8: {  	s5 =	sadd.s32 $0x11000, s5;
	s11 =	smov.u32 s2;
	p0 =	sne.s32 s7, $0x0  }
0x9: {  	s8 =	sshrl.u32 s8, $0x10;
	s7 =	simm.s32 $0x2;
	s9 =	simm.s32 @!p0 $0x0  }
0xa: {  	[sflag:s7] =	ssyncpa.u1 $0x0;
	p0 =	por $0x0, $0x0;
	s8 =	sadd.s32 s9, s8  }
0xb: {  	vm0 =	vmmov $0xffff;
	[sflag:s10] =	ssyncpa.u1 $0x0;
	s10 =	simm.s32 $0x0;
	s9 =	sadd.s32 $0x1, s8  }
.LBB2_4:
0xc: {  	v5 =	vshrl.u32 v1, $0xA;
	v6 =	vshll.u32 v1, $0x7  }
0xd: {  	vm1 =	veq.s32 v1, $0x80000000;
	v58 =	vand.u32 $0x7F, v5;
	v59 =	vand.u32 $0x1FF80, v6  }
0xe: {  	v1 =	vsel vm1, $0xFFFFFFFF, v58;
	v5 =	vsel vm1, $0xFFFFFF80, v59  }
0xf: {  	v3 =	vor.u32 v4, v3;
	v60 =	vand.u32 $0xFFFFFC00, v5;
	v61 =	vand.u32 $0xFFFFFC00, v1  }
0x10: {  	v2 =	vor.u32 v2, v3;
	v63 =	vand.u32 $0x380, v5;
	v62 =	vadd.s32 v61, v60  }
0x11: {  	v1 =	vand.u32 $0x7F, v1;
	v3 =	vor.u32 v63, v62  }
0x12: {  	v1 =	vor.u32 v1, v3  }
0x13: {  	[tilespmem:s15], [sflag:$0x1] =	stream.indirect_vreg.gather [hbm4b:s3+s10], $0x1, v0, vm0, $0x4038;
	[tilespmem:$0x2000] =	vst v63  }
0x14: {  	(ifvalue) =	ssetifvalue $0x7FFFFFFF  }
0x15: {  	[tilespmem:s16], [sflag:$0x1] =	stream.indirect_vreg.gather [hbm4b:s3+s10], $0x1, v2, vm0, $0x4038;
	[tilespmem:$0x2000] =	vst v63  }
0x16: {  	s29 =	sadd.s32 $0x10, s16;
	(ifvalue) =	ssetifvalue $0x7FFFFFFF  }
0x17: {  	[tilespmem:s29], [sflag:$0x1] =	stream.indirect_vreg.gather [hbm4b:s3+s10], $0x1, v1, vm0, $0x4038;
	[tilespmem:$0x2000] =	vst v63  }
0x18: {  	_ =	swait.ge [sflag:s6], $0x800  }
0x19: {  	s30 =	sshrl.u32 s13, $0x3;
	[sflag:s6] =	ssyncset.done $0x0  }
0x1a: {  	s31 =	sand.u32 $0x7, s13;
	s15 =	sadd.s32 s5, s30;
	[sflag:s6] =	ssyncadd.s32 $0xFFFFF800  }
0x1b: {  	[hbm4b:s15+s31] =	stream.linear.scatter [tilespmem:s14], [sflag:$0x3], $0x800, $0x38;
	[tilespmem:$0x2000] =	vst v63  }
.LBB2_5:
0x1c: {  	s15 =	sadd.s32 $0x10000, s11  }
0x1d: {  	p2 =	sgt.s32 s15, $0x1FFFF  }
0x1e: {  	s15 =	smov.u32 @p2 s2;
	p2 =	sne.s32 s12, s9  }
.Ltmp1:
0x1f: {  	p1 =	slt.u32 s12, $0x2;
	(pc) =	sbr.rel @!p2 .LBB2_6-.Ltmp1, $4  }
0x20: {  	s14 =	simm.s32 @!p1 $0x3  }
0x21: {  	s16 =	sadd.s32 $0x1, s12;
	_ =	swait.ge @!p1 [sflag:s14], $0x800  }
0x22: {  	s13 =	smov.u32 s11;
	p0 =	por !p0, !p0;
	[sflag:s14] =	ssyncset.done @!p1 $0x0  }
0x23: {  	s12 =	smov.u32 s16;
	s11 =	smov.u32 s15;
	[sflag:s14] =	ssyncadd.s32 @!p1 $0xFFFFF800  }
.LBB2_1:
0x24: {  	p1 =	sge.u32 s12, s8  }
0x25: {  	s14 =	sxor.u32 @!p1 $0xFFFFFFFF, s12  }
0x26: {  	s31 =	sadd.s32 $0xFFFFFFFF, s12;
	s15 =	sshrl.u32 @!p1 s11, $0x3;
	s14 =	sshll.u32 @!p1 s14, $0xB  }
0x27: {  	s16 =	sand.u32 @!p1 $0x7, s11;
	s15 =	sadd.s32 @!p1 s4, s15;
	s14 =	sand.u32 @!p1 $0x800, s14  }
0x28: {  	[tilespmem:s14], [sflag:$0x2] =	stream.linear.gather @!p1 [hbm4b:s15+s16], $0x800, $0x38;
	[tilespmem:$0x2000] =	vst v63  }
0x29: {  	p1 =	sge.u32 s31, s8  }
.Ltmp2:
0x2a: {  	_ = 	snop;
	(pc) =	sbr.rel @p1 .LBB2_5-.Ltmp2, $1  }
0x2b: {  	_ =	sdelay $0x3  }
0x2c: {  	s14 =	simm.s32 $0x1  }
0x2d: {  	_ =	swait.ge [sflag:s7], $0x800;
	s14 =	simm.s32 @!p0 $0x0  }
0x2e: {  	[sflag:s7] =	ssyncset.done $0x0;
	s14 =	sshll.u32 s14, $0xB  }
0x2f: {  	[sflag:s7] =	ssyncadd.s32 $0xFFFFF800;
	(ifvalue) =	ssetifvalue $0x7FFFFFFF;
	v0 =	vld.msk [tilespmem:s14+$0x0 ss:$0x1], $0xffff;
	_ =	sdelay $0x4  }
0x30: {  	s15 =	sadd.s32 $0x10, s14;
	v2 =	vshrl.u32 v0, $0xA;
	v3 =	vshll.u32 v0, $0x7  }
0x31: {  	v1 =	vld.msk [tilespmem:s15+$0x0 ss:$0x1], $0xffff;
	vm1 =	veq.s32 v0, $0x80000000;
	v0 =	vand.u32 $0x7F, v2;
	v2 =	vand.u32 $0x1FF80, v3  }
0x32: {  	v0 =	vsel vm1, $0xFFFFFFFF, v0;
	v2 =	vsel vm1, $0xFFFFFF80, v2  }
0x33: {  	v3 =	vand.u32 $0xFFFFFC00, v2;
	v4 =	vand.u32 $0xFFFFFC00, v0  }
0x34: {  	v2 =	vand.u32 $0x380, v2;
	v3 =	vadd.s32 v4, v3  }
0x35: {  	v0 =	vand.u32 $0x7F, v0;
	v2 =	vor.u32 v2, v3  }
0x36: {  	v5 =	vshll.u32 v1, $0x7;
	v4 =	vshrl.u32 v1, $0xA;
	v0 =	vor.u32 v0, v2  }
0x37: {  	s16 =	sshll.u32 s12, $0xB;
	vm1 =	veq.s32 v1, $0x80000000;
	v1 =	vand.u32 $0x7F, v4;
	v4 =	vand.u32 $0x1FF80, v5  }
0x38: {  	s16 =	sand.u32 $0x800, s16;
	s18 =	sadd.s32 $0x10, s15;
	v3 =	vsel vm1, $0xFFFFFFFF, v1;
	v4 =	vsel vm1, $0xFFFFFF80, v4  }
0x39: {  	s17 =	simm.s32 $0x20;
	s15 =	sor.u32 $0x1000, s14;
	s14 =	sor.u32 $0x1000, s16;
	v1 =	vld.msk [tilespmem:s18+$0x0 ss:$0x1], $0xffff;
	v5 =	vand.u32 $0xFFFFFC00, v4;
	v6 =	vand.u32 $0xFFFFFC00, v3  }
0x3a: {  	s16 =	sadd.s32 $0x10, s15;
	s18 =	sadd.s32 $0x10, s18;
	(ifvalue) =	ssetifvalue $0x7FFFFFFF;
	v2 =	vand.u32 $0x7F, v3;
	v4 =	vand.u32 $0x380, v4;
	v3 =	vadd.s32 v6, v5  }
.LBB2_3:
0x3b: {  	[tilespmem:s15], [sflag:$0x1] =	stream.indirect_vreg.gather [hbm4b:s3+s10], $0x1, v0, vm0, $0x4038;
	[tilespmem:$0x2000] =	vst v63  }
0x3c: {  	s17 =	sadd.s32 $0x10, s17  }
0x3d: {  	v3 =	vor.u32 v4, v3;
	p1 =	slt.u32 s17, $0x7F0  }
.Ltmp3:
0x3e: {  	v4 =	vshrl.u32 v1, $0xA;
	v5 =	vshll.u32 v1, $0x7;
	s15 =	smov.u32 s16;
	v0 =	vor.u32 v2, v3;
	v2 =	vmovc v1;
	v1 =	vld.msk [tilespmem:s18+$0x0 ss:$0x1], $0xffff;
	(pc) =	sbr.rel @p1 .LBB2_3-.Ltmp3, $4  }
0x3f: {  	v3 =	vand.u32 $0x1FF80, v5;
	vm1 =	veq.s32 v2, $0x80000000;
	v2 =	vand.u32 $0x7F, v4  }
0x40: {  	v4 =	vsel vm1, $0xFFFFFFFF, v2;
	v5 =	vsel vm1, $0xFFFFFF80, v3  }
0x41: {  	v2 =	vand.u32 $0x7F, v4;
	v3 =	vand.u32 $0xFFFFFC00, v5;
	v4 =	vand.u32 $0xFFFFFC00, v4  }
0x42: {  	s16 =	sadd.s32 $0x10, s16;
	s18 =	sadd.s32 $0x10, s18;
	v3 =	vadd.s32 v4, v3;
	v4 =	vand.u32 $0x380, v5;
	(ifvalue) =	ssetifvalue $0x7FFFFFFF  }
.Ltmp4:
0x43: {  	_ = 	snop;
	(pc) =	sbr.rel .LBB2_4-.Ltmp4, $1  }
0x44: {  	_ =	sdelay $0x3  }
.LBB2_6:
0x45: {  	_ =	sfence.sel $0x180000  }
0x46: {  	s2 =	simm.s32 $0x2;
	[bflag:$0x0] =	sbarrier.arrive $0xFFFF  }
0x47: {  	s30 =	simm.s32 $0x3;
	[sflag:s2] =	ssyncpa.u1 $0x1  }
0x48: {  	s31 =	simm.s32 $0x1;
	[sflag:s30] =	ssyncpa.u1 $0x1  }
0x49: {  	[sflag:s31] =	ssyncpa.u1 $0x1  }
0x4a: {  	p0 =	sne.s32 s1, $0x0;
	_ =	strace $0x90000053  }
0x4b: {  	s0 =	sadd.s32 @!p0 $0x100000, s0;
	[bflag:$0x2] =	sbarrier.arrive $0xFFFF  }
0x4c: {  	[sflag:s0] =	ssyncadd.tile.s32 @!p0 $0x1;
	_ =	shalt  }
.Lfunc_end2:
_tile_overlayer_lowered:
.L_overlay_start_2:
0x4d: {  	(tag) =	ssettag $0x2  }
0x4e: {  	s0 =	rddreg [dreg:$0x0];
	s2 =	stileid.u32  }
0x4f: {  	s1 =	rddreg [dreg:$0x1];
	p0 =	sne.s32 s2, $0x0  }
0x50: {  	s3 =	rddreg [dreg:$0x2];
	[bflag:$0x3] =	sbarrier.arrive $0xFFFF;
	s2 =	simm.s32 @!p0 $0x1C01  }
0x51: {  	[timem:s3], [sflag:s2] =	dma.local @!p0 [hbm:s0], s1  }
0x52: {  	s0 =	simm.s32 @!p0 $0x1  }
0x53: {  	_ =	swait.ge @!p0 [sflag:s0], s1  }
0x54: {  	s1 =	ssub.s32 @!p0 $0x0, s1;
	[sflag:s0] =	ssyncset.done @!p0 $0x0  }
0x55: {  	[sflag:s0] =	ssyncadd.s32 @!p0 s1  }
0x56: {  	[bflag:$0x3] =	sbarrier.arrive $0xFFFF  }
0x57: {  	_ =	shalt  }

// kernel: gather_offload_async_start.5
scs
__scs_entry_jumppad:
0x0: {  	(pc) =	sbr.rel $0x88, $3  }
0x1: {  	(tag) =	ssettag $0x0;
	lr =	simm.s32 $0x1  }
0x2: {  	[smem:$0x3F92] =	sst lr;
	_ =	strace $0xD0000000  }
0x3: {  	_ = 	snop  }
0x4: {  	_ = 	snop  }
0x5: {  	_ = 	snop  }
0x6: {  	_ = 	snop  }
0x7: {  	_ = 	snop  }
__scs_overlays_trampoline_lowered:
0x8: {  	[smem:$0x3FA1] =	sst s0  }
0x9: {  	[smem:$0x3FA2] =	sst s1  }
0xa: {  	[smem:$0x3FA3] =	sst s2  }
0xb: {  	[smem:$0x3FA4] =	sst s3  }
0xc: {  	[smem:$0x3FA5] =	sst s4  }
0xd: {  	[smem:$0x3FA6] =	sst s5  }
0xe: {  	[smem:$0x3FA7] =	sst s6  }
0xf: {  	[smem:$0x3FA8] =	sst s7  }
0x10: {  	[smem:$0x3FA9] =	sst s8  }
0x11: {  	[smem:$0x3FAA] =	sst s9;
	s0 =	simm.s32 @!p0 $0x0  }
0x12: {  	s1 =	sld [smem:$0x3F90];
	s0 =	simm.s32 @p0 $0x1  }
0x13: {  	[smem:$0x3FAB] =	sst s0;
	s0 =	simm.s32 @!p1 $0x0  }
0x14: {  	s2 =	sld [smem:$0x3F8F];
	s0 =	simm.s32 @p1 $0x1  }
0x15: {  	[smem:$0x3FAC] =	sst s0;
	s0 =	simm.s32 @!p2 $0x0  }
0x16: {  	s3 =	sld [smem:$0x3FDB];
	s0 =	simm.s32 @p2 $0x1  }
0x17: {  	s4 =	simm.s32 $0x1BF5;
	[smem:$0x3FAE] =	sst s0  }
0x18: {  	s0 =	sld [smem:$0x3F91];
	_ =	swait.ge [sflag:s4], $0x0  }
0x19: {  	s7 =	sld [smem:$0x3F92]  }
0x1a: {  	s8 =	sadd.s32 $0xFFFFE003, lr  }
0x1b: {  	s9 =	sadd.s32 $0xFFFFFEF7, lr;
	s5 =	simm.s32 $0xFFFFFFFF;
	p2 =	slt.u32 s8, $0xFFFFF086  }
0x1c: {  	p1 =	slt.u32 s9, $0xF7A;
	s5 =	simm.s32 @!p2 $0x0  }
0x1d: {  	s5 =	simm.s32 @p1 $0x1;
	p0 =	seq.s32 s7, s2  }
0x1e: {  	s7 =	smul.u32 @!p0 $0xF7A, s2;
	p2 =	seq.s32 @!p0 s5, $0x0  }
0x1f: {  	s9 =	smul.u32 $0xF7A, s1;
	s8 =	simm.s32 @!p0 $0x1BF5;
	p2 =	por !p2, p0  }
0x20: {  	[sflag:s8] =	ssyncset.s32 @!p0 $0xFFFFF086;
	s6 =	sadd.s32 @!p0 s3, s7;
	s7 =	simm.s32 @!p0 $0x108  }
0x21: {  	s3 =	sadd.s32 s3, s9;
	s6 =	sadd.s32 @!p0 $0x88, s6;
	s7 =	simm.s32 @p2 $0x1082  }
0x22: {  	[simem:s7], [sflag:s8] =	dma.local @!p0 [hbm:s6], $0xF7A  }
0x23: {  	s9 =	sor.u32 $0xD0000000, s2;
	s6 =	simm.s32 $0x108;
	_ =	swait.ge @!p0 [sflag:s8], $0x0  }
0x24: {  	s3 =	sadd.s32 $0x88, s3;
	s6 =	simm.s32 @!p1 $0x1082;
	[sflag:s4] =	ssyncset.s32 $0xFFFFF086  }
0x25: {  	[simem:s6], [sflag:s4] =	dma.local [hbm:s3], $0xF7A  }
0x26: {  	[smem:$0x3F92] =	sst s1;
	(tag) =	ssettag s2;
	_ =	strace s9  }
0x27: {  	s1 =	sld [smem:$0x3FA2]  }
0x28: {  	s2 =	sld [smem:$0x3FA3]  }
0x29: {  	s4 =	sld [smem:$0x3FA5]  }
0x2a: {  	p0 =	seq.s32 s5, $0x0;
	s5 =	sld [smem:$0x3FA6]  }
0x2b: {  	s6 =	sld [smem:$0x3FA7]  }
0x2c: {  	s7 =	sld [smem:$0x3FA8]  }
0x2d: {  	s3 =	simm.s32 $0x108;
	s8 =	sld [smem:$0x3FA9]  }
0x2e: {  	s3 =	simm.s32 @!p0 $0x1082;
	s9 =	sld [smem:$0x3FAA]  }
0x2f: {  	lr =	sadd.s32 s0, s3;
	s0 =	sld [smem:$0x3FA1]  }
0x30: {  	s3 =	sld [smem:$0x3FA4]  }
0x31: {  	[smem:$0x3FAD] =	sst s10  }
0x32: {  	s10 =	sld [smem:$0x3FAB];
	_ =	sdelay $0x3  }
0x33: {  	p0 =	seq.s32 s10, $0x1;
	s10 =	sld [smem:$0x3FAD];
	_ =	sdelay $0x3  }
0x34: {  	[smem:$0x3FAD] =	sst s10  }
0x35: {  	s10 =	sld [smem:$0x3FAC];
	_ =	sdelay $0x3  }
0x36: {  	p1 =	seq.s32 s10, $0x1;
	s10 =	sld [smem:$0x3FAD];
	_ =	sdelay $0x3  }
0x37: {  	[smem:$0x3FAD] =	sst s10  }
0x38: {  	s10 =	sld [smem:$0x3FAE]  }
0x39: {  	_ = 	snop;
	(pc) =	sbr.ind lr, $3  }
0x3a: {  	_ = 	snop  }
0x3b: {  	_ = 	snop  }
0x3c: {  	p2 =	seq.s32 s10, $0x1;
	s10 =	sld [smem:$0x3FAD]  }
0x3d: {  	_ =	shalt  }
0x3e: {  	_ =	shalt  }
0x3f: {  	_ =	shalt  }
0x40: {  	_ =	shalt  }
0x41: {  	_ =	shalt  }
0x42: {  	_ =	shalt  }
0x43: {  	_ =	shalt  }
0x44: {  	_ =	shalt  }
0x45: {  	_ =	shalt  }
0x46: {  	_ =	shalt  }
0x47: {  	_ =	shalt  }
0x48: {  	_ =	shalt  }
0x49: {  	_ =	shalt  }
0x4a: {  	_ =	shalt  }
0x4b: {  	_ =	shalt  }
0x4c: {  	_ =	shalt  }
0x4d: {  	_ =	shalt  }
0x4e: {  	_ =	shalt  }
0x4f: {  	_ =	shalt  }
0x50: {  	_ =	shalt  }
0x51: {  	_ =	shalt  }
0x52: {  	_ =	shalt  }
0x53: {  	_ =	shalt  }
0x54: {  	_ =	shalt  }
0x55: {  	_ =	shalt  }
0x56: {  	_ =	shalt  }
0x57: {  	_ =	shalt  }
0x58: {  	_ =	shalt  }
0x59: {  	_ =	shalt  }
0x5a: {  	_ =	shalt  }
0x5b: {  	_ =	shalt  }
0x5c: {  	_ =	shalt  }
0x5d: {  	_ =	shalt  }
0x5e: {  	_ =	shalt  }
0x5f: {  	_ =	shalt  }
0x60: {  	_ =	shalt  }
0x61: {  	_ =	shalt  }
0x62: {  	_ =	shalt  }
0x63: {  	_ =	shalt  }
0x64: {  	_ =	shalt  }
0x65: {  	_ =	shalt  }
0x66: {  	_ =	shalt  }
0x67: {  	_ =	shalt  }
0x68: {  	_ =	shalt  }
0x69: {  	_ =	shalt  }
0x6a: {  	_ =	shalt  }
0x6b: {  	_ =	shalt  }
0x6c: {  	_ =	shalt  }
0x6d: {  	_ =	shalt  }
0x6e: {  	_ =	shalt  }
0x6f: {  	_ =	shalt  }
0x70: {  	_ =	shalt  }
0x71: {  	_ =	shalt  }
0x72: {  	_ =	shalt  }
0x73: {  	_ =	shalt  }
0x74: {  	_ =	shalt  }
0x75: {  	_ =	shalt  }
0x76: {  	_ =	shalt  }
0x77: {  	_ =	shalt  }
0x78: {  	_ =	shalt  }
0x79: {  	_ =	shalt  }
0x7a: {  	_ =	shalt  }
0x7b: {  	_ =	shalt  }
0x7c: {  	_ =	shalt  }
0x7d: {  	_ =	shalt  }
0x7e: {  	_ =	shalt  }
0x7f: {  	_ =	shalt  }
0x80: {  	_ =	shalt  }
0x81: {  	_ =	shalt  }
0x82: {  	_ =	shalt  }
0x83: {  	_ =	shalt  }
0x84: {  	_ =	shalt  }
0x85: {  	_ =	shalt  }
0x86: {  	_ =	shalt  }
0x87: {  	_ =	shalt  }
.Lfunc_end0:
.L_simem_size_0:
called_computation.7_lowered:
.L_overlay_start_0:
0x88: {  	s2 =	sld [smem:$0x3FD9]  }
0x89: {  	s3 =	sld [smem:$0x3FFE];
	_ =	sdelay $0x1  }
0x8a: {  	s1 =	srdreg.scid  }
0x8b: {  	s0 =	sand.u32 $0x1, s1  }
0x8c: {  	s17 =	sshll.u32 s0, $0xA;
	s2 =	sadd.s32 s3, s2  }
0x8d: {  	s2 =	sadd.s32 s2, s17  }
0x8e: {  	[smem:$0x3FB9] =	sst s2  }
0x8f: {  	_ = 	snop  }
0x90: {  	s2 =	sld [smem:$0x3FD0];
	(tm) =	ssettm $0x1  }
0x91: {  	s18 =	sld [smem:$0x3FFB];
	_ =	sdelay $0x3  }
0x92: {  	_ =	strace s18  }
0x93: {  	s3 =	sld [smem:$0x3FFC];
	_ =	sdelay $0x3  }
0x94: {  	_ =	strace s3  }
0x95: {  	s3 =	sld [smem:$0x3FFD];
	_ =	sdelay $0x3  }
0x96: {  	_ =	strace s3  }
0x97: {  	_ =	strace $0x8FFFFFFF  }
0x98: {  	s19 =	sld [smem:$0x3FDB];
	_ =	sdelay $0x1  }
0x99: {  	s4 =	simm.s32 $_scs_section_size  }
0x9a: {  	s5 =	simm.s32 $_size__tile_overlayer_lowered;
	s6 =	simm.s32 $_tile_overlayer_lowered  }
0x9b: {  	s22 =	simm.s32 $0x1BFF;
	s21 =	sshll.u32 s6, $0x1;
	s3 =	sadd.s32 s4, s19  }
0x9c: {  	s7 =	simm.s32 $0x0;
	s20 =	sshll.u32 s5, $0x1;
	s5 =	sadd.s32 s21, s3  }
0x9d: {  	[timem:s7], [sflag:s22] =	dma.local [hbm:s5], s20  }
0x9e: {  	_ =	swait.ge [sflag:s22], s20  }
0x9f: {  	s4 =	ssub.s32 $0x0, s20;
	[sflag:s22] =	ssyncset.done $0x0  }
0xa0: {  	[sflag:s22] =	ssyncadd.s32 s4;
	_ =	sdelay $0x1  }
0xa1: {  	s23 =	simm.s32 $0x1B8B  }
0xa2: {  	_ =	swait.ge [sflag:s23], $0x1  }
0xa3: {  	[sflag:s23] =	ssyncset.done $0x0  }
0xa4: {  	s25 =	simm.s32 $0x1B8E;
	s24 =	sld [smem:$0x3FFE];
	[sflag:s23] =	ssyncadd.s32 $0xFFFFFFFF  }
0xa5: {  	s26 =	simm.s32 $execute0_lowered;
	[smem:$0x3FD2] =	sst s25  }
0xa6: {  	s5 =	sshll.u32 s26, $0x1;
	_ =	strace $0x80000055;
	[dreg:$0x1] =	wrdreg $0xFFFFFFFF  }
0xa7: {  	s28 =	simm.s32 $_size_execute0_lowered;
	s3 =	sadd.s32 s3, s5;
	[dreg:$0x0] =	wrdreg $0x0  }
0xa8: {  	s5 =	sshll.u32 s28, $0x1;
	[dreg:$0x2] =	wrdreg s3  }
0xa9: {  	[dreg:$0x3] =	wrdreg s5  }
0xaa: {  	[dreg:$0x4] =	wrdreg $0xC0  }
0xab: {  	_ =	task [dreg:s7], $0x5FFFF  }
0xac: {  	[dreg:$0x1] =	wrdreg $0xFFFFFFFF  }
0xad: {  	[dreg:$0x0] =	wrdreg $0x60  }
0xae: {  	[dreg:$0x2] =	wrdreg s24  }
0xaf: {  	[dreg:$0x3] =	wrdreg s2  }
0xb0: {  	[dreg:$0x4] =	wrdreg $0x9  }
0xb1: {  	_ =	task.clear_ibuf [dreg:s7], $0x5FFFF;
	_ =	strace $0x90000055  }
0xb2: {  	s29 =	simm.s32 $0x9;
	_ =	strace $0x80000057  }
0xb3: {  	_ =	swait.ge [sflag:s29], $0x1  }
0xb4: {  	[sflag:s29] =	ssyncadd.s32 $0xFFFFFFFF  }
0xb5: {  	_ =	strace $0x90000057  }
0xb6: {  	_ =	sfence  }
0xb7: {  	s30 =	sld [smem:$0x0];
	_ =	sdelay $0x2  }
0xb8: {  	s31 =	sshll.u32 s1, $0xD;
	s1 =	sshrl.u32 s1, $0x2  }
0xb9: {  	s3 =	sand.u32 $0x4000, s31;
	s1 =	sadd.s32 s1, s30  }
0xba: {  	s0 =	sor.u32 s3, s0;
	s1 =	sshll.u32 s1, $0x11  }
0xbb: {  	s0 =	sor.u32 s1, s0  }
0xbc: {  	s0 =	sadd.s32 $0x8F2B, s0  }
0xbd: {  	[sflag:s0] =	ssyncadd.remote.s32 $0x1  }
0xbe: {  	_ =	sfence.sel $0xFFFF  }
0xbf: {  	[dreg:$0x0] =	wrdreg $0xFFFFFFFF;
	(pc) =	sbr.abs _section_cstart, $3  }
0xc0: {  	[dreg:$0x1] =	wrdreg $0xFFFFFFFF  }
0xc1: {  	_ =	task.clear_ibuf [dreg:s7], $0x2FFFF;
	_ =	strace $0x9FFFFFFF  }
0xc2: {  	(tm) =	ssettm $0x7FFFFFFF  }
0xc3: {  	_ =	shalt  }
tec
execute0_lowered:
.L_overlay_start_1:
0x0: {  	(tag) =	ssettag $0x1  }
0x1: {  	s1 =	srdreg.scid;
	s5 =	rddreg [dreg:$0x0]  }
0x2: {  	s0 =	stileid.u32;
	s2 =	rddreg [dreg:$0x1];
	s6 =	simm.s32 $0x1  }
0x3: {  	s9 =	simm.s32 $0x1;
	s10 =	simm.s32 $0x3;
	s1 =	sshll.u32 s1, $0xB  }
0x4: {  	s13 =	simm.s32 $0x0;
	s3 =	sshll.u32 s0, $0xC;
	s4 =	sand.u32 $0x800, s1  }
0x5: {  	s12 =	simm.s32 $0x0;
	s1 =	rddreg [dreg:$0x2];
	s3 =	sor.u32 s3, s4  }
0x6: {  	_ =	strace $0x80000056;
	s4 =	sadd.s32 $0x4000, s5;
	s8 =	ssub.s32 $0x20000, s3  }
.Ltmp0:
0x7: {  	s5 =	sadd.s32 $0x8000, s5;
	s7 =	sand.u32 $0xF800, s8;
	(pc) =	sbr.rel .LBB2_1-.Ltmp0, $4  }
0x8: {  	[sflag:s6] =	ssyncpa.u1 $0x0;
	s11 =	smov.u32 s3;
	p0 =	sne.s32 s7, $0x0  }
0x9: {  	s8 =	sshrl.u32 s8, $0x10;
	s7 =	simm.s32 $0x2;
	s9 =	simm.s32 @!p0 $0x0  }
0xa: {  	[sflag:s7] =	ssyncpa.u1 $0x0;
	p0 =	por $0x0, $0x0;
	s8 =	sadd.s32 s9, s8  }
0xb: {  	vm0 =	vmmov $0xffff;
	[sflag:s10] =	ssyncpa.u1 $0x0;
	s10 =	simm.s32 $0x0;
	s9 =	sadd.s32 $0x1, s8  }
.LBB2_4:
0xc: {  	v5 =	vshrl.u32 v1, $0xA;
	v6 =	vshll.u32 v1, $0x7  }
0xd: {  	vm1 =	veq.s32 v1, $0x80000000;
	v58 =	vand.u32 $0x7F, v5;
	v59 =	vand.u32 $0x1FF80, v6  }
0xe: {  	v1 =	vsel vm1, $0xFFFFFFFF, v58;
	v5 =	vsel vm1, $0xFFFFFF80, v59  }
0xf: {  	v3 =	vor.u32 v4, v3;
	v60 =	vand.u32 $0xFFFFFC00, v5;
	v61 =	vand.u32 $0xFFFFFC00, v1  }
0x10: {  	v2 =	vor.u32 v2, v3;
	v63 =	vand.u32 $0x380, v5;
	v62 =	vadd.s32 v61, v60  }
0x11: {  	v1 =	vand.u32 $0x7F, v1;
	v3 =	vor.u32 v63, v62  }
0x12: {  	v1 =	vor.u32 v1, v3  }
0x13: {  	[tilespmem:s15], [sflag:$0x1] =	stream.indirect_vreg.gather [hbm4b:s4+s10], $0x1, v0, vm0, $0x4038;
	[tilespmem:$0x2000] =	vst v63  }
0x14: {  	(ifvalue) =	ssetifvalue $0x7FFFFFFF  }
0x15: {  	[tilespmem:s16], [sflag:$0x1] =	stream.indirect_vreg.gather [hbm4b:s4+s10], $0x1, v2, vm0, $0x4038;
	[tilespmem:$0x2000] =	vst v63  }
0x16: {  	s29 =	sadd.s32 $0x10, s16;
	(ifvalue) =	ssetifvalue $0x7FFFFFFF  }
0x17: {  	[tilespmem:s29], [sflag:$0x1] =	stream.indirect_vreg.gather [hbm4b:s4+s10], $0x1, v1, vm0, $0x4038;
	[tilespmem:$0x2000] =	vst v63  }
0x18: {  	_ =	swait.ge [sflag:s6], $0x800  }
0x19: {  	s30 =	sshrl.u32 s13, $0x3;
	[sflag:s6] =	ssyncset.done $0x0  }
0x1a: {  	s31 =	sand.u32 $0x7, s13;
	s15 =	sadd.s32 s2, s30;
	[sflag:s6] =	ssyncadd.s32 $0xFFFFF800  }
0x1b: {  	[hbm4b:s15+s31] =	stream.linear.scatter [tilespmem:s14], [sflag:$0x3], $0x800, $0x38;
	[tilespmem:$0x2000] =	vst v63  }
.LBB2_5:
0x1c: {  	s15 =	sadd.s32 $0x10000, s11  }
0x1d: {  	p2 =	sgt.s32 s15, $0x1FFFF  }
0x1e: {  	s15 =	smov.u32 @p2 s3;
	p2 =	sne.s32 s12, s9  }
.Ltmp1:
0x1f: {  	p1 =	slt.u32 s12, $0x2;
	(pc) =	sbr.rel @!p2 .LBB2_6-.Ltmp1, $4  }
0x20: {  	s14 =	simm.s32 @!p1 $0x3  }
0x21: {  	s16 =	sadd.s32 $0x1, s12;
	_ =	swait.ge @!p1 [sflag:s14], $0x800  }
0x22: {  	s13 =	smov.u32 s11;
	p0 =	por !p0, !p0;
	[sflag:s14] =	ssyncset.done @!p1 $0x0  }
0x23: {  	s12 =	smov.u32 s16;
	s11 =	smov.u32 s15;
	[sflag:s14] =	ssyncadd.s32 @!p1 $0xFFFFF800  }
.LBB2_1:
0x24: {  	p1 =	sge.u32 s12, s8  }
0x25: {  	s14 =	sxor.u32 @!p1 $0xFFFFFFFF, s12  }
0x26: {  	s31 =	sadd.s32 $0xFFFFFFFF, s12;
	s15 =	sshrl.u32 @!p1 s11, $0x3;
	s14 =	sshll.u32 @!p1 s14, $0xB  }
0x27: {  	s16 =	sand.u32 @!p1 $0x7, s11;
	s15 =	sadd.s32 @!p1 s5, s15;
	s14 =	sand.u32 @!p1 $0x800, s14  }
0x28: {  	[tilespmem:s14], [sflag:$0x2] =	stream.linear.gather @!p1 [hbm4b:s15+s16], $0x800, $0x38;
	[tilespmem:$0x2000] =	vst v63  }
0x29: {  	p1 =	sge.u32 s31, s8  }
.Ltmp2:
0x2a: {  	_ = 	snop;
	(pc) =	sbr.rel @p1 .LBB2_5-.Ltmp2, $1  }
0x2b: {  	_ =	sdelay $0x3  }
0x2c: {  	s14 =	simm.s32 $0x1  }
0x2d: {  	_ =	swait.ge [sflag:s7], $0x800;
	s14 =	simm.s32 @!p0 $0x0  }
0x2e: {  	[sflag:s7] =	ssyncset.done $0x0;
	s14 =	sshll.u32 s14, $0xB  }
0x2f: {  	[sflag:s7] =	ssyncadd.s32 $0xFFFFF800;
	(ifvalue) =	ssetifvalue $0x7FFFFFFF;
	v0 =	vld.msk [tilespmem:s14+$0x0 ss:$0x1], $0xffff;
	_ =	sdelay $0x4  }
0x30: {  	s15 =	sadd.s32 $0x10, s14;
	v2 =	vshrl.u32 v0, $0xA;
	v3 =	vshll.u32 v0, $0x7  }
0x31: {  	v1 =	vld.msk [tilespmem:s15+$0x0 ss:$0x1], $0xffff;
	vm1 =	veq.s32 v0, $0x80000000;
	v0 =	vand.u32 $0x7F, v2;
	v2 =	vand.u32 $0x1FF80, v3  }
0x32: {  	v0 =	vsel vm1, $0xFFFFFFFF, v0;
	v2 =	vsel vm1, $0xFFFFFF80, v2  }
0x33: {  	v3 =	vand.u32 $0xFFFFFC00, v2;
	v4 =	vand.u32 $0xFFFFFC00, v0  }
0x34: {  	v2 =	vand.u32 $0x380, v2;
	v3 =	vadd.s32 v4, v3  }
0x35: {  	v0 =	vand.u32 $0x7F, v0;
	v2 =	vor.u32 v2, v3  }
0x36: {  	v5 =	vshll.u32 v1, $0x7;
	v4 =	vshrl.u32 v1, $0xA;
	v0 =	vor.u32 v0, v2  }
0x37: {  	s16 =	sshll.u32 s12, $0xB;
	vm1 =	veq.s32 v1, $0x80000000;
	v1 =	vand.u32 $0x7F, v4;
	v4 =	vand.u32 $0x1FF80, v5  }
0x38: {  	s16 =	sand.u32 $0x800, s16;
	s18 =	sadd.s32 $0x10, s15;
	v3 =	vsel vm1, $0xFFFFFFFF, v1;
	v4 =	vsel vm1, $0xFFFFFF80, v4  }
0x39: {  	s17 =	simm.s32 $0x20;
	s15 =	sor.u32 $0x1000, s14;
	s14 =	sor.u32 $0x1000, s16;
	v1 =	vld.msk [tilespmem:s18+$0x0 ss:$0x1], $0xffff;
	v5 =	vand.u32 $0xFFFFFC00, v4;
	v6 =	vand.u32 $0xFFFFFC00, v3  }
0x3a: {  	s16 =	sadd.s32 $0x10, s15;
	s18 =	sadd.s32 $0x10, s18;
	(ifvalue) =	ssetifvalue $0x7FFFFFFF;
	v2 =	vand.u32 $0x7F, v3;
	v4 =	vand.u32 $0x380, v4;
	v3 =	vadd.s32 v6, v5  }
.LBB2_3:
0x3b: {  	[tilespmem:s15], [sflag:$0x1] =	stream.indirect_vreg.gather [hbm4b:s4+s10], $0x1, v0, vm0, $0x4038;
	[tilespmem:$0x2000] =	vst v63  }
0x3c: {  	s17 =	sadd.s32 $0x10, s17  }
0x3d: {  	v3 =	vor.u32 v4, v3;
	p1 =	slt.u32 s17, $0x7F0  }
.Ltmp3:
0x3e: {  	v4 =	vshrl.u32 v1, $0xA;
	v5 =	vshll.u32 v1, $0x7;
	s15 =	smov.u32 s16;
	v0 =	vor.u32 v2, v3;
	v2 =	vmovc v1;
	v1 =	vld.msk [tilespmem:s18+$0x0 ss:$0x1], $0xffff;
	(pc) =	sbr.rel @p1 .LBB2_3-.Ltmp3, $4  }
0x3f: {  	v3 =	vand.u32 $0x1FF80, v5;
	vm1 =	veq.s32 v2, $0x80000000;
	v2 =	vand.u32 $0x7F, v4  }
0x40: {  	v4 =	vsel vm1, $0xFFFFFFFF, v2;
	v5 =	vsel vm1, $0xFFFFFF80, v3  }
0x41: {  	v2 =	vand.u32 $0x7F, v4;
	v3 =	vand.u32 $0xFFFFFC00, v5;
	v4 =	vand.u32 $0xFFFFFC00, v4  }
0x42: {  	s16 =	sadd.s32 $0x10, s16;
	s18 =	sadd.s32 $0x10, s18;
	v3 =	vadd.s32 v4, v3;
	v4 =	vand.u32 $0x380, v5;
	(ifvalue) =	ssetifvalue $0x7FFFFFFF  }
.Ltmp4:
0x43: {  	_ = 	snop;
	(pc) =	sbr.rel .LBB2_4-.Ltmp4, $1  }
0x44: {  	_ =	sdelay $0x3  }
.LBB2_6:
0x45: {  	_ =	sfence.sel $0x180000  }
0x46: {  	s2 =	simm.s32 $0x2;
	[bflag:$0x0] =	sbarrier.arrive $0xFFFF  }
0x47: {  	s30 =	simm.s32 $0x3;
	[sflag:s2] =	ssyncpa.u1 $0x1  }
0x48: {  	s31 =	simm.s32 $0x1;
	[sflag:s30] =	ssyncpa.u1 $0x1  }
0x49: {  	[sflag:s31] =	ssyncpa.u1 $0x1  }
0x4a: {  	p0 =	sne.s32 s0, $0x0;
	_ =	strace $0x90000056  }
0x4b: {  	s0 =	sadd.s32 @!p0 $0x100000, s1;
	[bflag:$0x2] =	sbarrier.arrive $0xFFFF  }
0x4c: {  	[sflag:s0] =	ssyncadd.tile.s32 @!p0 $0x1;
	_ =	shalt  }
.Lfunc_end2:
_tile_overlayer_lowered:
.L_overlay_start_2:
0x4d: {  	(tag) =	ssettag $0x2  }
0x4e: {  	s0 =	rddreg [dreg:$0x0];
	s2 =	stileid.u32  }
0x4f: {  	s1 =	rddreg [dreg:$0x1];
	p0 =	sne.s32 s2, $0x0  }
0x50: {  	s3 =	rddreg [dreg:$0x2];
	[bflag:$0x3] =	sbarrier.arrive $0xFFFF;
	s2 =	simm.s32 @!p0 $0x1C01  }
0x51: {  	[timem:s3], [sflag:s2] =	dma.local @!p0 [hbm:s0], s1  }
0x52: {  	s0 =	simm.s32 @!p0 $0x1  }
0x53: {  	_ =	swait.ge @!p0 [sflag:s0], s1  }
0x54: {  	s1 =	ssub.s32 @!p0 $0x0, s1;
	[sflag:s0] =	ssyncset.done @!p0 $0x0  }
0x55: {  	[sflag:s0] =	ssyncadd.s32 @!p0 s1  }
0x56: {  	[bflag:$0x3] =	sbarrier.arrive $0xFFFF  }
0x57: {  	_ =	shalt  }

// kernel: gather_offload_async_start
scs
__scs_entry_jumppad:
0x0: {  	(pc) =	sbr.rel $0x88, $3  }
0x1: {  	(tag) =	ssettag $0x0;
	lr =	simm.s32 $0x1  }
0x2: {  	[smem:$0x3F92] =	sst lr;
	_ =	strace $0xD0000000  }
0x3: {  	_ = 	snop  }
0x4: {  	_ = 	snop  }
0x5: {  	_ = 	snop  }
0x6: {  	_ = 	snop  }
0x7: {  	_ = 	snop  }
__scs_overlays_trampoline_lowered:
0x8: {  	[smem:$0x3FA1] =	sst s0  }
0x9: {  	[smem:$0x3FA2] =	sst s1  }
0xa: {  	[smem:$0x3FA3] =	sst s2  }
0xb: {  	[smem:$0x3FA4] =	sst s3  }
0xc: {  	[smem:$0x3FA5] =	sst s4  }
0xd: {  	[smem:$0x3FA6] =	sst s5  }
0xe: {  	[smem:$0x3FA7] =	sst s6  }
0xf: {  	[smem:$0x3FA8] =	sst s7  }
0x10: {  	[smem:$0x3FA9] =	sst s8  }
0x11: {  	[smem:$0x3FAA] =	sst s9;
	s0 =	simm.s32 @!p0 $0x0  }
0x12: {  	s1 =	sld [smem:$0x3F90];
	s0 =	simm.s32 @p0 $0x1  }
0x13: {  	[smem:$0x3FAB] =	sst s0;
	s0 =	simm.s32 @!p1 $0x0  }
0x14: {  	s2 =	sld [smem:$0x3F8F];
	s0 =	simm.s32 @p1 $0x1  }
0x15: {  	[smem:$0x3FAC] =	sst s0;
	s0 =	simm.s32 @!p2 $0x0  }
0x16: {  	s3 =	sld [smem:$0x3FDB];
	s0 =	simm.s32 @p2 $0x1  }
0x17: {  	s4 =	simm.s32 $0x1BF5;
	[smem:$0x3FAE] =	sst s0  }
0x18: {  	s0 =	sld [smem:$0x3F91];
	_ =	swait.ge [sflag:s4], $0x0  }
0x19: {  	s7 =	sld [smem:$0x3F92]  }
0x1a: {  	s8 =	sadd.s32 $0xFFFFE003, lr  }
0x1b: {  	s9 =	sadd.s32 $0xFFFFFEF7, lr;
	s5 =	simm.s32 $0xFFFFFFFF;
	p2 =	slt.u32 s8, $0xFFFFF086  }
0x1c: {  	p1 =	slt.u32 s9, $0xF7A;
	s5 =	simm.s32 @!p2 $0x0  }
0x1d: {  	s5 =	simm.s32 @p1 $0x1;
	p0 =	seq.s32 s7, s2  }
0x1e: {  	s7 =	smul.u32 @!p0 $0xF7A, s2;
	p2 =	seq.s32 @!p0 s5, $0x0  }
0x1f: {  	s9 =	smul.u32 $0xF7A, s1;
	s8 =	simm.s32 @!p0 $0x1BF5;
	p2 =	por !p2, p0  }
0x20: {  	[sflag:s8] =	ssyncset.s32 @!p0 $0xFFFFF086;
	s6 =	sadd.s32 @!p0 s3, s7;
	s7 =	simm.s32 @!p0 $0x108  }
0x21: {  	s3 =	sadd.s32 s3, s9;
	s6 =	sadd.s32 @!p0 $0x88, s6;
	s7 =	simm.s32 @p2 $0x1082  }
0x22: {  	[simem:s7], [sflag:s8] =	dma.local @!p0 [hbm:s6], $0xF7A  }
0x23: {  	s9 =	sor.u32 $0xD0000000, s2;
	s6 =	simm.s32 $0x108;
	_ =	swait.ge @!p0 [sflag:s8], $0x0  }
0x24: {  	s3 =	sadd.s32 $0x88, s3;
	s6 =	simm.s32 @!p1 $0x1082;
	[sflag:s4] =	ssyncset.s32 $0xFFFFF086  }
0x25: {  	[simem:s6], [sflag:s4] =	dma.local [hbm:s3], $0xF7A  }
0x26: {  	[smem:$0x3F92] =	sst s1;
	(tag) =	ssettag s2;
	_ =	strace s9  }
0x27: {  	s1 =	sld [smem:$0x3FA2]  }
0x28: {  	s2 =	sld [smem:$0x3FA3]  }
0x29: {  	s4 =	sld [smem:$0x3FA5]  }
0x2a: {  	p0 =	seq.s32 s5, $0x0;
	s5 =	sld [smem:$0x3FA6]  }
0x2b: {  	s6 =	sld [smem:$0x3FA7]  }
0x2c: {  	s7 =	sld [smem:$0x3FA8]  }
0x2d: {  	s3 =	simm.s32 $0x108;
	s8 =	sld [smem:$0x3FA9]  }
0x2e: {  	s3 =	simm.s32 @!p0 $0x1082;
	s9 =	sld [smem:$0x3FAA]  }
0x2f: {  	lr =	sadd.s32 s0, s3;
	s0 =	sld [smem:$0x3FA1]  }
0x30: {  	s3 =	sld [smem:$0x3FA4]  }
0x31: {  	[smem:$0x3FAD] =	sst s10  }
0x32: {  	s10 =	sld [smem:$0x3FAB];
	_ =	sdelay $0x3  }
0x33: {  	p0 =	seq.s32 s10, $0x1;
	s10 =	sld [smem:$0x3FAD];
	_ =	sdelay $0x3  }
0x34: {  	[smem:$0x3FAD] =	sst s10  }
0x35: {  	s10 =	sld [smem:$0x3FAC];
	_ =	sdelay $0x3  }
0x36: {  	p1 =	seq.s32 s10, $0x1;
	s10 =	sld [smem:$0x3FAD];
	_ =	sdelay $0x3  }
0x37: {  	[smem:$0x3FAD] =	sst s10  }
0x38: {  	s10 =	sld [smem:$0x3FAE]  }
0x39: {  	_ = 	snop;
	(pc) =	sbr.ind lr, $3  }
0x3a: {  	_ = 	snop  }
0x3b: {  	_ = 	snop  }
0x3c: {  	p2 =	seq.s32 s10, $0x1;
	s10 =	sld [smem:$0x3FAD]  }
0x3d: {  	_ =	shalt  }
0x3e: {  	_ =	shalt  }
0x3f: {  	_ =	shalt  }
0x40: {  	_ =	shalt  }
0x41: {  	_ =	shalt  }
0x42: {  	_ =	shalt  }
0x43: {  	_ =	shalt  }
0x44: {  	_ =	shalt  }
0x45: {  	_ =	shalt  }
0x46: {  	_ =	shalt  }
0x47: {  	_ =	shalt  }
0x48: {  	_ =	shalt  }
0x49: {  	_ =	shalt  }
0x4a: {  	_ =	shalt  }
0x4b: {  	_ =	shalt  }
0x4c: {  	_ =	shalt  }
0x4d: {  	_ =	shalt  }
0x4e: {  	_ =	shalt  }
0x4f: {  	_ =	shalt  }
0x50: {  	_ =	shalt  }
0x51: {  	_ =	shalt  }
0x52: {  	_ =	shalt  }
0x53: {  	_ =	shalt  }
0x54: {  	_ =	shalt  }
0x55: {  	_ =	shalt  }
0x56: {  	_ =	shalt  }
0x57: {  	_ =	shalt  }
0x58: {  	_ =	shalt  }
0x59: {  	_ =	shalt  }
0x5a: {  	_ =	shalt  }
0x5b: {  	_ =	shalt  }
0x5c: {  	_ =	shalt  }
0x5d: {  	_ =	shalt  }
0x5e: {  	_ =	shalt  }
0x5f: {  	_ =	shalt  }
0x60: {  	_ =	shalt  }
0x61: {  	_ =	shalt  }
0x62: {  	_ =	shalt  }
0x63: {  	_ =	shalt  }
0x64: {  	_ =	shalt  }
0x65: {  	_ =	shalt  }
0x66: {  	_ =	shalt  }
0x67: {  	_ =	shalt  }
0x68: {  	_ =	shalt  }
0x69: {  	_ =	shalt  }
0x6a: {  	_ =	shalt  }
0x6b: {  	_ =	shalt  }
0x6c: {  	_ =	shalt  }
0x6d: {  	_ =	shalt  }
0x6e: {  	_ =	shalt  }
0x6f: {  	_ =	shalt  }
0x70: {  	_ =	shalt  }
0x71: {  	_ =	shalt  }
0x72: {  	_ =	shalt  }
0x73: {  	_ =	shalt  }
0x74: {  	_ =	shalt  }
0x75: {  	_ =	shalt  }
0x76: {  	_ =	shalt  }
0x77: {  	_ =	shalt  }
0x78: {  	_ =	shalt  }
0x79: {  	_ =	shalt  }
0x7a: {  	_ =	shalt  }
0x7b: {  	_ =	shalt  }
0x7c: {  	_ =	shalt  }
0x7d: {  	_ =	shalt  }
0x7e: {  	_ =	shalt  }
0x7f: {  	_ =	shalt  }
0x80: {  	_ =	shalt  }
0x81: {  	_ =	shalt  }
0x82: {  	_ =	shalt  }
0x83: {  	_ =	shalt  }
0x84: {  	_ =	shalt  }
0x85: {  	_ =	shalt  }
0x86: {  	_ =	shalt  }
0x87: {  	_ =	shalt  }
.Lfunc_end0:
.L_simem_size_0:
called_computation.2_lowered:
.L_overlay_start_0:
0x88: {  	s2 =	sld [smem:$0x3FD9]  }
0x89: {  	s3 =	sld [smem:$0x3FFE];
	_ =	sdelay $0x1  }
0x8a: {  	s1 =	srdreg.scid  }
0x8b: {  	s0 =	sand.u32 $0x1, s1  }
0x8c: {  	s17 =	sshll.u32 s0, $0xA;
	s2 =	sadd.s32 s3, s2  }
0x8d: {  	s2 =	sadd.s32 s2, s17  }
0x8e: {  	[smem:$0x3FB9] =	sst s2  }
0x8f: {  	_ = 	snop  }
0x90: {  	s2 =	sld [smem:$0x3FC8];
	(tm) =	ssettm $0x1  }
0x91: {  	s18 =	sld [smem:$0x3FFB];
	_ =	sdelay $0x3  }
0x92: {  	_ =	strace s18  }
0x93: {  	s3 =	sld [smem:$0x3FFC];
	_ =	sdelay $0x3  }
0x94: {  	_ =	strace s3  }
0x95: {  	s3 =	sld [smem:$0x3FFD];
	_ =	sdelay $0x3  }
0x96: {  	_ =	strace s3  }
0x97: {  	_ =	strace $0x8FFFFFFF  }
0x98: {  	s19 =	sld [smem:$0x3FDB];
	_ =	sdelay $0x1  }
0x99: {  	s4 =	simm.s32 $_scs_section_size  }
0x9a: {  	s5 =	simm.s32 $_size__tile_overlayer_lowered;
	s6 =	simm.s32 $_tile_overlayer_lowered  }
0x9b: {  	s22 =	simm.s32 $0x1BFF;
	s21 =	sshll.u32 s6, $0x1;
	s3 =	sadd.s32 s4, s19  }
0x9c: {  	s7 =	simm.s32 $0x0;
	s20 =	sshll.u32 s5, $0x1;
	s5 =	sadd.s32 s21, s3  }
0x9d: {  	[timem:s7], [sflag:s22] =	dma.local [hbm:s5], s20  }
0x9e: {  	_ =	swait.ge [sflag:s22], s20  }
0x9f: {  	s4 =	ssub.s32 $0x0, s20;
	[sflag:s22] =	ssyncset.done $0x0  }
0xa0: {  	[sflag:s22] =	ssyncadd.s32 s4;
	_ =	sdelay $0x1  }
0xa1: {  	s23 =	simm.s32 $0x1B8B  }
0xa2: {  	_ =	swait.ge [sflag:s23], $0x1  }
0xa3: {  	[sflag:s23] =	ssyncset.done $0x0  }
0xa4: {  	s25 =	simm.s32 $0x1B8E;
	s24 =	sld [smem:$0x3FFE];
	[sflag:s23] =	ssyncadd.s32 $0xFFFFFFFF  }
0xa5: {  	s26 =	simm.s32 $execute0_lowered;
	[smem:$0x3FD2] =	sst s25  }
0xa6: {  	s5 =	sshll.u32 s26, $0x1;
	_ =	strace $0x80000058;
	[dreg:$0x1] =	wrdreg $0xFFFFFFFF  }
0xa7: {  	s28 =	simm.s32 $_size_execute0_lowered;
	s3 =	sadd.s32 s3, s5;
	[dreg:$0x0] =	wrdreg $0x0  }
0xa8: {  	s5 =	sshll.u32 s28, $0x1;
	[dreg:$0x2] =	wrdreg s3  }
0xa9: {  	[dreg:$0x3] =	wrdreg s5  }
0xaa: {  	[dreg:$0x4] =	wrdreg $0xC0  }
0xab: {  	_ =	task [dreg:s7], $0x5FFFF  }
0xac: {  	[dreg:$0x1] =	wrdreg $0xFFFFFFFF  }
0xad: {  	[dreg:$0x0] =	wrdreg $0x60  }
0xae: {  	[dreg:$0x2] =	wrdreg s2  }
0xaf: {  	[dreg:$0x3] =	wrdreg s24  }
0xb0: {  	[dreg:$0x4] =	wrdreg $0x9  }
0xb1: {  	_ =	task.clear_ibuf [dreg:s7], $0x5FFFF;
	_ =	strace $0x90000058  }
0xb2: {  	s29 =	simm.s32 $0x9;
	_ =	strace $0x8000005A  }
0xb3: {  	_ =	swait.ge [sflag:s29], $0x1  }
0xb4: {  	[sflag:s29] =	ssyncadd.s32 $0xFFFFFFFF  }
0xb5: {  	_ =	strace $0x9000005A  }
0xb6: {  	_ =	sfence  }
0xb7: {  	s30 =	sld [smem:$0x0];
	_ =	sdelay $0x2  }
0xb8: {  	s31 =	sshll.u32 s1, $0xD;
	s1 =	sshrl.u32 s1, $0x2  }
0xb9: {  	s3 =	sand.u32 $0x4000, s31;
	s1 =	sadd.s32 s1, s30  }
0xba: {  	s0 =	sor.u32 s3, s0;
	s1 =	sshll.u32 s1, $0x11  }
0xbb: {  	s0 =	sor.u32 s1, s0  }
0xbc: {  	s0 =	sadd.s32 $0x8F2B, s0  }
0xbd: {  	[sflag:s0] =	ssyncadd.remote.s32 $0x1  }
0xbe: {  	_ =	sfence.sel $0xFFFF  }
0xbf: {  	[dreg:$0x0] =	wrdreg $0xFFFFFFFF;
	(pc) =	sbr.abs _section_cstart, $3  }
0xc0: {  	[dreg:$0x1] =	wrdreg $0xFFFFFFFF  }
0xc1: {  	_ =	task.clear_ibuf [dreg:s7], $0x2FFFF;
	_ =	strace $0x9FFFFFFF  }
0xc2: {  	(tm) =	ssettm $0x7FFFFFFF  }
0xc3: {  	_ =	shalt  }
tec
execute0_lowered:
.L_overlay_start_1:
0x0: {  	(tag) =	ssettag $0x1  }
0x1: {  	s2 =	rddreg [dreg:$0x0]  }
0x2: {  	s7 =	rddreg [dreg:$0x1]  }
0x3: {  	s0 =	rddreg [dreg:$0x2]  }
0x4: {  	s1 =	srdreg.scid;
	_ =	strace $0x80000059;
	s4 =	simm.s32 $0x1  }
0x5: {  	s9 =	simm.s32 $0x3;
	s11 =	simm.s32 $0x0;
	s5 =	sshll.u32 s1, $0x4  }
.Ltmp0:
0x6: {  	s1 =	stileid.u32;
	s5 =	sand.u32 $0x10, s5;
	(pc) =	sbr.rel .LBB2_1-.Ltmp0, $4  }
0x7: {  	p0 =	por $0x0, $0x0;
	s3 =	sadd.s32 $0x5000, s7;
	s6 =	sor.u32 s1, s5  }
0x8: {  	[sflag:s4] =	ssyncpa.u1 $0x0;
	s5 =	simm.s32 $0x2;
	s6 =	sshll.u32 s6, $0xC  }
0x9: {  	s7 =	sadd.s32 $0x9000, s7;
	[sflag:s5] =	ssyncpa.u1 $0x0;
	s8 =	sadd.s32 $0x1000, s6  }
0xa: {  	vm0 =	vmmov $0xff;
	vm1 =	vcmask $0x3F20;
	[sflag:s9] =	ssyncpa.u1 $0x0;
	s10 =	smov.u32 s6;
	s9 =	simm.s32 $0x0  }
.LBB2_7:
0xb: {  	p1 =	slt.u32 s9, $0x2;
	s11 =	sadd.s32 $0x100, s10  }
0xc: {  	s13 =	smov.u32 s6;
	s9 =	sadd.s32 $0x1, s9;
	p2 =	slt.s32 s11, s8  }
0xd: {  	s13 =	smov.u32 @p2 s11;
	p2 =	sne.s32 s9, $0x12  }
.Ltmp1:
0xe: {  	_ = 	snop;
	(pc) =	sbr.rel @!p2 .LBB2_8-.Ltmp1, $4  }
0xf: {  	s12 =	simm.s32 @!p1 $0x3  }
0x10: {  	_ =	swait.ge @!p1 [sflag:s12], $0x8000  }
0x11: {  	p0 =	por !p0, !p0;
	[sflag:s12] =	ssyncset.done @!p1 $0x0  }
0x12: {  	s11 =	smov.u32 s10;
	s10 =	smov.u32 s13;
	[sflag:s12] =	ssyncadd.s32 @!p1 $0xFFFF8000  }
.LBB2_1:
0x13: {  	p1 =	sgt.u32 s9, $0xF  }
0x14: {  	s12 =	sxor.u32 @!p1 $0xFFFFFFFF, s9  }
0x15: {  	s13 =	sshrl.u32 @!p1 s10, $0x3;
	s12 =	sshll.u32 @!p1 s12, $0x8  }
0x16: {  	s14 =	sand.u32 @!p1 $0x7, s10;
	s13 =	sadd.s32 @!p1 s3, s13;
	s12 =	sand.u32 @!p1 $0x100, s12  }
0x17: {  	[tilespmem:s12], [sflag:$0x2] =	stream.linear.gather @!p1 [hbm4b:s13+s14], $0x100, $0x38;
	[tilespmem:$0x10200] =	vst v63  }
0x18: {  	p1 =	seq.s32 s9, $0x0  }
0x19: {  	p2 =	seq.s32 @!p1 s9, $0x11  }
0x1a: {  	p1 =	por p1, p2  }
.Ltmp2:
0x1b: {  	_ = 	snop;
	(pc) =	sbr.rel @p1 .LBB2_7-.Ltmp2, $1  }
0x1c: {  	_ =	sdelay $0x3  }
0x1d: {  	s12 =	simm.s32 $0x1  }
0x1e: {  	_ =	swait.ge [sflag:s5], $0x100;
	s12 =	simm.s32 @!p0 $0x0  }
0x1f: {  	[sflag:s5] =	ssyncset.done $0x0;
	s14 =	sshll.u32 s12, $0x8  }
0x20: {  	[sflag:s5] =	ssyncadd.s32 $0xFFFFFF00;
	s13 =	sadd.s32 $0x0, s14  }
0x21: {  	v0 =	vld.msk [tilespmem:s13+$0x0 ss:$0x1], $0xffff;
	_ =	sdelay $0x4  }
0x22: {  	vm2 =	vgt.s32 v0, $0x0  }
0x23: {  	v0 =	vnsel vm2, $0x0, v0  }
0x24: {  	v0 =	vmin.u32 v0, $0x1869F  }
0x25: {  	v0 =	vshll.u32 v0, $0x4;
	_ =	sdelay $0x2  }
0x26: {  	s12 =	sshll.u32 s12, $0xF  }
0x27: {  	s12 =	sor.u32 $0x200, s12  }
0x28: {  	[tilespmem:s12], [sflag:$0x1] =	stream.indirect_vreg.gather [hbm:s2], $0x80, v0, vm0, $0x38;
	[tilespmem:$0x10200] =	vst v63  }
0x29: {  	s15 =	sadd.s32 $0x10, s14;
	s13 =	sadd.s32 $0x400, s12  }
0x2a: {  	[tilespmem:s13], [sflag:$0x1] =	stream.indirect_vreg.gather [hbm:s2], $0x80, v0, vm1, $0x38;
	[tilespmem:$0x10200] =	vst v63  }
0x2b: {  	s16 =	simm.s32 $0x80;
	v0 =	vld.msk [tilespmem:s15+$0x0 ss:$0x1], $0xffff;
	s15 =	smov.u32 s12  }
.LBB2_3:
0x2c: {  	p1 =	sne.s32 s16, $0x3C0;
	_ =	sdelay $0x4  }
0x2d: {  	vm2 =	vgt.s32 v0, $0x0  }
0x2e: {  	v0 =	vnsel vm2, $0x0, v0  }
0x2f: {  	v0 =	vmin.u32 v0, $0x1869F  }
0x30: {  	v0 =	vshll.u32 v0, $0x4;
	_ =	sdelay $0x3  }
.Ltmp3:
0x31: {  	s17 =	sshra.s32 s16, $0x2;
	s15 =	sadd.s32 $0x800, s15;
	(pc) =	sbr.rel @p1 .LBB2_3-.Ltmp3, $4  }
0x32: {  	[tilespmem:s15], [sflag:$0x1] =	stream.indirect_vreg.gather [hbm:s2], $0x80, v0, vm0, $0x38;
	[tilespmem:$0x10200] =	vst v63  }
0x33: {  	s17 =	sadd.s32 s17, s14;
	s18 =	sadd.s32 $0x400, s15  }
0x34: {  	[tilespmem:s18], [sflag:$0x1] =	stream.indirect_vreg.gather [hbm:s2], $0x80, v0, vm1, $0x38;
	[tilespmem:$0x10200] =	vst v63  }
0x35: {  	s16 =	sadd.s32 $0x40, s16;
	v0 =	vld.msk [tilespmem:s17+$0x0 ss:$0x1], $0xffff  }
0x36: {  	_ =	sdelay $0x3  }
0x37: {  	vm2 =	vgt.s32 v0, $0x0  }
0x38: {  	v0 =	vnsel vm2, $0x0, v0  }
0x39: {  	v0 =	vmin.u32 v0, $0x1869F  }
0x3a: {  	v0 =	vshll.u32 v0, $0x4;
	_ =	sdelay $0x3  }
0x3b: {  	s14 =	sadd.s32 $0x800, s15  }
0x3c: {  	[tilespmem:s14], [sflag:$0x1] =	stream.indirect_vreg.gather [hbm:s2], $0x80, v0, vm0, $0x38;
	[tilespmem:$0x10200] =	vst v63  }
0x3d: {  	s14 =	sadd.s32 $0x400, s14  }
0x3e: {  	[tilespmem:s14], [sflag:$0x1] =	stream.indirect_vreg.gather [hbm:s2], $0x80, v0, vm1, $0x38;
	[tilespmem:$0x10200] =	vst v63  }
0x3f: {  	s11 =	sshll.u32 s11, $0x4;
	_ =	swait.ge [sflag:s4], $0x8000  }
0x40: {  	s11 =	sadd.s32 s11, s7;
	[sflag:s4] =	ssyncset.done $0x0  }
0x41: {  	s15 =	sadd.s32 $0x0, s11;
	s14 =	simm.s32 $0x80;
	[sflag:s4] =	ssyncadd.s32 $0xFFFF8000  }
.LBB2_5:
0x42: {  	[hbm:s15] =	stream.linear.scatter [tilespmem:s12], [sflag:$0x3], $0x400, $0x38;
	[tilespmem:$0x10200] =	vst v63  }
0x43: {  	s15 =	smov.u32 s14;
	s12 =	smov.u32 s13;
	p1 =	sne.s32 s14, $0xF80  }
.Ltmp4:
0x44: {  	s14 =	sadd.s32 $0x80, s14;
	(pc) =	sbr.rel @p1 .LBB2_5-.Ltmp4, $2  }
0x45: {  	_ =	sdelay $0x2  }
0x46: {  	s13 =	sadd.s32 $0x400, s13;
	s15 =	sadd.s32 s15, s11  }
.Ltmp5:
0x47: {  	(pc) =	sbr.rel .LBB2_7-.Ltmp5, $2  }
0x48: {  	_ =	sdelay $0x2  }
0x49: {  	[hbm:s15] =	stream.linear.scatter [tilespmem:s12], [sflag:$0x3], $0x400, $0x38;
	[tilespmem:$0x10200] =	vst v63  }
.LBB2_8:
0x4a: {  	_ =	sfence.sel $0x180000  }
0x4b: {  	s2 =	simm.s32 $0x2;
	[bflag:$0x0] =	sbarrier.arrive $0xFFFF  }
0x4c: {  	s30 =	simm.s32 $0x3;
	[sflag:s2] =	ssyncpa.u1 $0x1  }
0x4d: {  	s31 =	simm.s32 $0x1;
	[sflag:s30] =	ssyncpa.u1 $0x1  }
0x4e: {  	[sflag:s31] =	ssyncpa.u1 $0x1  }
0x4f: {  	p0 =	sne.s32 s1, $0x0;
	_ =	strace $0x90000059  }
0x50: {  	s0 =	sadd.s32 @!p0 $0x100000, s0;
	[bflag:$0x2] =	sbarrier.arrive $0xFFFF  }
0x51: {  	[sflag:s0] =	ssyncadd.tile.s32 @!p0 $0x1;
	_ =	shalt  }
.Lfunc_end2:
_tile_overlayer_lowered:
.L_overlay_start_2:
0x52: {  	(tag) =	ssettag $0x2  }
0x53: {  	s0 =	rddreg [dreg:$0x0];
	s2 =	stileid.u32  }
0x54: {  	s1 =	rddreg [dreg:$0x1];
	p0 =	sne.s32 s2, $0x0  }
0x55: {  	s3 =	rddreg [dreg:$0x2];
	[bflag:$0x3] =	sbarrier.arrive $0xFFFF;
	s2 =	simm.s32 @!p0 $0x1C01  }
0x56: {  	[timem:s3], [sflag:s2] =	dma.local @!p0 [hbm:s0], s1  }
0x57: {  	s0 =	simm.s32 @!p0 $0x1  }
0x58: {  	_ =	swait.ge @!p0 [sflag:s0], s1  }
0x59: {  	s1 =	ssub.s32 @!p0 $0x0, s1;
	[sflag:s0] =	ssyncset.done @!p0 $0x0  }
0x5a: {  	[sflag:s0] =	ssyncadd.s32 @!p0 s1  }
0x5b: {  	[bflag:$0x3] =	sbarrier.arrive $0xFFFF  }
0x5c: {  	_ =	shalt  }

// kernel: kernel.5.cloned.1.call-start
scs
__scs_entry_jumppad:
0x0: {  	(pc) =	sbr.rel $0x88, $3  }
0x1: {  	(tag) =	ssettag $0x0;
	lr =	simm.s32 $0x1  }
0x2: {  	[smem:$0x3F92] =	sst lr;
	_ =	strace $0xD0000000  }
0x3: {  	_ = 	snop  }
0x4: {  	_ = 	snop  }
0x5: {  	_ = 	snop  }
0x6: {  	_ = 	snop  }
0x7: {  	_ = 	snop  }
__scs_overlays_trampoline_lowered:
0x8: {  	[smem:$0x3FA1] =	sst s0  }
0x9: {  	[smem:$0x3FA2] =	sst s1  }
0xa: {  	[smem:$0x3FA3] =	sst s2  }
0xb: {  	[smem:$0x3FA4] =	sst s3  }
0xc: {  	[smem:$0x3FA5] =	sst s4  }
0xd: {  	[smem:$0x3FA6] =	sst s5  }
0xe: {  	[smem:$0x3FA7] =	sst s6  }
0xf: {  	[smem:$0x3FA8] =	sst s7  }
0x10: {  	[smem:$0x3FA9] =	sst s8  }
0x11: {  	[smem:$0x3FAA] =	sst s9;
	s0 =	simm.s32 @!p0 $0x0  }
0x12: {  	s1 =	sld [smem:$0x3F90];
	s0 =	simm.s32 @p0 $0x1  }
0x13: {  	[smem:$0x3FAB] =	sst s0;
	s0 =	simm.s32 @!p1 $0x0  }
0x14: {  	s2 =	sld [smem:$0x3F8F];
	s0 =	simm.s32 @p1 $0x1  }
0x15: {  	[smem:$0x3FAC] =	sst s0;
	s0 =	simm.s32 @!p2 $0x0  }
0x16: {  	s3 =	sld [smem:$0x3FDB];
	s0 =	simm.s32 @p2 $0x1  }
0x17: {  	s4 =	simm.s32 $0x1BF5;
	[smem:$0x3FAE] =	sst s0  }
0x18: {  	s0 =	sld [smem:$0x3F91];
	_ =	swait.ge [sflag:s4], $0x0  }
0x19: {  	s7 =	sld [smem:$0x3F92]  }
0x1a: {  	s8 =	sadd.s32 $0xFFFFE003, lr  }
0x1b: {  	s9 =	sadd.s32 $0xFFFFFEF7, lr;
	s5 =	simm.s32 $0xFFFFFFFF;
	p2 =	slt.u32 s8, $0xFFFFF086  }
0x1c: {  	p1 =	slt.u32 s9, $0xF7A;
	s5 =	simm.s32 @!p2 $0x0  }
0x1d: {  	s5 =	simm.s32 @p1 $0x1;
	p0 =	seq.s32 s7, s2  }
0x1e: {  	s7 =	smul.u32 @!p0 $0xF7A, s2;
	p2 =	seq.s32 @!p0 s5, $0x0  }
0x1f: {  	s9 =	smul.u32 $0xF7A, s1;
	s8 =	simm.s32 @!p0 $0x1BF5;
	p2 =	por !p2, p0  }
0x20: {  	[sflag:s8] =	ssyncset.s32 @!p0 $0xFFFFF086;
	s6 =	sadd.s32 @!p0 s3, s7;
	s7 =	simm.s32 @!p0 $0x108  }
0x21: {  	s3 =	sadd.s32 s3, s9;
	s6 =	sadd.s32 @!p0 $0x88, s6;
	s7 =	simm.s32 @p2 $0x1082  }
0x22: {  	[simem:s7], [sflag:s8] =	dma.local @!p0 [hbm:s6], $0xF7A  }
0x23: {  	s9 =	sor.u32 $0xD0000000, s2;
	s6 =	simm.s32 $0x108;
	_ =	swait.ge @!p0 [sflag:s8], $0x0  }
0x24: {  	s3 =	sadd.s32 $0x88, s3;
	s6 =	simm.s32 @!p1 $0x1082;
	[sflag:s4] =	ssyncset.s32 $0xFFFFF086  }
0x25: {  	[simem:s6], [sflag:s4] =	dma.local [hbm:s3], $0xF7A  }
0x26: {  	[smem:$0x3F92] =	sst s1;
	(tag) =	ssettag s2;
	_ =	strace s9  }
0x27: {  	s1 =	sld [smem:$0x3FA2]  }
0x28: {  	s2 =	sld [smem:$0x3FA3]  }
0x29: {  	s4 =	sld [smem:$0x3FA5]  }
0x2a: {  	p0 =	seq.s32 s5, $0x0;
	s5 =	sld [smem:$0x3FA6]  }
0x2b: {  	s6 =	sld [smem:$0x3FA7]  }
0x2c: {  	s7 =	sld [smem:$0x3FA8]  }
0x2d: {  	s3 =	simm.s32 $0x108;
	s8 =	sld [smem:$0x3FA9]  }
0x2e: {  	s3 =	simm.s32 @!p0 $0x1082;
	s9 =	sld [smem:$0x3FAA]  }
0x2f: {  	lr =	sadd.s32 s0, s3;
	s0 =	sld [smem:$0x3FA1]  }
0x30: {  	s3 =	sld [smem:$0x3FA4]  }
0x31: {  	[smem:$0x3FAD] =	sst s10  }
0x32: {  	s10 =	sld [smem:$0x3FAB];
	_ =	sdelay $0x3  }
0x33: {  	p0 =	seq.s32 s10, $0x1;
	s10 =	sld [smem:$0x3FAD];
	_ =	sdelay $0x3  }
0x34: {  	[smem:$0x3FAD] =	sst s10  }
0x35: {  	s10 =	sld [smem:$0x3FAC];
	_ =	sdelay $0x3  }
0x36: {  	p1 =	seq.s32 s10, $0x1;
	s10 =	sld [smem:$0x3FAD];
	_ =	sdelay $0x3  }
0x37: {  	[smem:$0x3FAD] =	sst s10  }
0x38: {  	s10 =	sld [smem:$0x3FAE]  }
0x39: {  	_ = 	snop;
	(pc) =	sbr.ind lr, $3  }
0x3a: {  	_ = 	snop  }
0x3b: {  	_ = 	snop  }
0x3c: {  	p2 =	seq.s32 s10, $0x1;
	s10 =	sld [smem:$0x3FAD]  }
0x3d: {  	_ =	shalt  }
0x3e: {  	_ =	shalt  }
0x3f: {  	_ =	shalt  }
0x40: {  	_ =	shalt  }
0x41: {  	_ =	shalt  }
0x42: {  	_ =	shalt  }
0x43: {  	_ =	shalt  }
0x44: {  	_ =	shalt  }
0x45: {  	_ =	shalt  }
0x46: {  	_ =	shalt  }
0x47: {  	_ =	shalt  }
0x48: {  	_ =	shalt  }
0x49: {  	_ =	shalt  }
0x4a: {  	_ =	shalt  }
0x4b: {  	_ =	shalt  }
0x4c: {  	_ =	shalt  }
0x4d: {  	_ =	shalt  }
0x4e: {  	_ =	shalt  }
0x4f: {  	_ =	shalt  }
0x50: {  	_ =	shalt  }
0x51: {  	_ =	shalt  }
0x52: {  	_ =	shalt  }
0x53: {  	_ =	shalt  }
0x54: {  	_ =	shalt  }
0x55: {  	_ =	shalt  }
0x56: {  	_ =	shalt  }
0x57: {  	_ =	shalt  }
0x58: {  	_ =	shalt  }
0x59: {  	_ =	shalt  }
0x5a: {  	_ =	shalt  }
0x5b: {  	_ =	shalt  }
0x5c: {  	_ =	shalt  }
0x5d: {  	_ =	shalt  }
0x5e: {  	_ =	shalt  }
0x5f: {  	_ =	shalt  }
0x60: {  	_ =	shalt  }
0x61: {  	_ =	shalt  }
0x62: {  	_ =	shalt  }
0x63: {  	_ =	shalt  }
0x64: {  	_ =	shalt  }
0x65: {  	_ =	shalt  }
0x66: {  	_ =	shalt  }
0x67: {  	_ =	shalt  }
0x68: {  	_ =	shalt  }
0x69: {  	_ =	shalt  }
0x6a: {  	_ =	shalt  }
0x6b: {  	_ =	shalt  }
0x6c: {  	_ =	shalt  }
0x6d: {  	_ =	shalt  }
0x6e: {  	_ =	shalt  }
0x6f: {  	_ =	shalt  }
0x70: {  	_ =	shalt  }
0x71: {  	_ =	shalt  }
0x72: {  	_ =	shalt  }
0x73: {  	_ =	shalt  }
0x74: {  	_ =	shalt  }
0x75: {  	_ =	shalt  }
0x76: {  	_ =	shalt  }
0x77: {  	_ =	shalt  }
0x78: {  	_ =	shalt  }
0x79: {  	_ =	shalt  }
0x7a: {  	_ =	shalt  }
0x7b: {  	_ =	shalt  }
0x7c: {  	_ =	shalt  }
0x7d: {  	_ =	shalt  }
0x7e: {  	_ =	shalt  }
0x7f: {  	_ =	shalt  }
0x80: {  	_ =	shalt  }
0x81: {  	_ =	shalt  }
0x82: {  	_ =	shalt  }
0x83: {  	_ =	shalt  }
0x84: {  	_ =	shalt  }
0x85: {  	_ =	shalt  }
0x86: {  	_ =	shalt  }
0x87: {  	_ =	shalt  }
.Lfunc_end0:
.L_simem_size_0:
called_computation.8_lowered:
.L_overlay_start_0:
0x88: {  	s2 =	sld [smem:$0x3FD9]  }
0x89: {  	s3 =	sld [smem:$0x3FFE];
	_ =	sdelay $0x1  }
0x8a: {  	s1 =	srdreg.scid  }
0x8b: {  	s0 =	sand.u32 $0x1, s1  }
0x8c: {  	s17 =	sshll.u32 s0, $0xA;
	s2 =	sadd.s32 s3, s2  }
0x8d: {  	s2 =	sadd.s32 s2, s17  }
0x8e: {  	[smem:$0x3FB9] =	sst s2  }
0x8f: {  	_ = 	snop  }
0x90: {  	s2 =	sld [smem:$0x3FC7]  }
0x91: {  	s18 =	sld [smem:$0x3FD0];
	(tm) =	ssettm $0x1  }
0x92: {  	s4 =	sld [smem:$0x3FFB];
	_ =	sdelay $0x3  }
0x93: {  	_ =	strace s4  }
0x94: {  	s4 =	sld [smem:$0x3FFC];
	_ =	sdelay $0x3  }
0x95: {  	_ =	strace s4  }
0x96: {  	s4 =	sld [smem:$0x3FFD];
	_ =	sdelay $0x3  }
0x97: {  	_ =	strace s4  }
0x98: {  	_ =	strace $0x8FFFFFFF  }
0x99: {  	s19 =	sld [smem:$0x3FDB];
	_ =	sdelay $0x1  }
0x9a: {  	s5 =	simm.s32 $_scs_section_size  }
0x9b: {  	s6 =	simm.s32 $_size__tile_overlayer_lowered;
	s7 =	simm.s32 $_tile_overlayer_lowered  }
0x9c: {  	s22 =	simm.s32 $0x1BFF;
	s21 =	sshll.u32 s7, $0x1;
	s4 =	sadd.s32 s5, s19  }
0x9d: {  	s8 =	simm.s32 $0x0;
	s20 =	sshll.u32 s6, $0x1;
	s6 =	sadd.s32 s21, s4  }
0x9e: {  	[timem:s8], [sflag:s22] =	dma.local [hbm:s6], s20  }
0x9f: {  	_ =	swait.ge [sflag:s22], s20  }
0xa0: {  	s5 =	ssub.s32 $0x0, s20;
	[sflag:s22] =	ssyncset.done $0x0  }
0xa1: {  	[sflag:s22] =	ssyncadd.s32 s5;
	_ =	sdelay $0x1  }
0xa2: {  	s23 =	simm.s32 $0x1B8B  }
0xa3: {  	_ =	swait.ge [sflag:s23], $0x1  }
0xa4: {  	[sflag:s23] =	ssyncset.done $0x0  }
0xa5: {  	s25 =	simm.s32 $0x1B8E;
	s24 =	sld [smem:$0x3FFE];
	[sflag:s23] =	ssyncadd.s32 $0xFFFFFFFF  }
0xa6: {  	s26 =	simm.s32 $execute0_lowered;
	[smem:$0x3FD2] =	sst s25  }
0xa7: {  	s6 =	sshll.u32 s26, $0x1;
	_ =	strace $0x8000005E;
	[dreg:$0x1] =	wrdreg $0xFFFFFFFF  }
0xa8: {  	s28 =	simm.s32 $_size_execute0_lowered;
	s4 =	sadd.s32 s4, s6;
	[dreg:$0x0] =	wrdreg $0x0  }
0xa9: {  	s6 =	sshll.u32 s28, $0x1;
	[dreg:$0x2] =	wrdreg s4  }
0xaa: {  	[dreg:$0x3] =	wrdreg s6  }
0xab: {  	[dreg:$0x4] =	wrdreg $0xC0  }
0xac: {  	_ =	task [dreg:s8], $0x5FFFF  }
0xad: {  	[dreg:$0x1] =	wrdreg $0xFFFFFFFF  }
0xae: {  	[dreg:$0x0] =	wrdreg $0x60  }
0xaf: {  	[dreg:$0x2] =	wrdreg s2  }
0xb0: {  	[dreg:$0x3] =	wrdreg s24  }
0xb1: {  	[dreg:$0x4] =	wrdreg s18  }
0xb2: {  	[dreg:$0x5] =	wrdreg $0x9  }
0xb3: {  	_ =	task.clear_ibuf [dreg:s8], $0x6FFFF;
	_ =	strace $0x9000005E  }
0xb4: {  	s29 =	simm.s32 $0x9;
	_ =	strace $0x80000060  }
0xb5: {  	_ =	swait.ge [sflag:s29], $0x1  }
0xb6: {  	[sflag:s29] =	ssyncadd.s32 $0xFFFFFFFF  }
0xb7: {  	_ =	strace $0x90000060  }
0xb8: {  	_ =	sfence  }
0xb9: {  	s30 =	sld [smem:$0x0];
	_ =	sdelay $0x2  }
0xba: {  	s31 =	sshll.u32 s1, $0xD;
	s1 =	sshrl.u32 s1, $0x2  }
0xbb: {  	s3 =	sand.u32 $0x4000, s31;
	s1 =	sadd.s32 s1, s30  }
0xbc: {  	s0 =	sor.u32 s3, s0;
	s1 =	sshll.u32 s1, $0x11  }
0xbd: {  	s0 =	sor.u32 s1, s0  }
0xbe: {  	s0 =	sadd.s32 $0x8F2B, s0  }
0xbf: {  	[sflag:s0] =	ssyncadd.remote.s32 $0x1  }
0xc0: {  	_ =	sfence.sel $0xFFFF  }
0xc1: {  	[dreg:$0x0] =	wrdreg $0xFFFFFFFF;
	(pc) =	sbr.abs _section_cstart, $3  }
0xc2: {  	[dreg:$0x1] =	wrdreg $0xFFFFFFFF  }
0xc3: {  	_ =	task.clear_ibuf [dreg:s8], $0x2FFFF;
	_ =	strace $0x9FFFFFFF  }
0xc4: {  	(tm) =	ssettm $0x7FFFFFFF  }
0xc5: {  	_ =	shalt  }
tec
execute0_lowered:
.L_overlay_start_1:
0x0: {  	(tag) =	ssettag $0x1  }
0x1: {  	s1 =	rddreg [dreg:$0x0]  }
0x2: {  	s2 =	srdreg.scid;
	s0 =	stileid.u32  }
0x3: {  	s4 =	rddreg [dreg:$0x1];
	s6 =	sand.u32 $0x1, s2;
	s30 =	sshll.u32 s0, $0x1  }
0x4: {  	s8 =	rddreg [dreg:$0x2];
	s3 =	simm.s32 $0x0;
	s9 =	sor.u32 s6, s30  }
0x5: {  	[smem:$0x7FF] =	sst s3;
	s5 =	smul.u32 $0x50, s9  }
0x6: {  	s2 =	rddreg [dreg:$0x3];
	_ =	strace $0x8000005F  }
0x7: {  	s10 =	ssub.s32 $0x2, s6;
	s5 =	sadd.s32 s4, s5;
	s4 =	simm.s32 $0x2  }
0x8: {  	[tilespmem:s3], [sflag:$0x2] =	stream.linear.gather [hbm4b:s5+s3], $0x280, $0x38;
	[tilespmem:$0x14280] =	vst v63  }
0x9: {  	s11 =	sshrl.u32 s10, $0x1;
	_ =	swait.ge [sflag:s4], $0x280  }
0xa: {  	s7 =	simm.s32 $0x1;
	s10 =	ssub.s32 s10, s11;
	[sflag:s4] =	ssyncset.done $0x0  }
0xb: {  	s6 =	simm.s32 $0x280;
	s31 =	smax.u32 s10, $0x1;
	[sflag:s4] =	ssyncadd.s32 $0xFFFFFD80  }
0xc: {  	[tilespmem:s6], [sflag:$0x1] =	stream.indirect.gather [hbm4b:s1+s6], $0x80, s3, s6, $0xb8;
	[tilespmem:$0x14280] =	vst v63  }
0xd: {  	s9 =	smul.u32 $0x2800, s9;
	p0 =	sne.s32 s31, $0x1;
	_ =	swait.ge [sflag:s7], $0x14000  }
.Ltmp0:
0xe: {  	[sflag:s7] =	ssyncset.done $0x0;
	(pc) =	sbr.rel @!p0 .LBB2_2-.Ltmp0, $4  }
0xf: {  	s8 =	sadd.s32 s8, s9;
	[sflag:s7] =	ssyncadd.s32 $0xFFFEC000  }
0x10: {  	[hbm4b:s8+s3] =	stream.linear.scatter [tilespmem:s6], [sflag:$0x2], $0x14000, $0x38;
	[tilespmem:$0x14280] =	vst v63  }
0x11: {  	_ =	swait.ge [sflag:s4], $0x14000  }
0x12: {  	s9 =	sadd.s32 $0xFFFFFFFF, s31;
	[sflag:s4] =	ssyncset.done $0x0  }
.LBB2_1:
0x13: {  	p0 =	sne.s32 s9, $0x1;
	s9 =	sadd.s32 $0xFFFFFFFF, s9;
	[sflag:s4] =	ssyncadd.s32 $0xFFFEC000  }
0x14: {  	[tilespmem:s3], [sflag:$0x2] =	stream.linear.gather [hbm4b:s5+s3], $0x280, $0x38;
	[tilespmem:$0x14280] =	vst v63  }
0x15: {  	_ =	swait.ge [sflag:s4], $0x280  }
0x16: {  	[sflag:s4] =	ssyncset.done $0x0  }
0x17: {  	[sflag:s4] =	ssyncadd.s32 $0xFFFFFD80  }
0x18: {  	[tilespmem:s6], [sflag:$0x1] =	stream.indirect.gather [hbm4b:s1+s6], $0x80, s3, s6, $0xb8;
	[tilespmem:$0x14280] =	vst v63  }
0x19: {  	_ =	swait.ge [sflag:s7], $0x14000  }
.Ltmp1:
0x1a: {  	[sflag:s7] =	ssyncset.done $0x0;
	(pc) =	sbr.rel @p0 .LBB2_1-.Ltmp1, $4  }
0x1b: {  	[sflag:s7] =	ssyncadd.s32 $0xFFFEC000  }
0x1c: {  	[hbm4b:s8+s3] =	stream.linear.scatter [tilespmem:s6], [sflag:$0x2], $0x14000, $0x38;
	[tilespmem:$0x14280] =	vst v63  }
0x1d: {  	_ =	swait.ge [sflag:s4], $0x14000  }
0x1e: {  	[sflag:s4] =	ssyncset.done $0x0  }
.LBB2_2:
0x1f: {  	[sflag:s4] =	ssyncadd.s32 $0xFFFEC000  }
0x20: {  	_ =	sfence.sel $0x180000  }
0x21: {  	[bflag:$0x0] =	sbarrier.arrive $0xFFFF  }
0x22: {  	p0 =	sne.s32 s0, $0x0;
	_ =	strace $0x9000005F  }
0x23: {  	s0 =	sadd.s32 @!p0 $0x100000, s2;
	[bflag:$0x2] =	sbarrier.arrive $0xFFFF  }
0x24: {  	[sflag:s0] =	ssyncadd.tile.s32 @!p0 $0x1;
	_ =	shalt  }
.Lfunc_end2:
_tile_overlayer_lowered:
.L_overlay_start_2:
0x25: {  	(tag) =	ssettag $0x2  }
0x26: {  	s0 =	rddreg [dreg:$0x0];
	s2 =	stileid.u32  }
0x27: {  	s1 =	rddreg [dreg:$0x1];
	p0 =	sne.s32 s2, $0x0  }
0x28: {  	s3 =	rddreg [dreg:$0x2];
	[bflag:$0x3] =	sbarrier.arrive $0xFFFF;
	s2 =	simm.s32 @!p0 $0x1C02  }
0x29: {  	[timem:s3], [sflag:s2] =	dma.local @!p0 [hbm:s0], s1  }
0x2a: {  	s0 =	simm.s32 @!p0 $0x2  }
0x2b: {  	_ =	swait.ge @!p0 [sflag:s0], s1  }
0x2c: {  	s1 =	ssub.s32 @!p0 $0x0, s1;
	[sflag:s0] =	ssyncset.done @!p0 $0x0  }
0x2d: {  	[sflag:s0] =	ssyncadd.s32 @!p0 s1  }
0x2e: {  	[bflag:$0x3] =	sbarrier.arrive $0xFFFF  }
0x2f: {  	_ =	shalt  }

// kernel: sparse-core-data-format-call.1.cloned.1.call-start
scs
called_computation.1_lowered:
.L_overlay_start_0:
0x0: {  	s1 =	sld [smem:$0x3FD9]  }
0x1: {  	s2 =	sld [smem:$0x3FFE];
	_ =	sdelay $0x1  }
0x2: {  	s3 =	srdreg.scid  }
0x3: {  	s0 =	sand.u32 $0x1, s3  }
0x4: {  	s17 =	sshll.u32 s0, $0xA;
	s1 =	sadd.s32 s2, s1  }
0x5: {  	s1 =	sadd.s32 s1, s17  }
0x6: {  	[smem:$0x3FB9] =	sst s1  }
0x7: {  	_ = 	snop  }
0x8: {  	(tm) =	ssettm $0x1  }
0x9: {  	s18 =	sld [smem:$0x3FFB];
	_ =	sdelay $0x3  }
0xa: {  	_ =	strace s18  }
0xb: {  	s1 =	sld [smem:$0x3FFC];
	_ =	sdelay $0x3  }
0xc: {  	_ =	strace s1  }
0xd: {  	s1 =	sld [smem:$0x3FFD];
	_ =	sdelay $0x3  }
0xe: {  	_ =	strace s1  }
0xf: {  	_ =	strace $0x8FFFFFFF  }
0x10: {  	s19 =	sld [smem:$0x3FDB];
	_ =	sdelay $0x1  }
0x11: {  	s20 =	simm.s32 $_scs_section_size  }
0x12: {  	s4 =	simm.s32 $_size__tile_overlayer_lowered;
	s5 =	simm.s32 $_tile_overlayer_lowered  }
0x13: {  	s23 =	simm.s32 $0x1BFF;
	s22 =	sshll.u32 s5, $0x1;
	s1 =	sadd.s32 s20, s19  }
0x14: {  	s6 =	simm.s32 $0x0;
	s21 =	sshll.u32 s4, $0x1;
	s4 =	sadd.s32 s22, s1  }
0x15: {  	[timem:s6], [sflag:s23] =	dma.local [hbm:s4], s21  }
0x16: {  	_ =	swait.ge [sflag:s23], s21  }
0x17: {  	s2 =	ssub.s32 $0x0, s21;
	[sflag:s23] =	ssyncset.done $0x0  }
0x18: {  	[sflag:s23] =	ssyncadd.s32 s2;
	_ =	sdelay $0x1  }
0x19: {  	s24 =	simm.s32 $0x1B8B  }
0x1a: {  	_ =	swait.ge [sflag:s24], $0x1  }
0x1b: {  	[sflag:s24] =	ssyncset.done $0x0  }
0x1c: {  	s26 =	simm.s32 $0x1B8E;
	s25 =	sld [smem:$0x3FFE];
	[sflag:s24] =	ssyncadd.s32 $0xFFFFFFFF  }
0x1d: {  	s27 =	simm.s32 $execute0_lowered;
	[smem:$0x3FD2] =	sst s26  }
0x1e: {  	s4 =	sshll.u32 s27, $0x1;
	_ =	strace $0x80000046;
	[dreg:$0x1] =	wrdreg $0xFFFFFFFF  }
0x1f: {  	s28 =	simm.s32 $_size_execute0_lowered;
	s1 =	sadd.s32 s1, s4;
	[dreg:$0x0] =	wrdreg $0x0  }
0x20: {  	s4 =	sshll.u32 s28, $0x1;
	[dreg:$0x2] =	wrdreg s1  }
0x21: {  	[dreg:$0x3] =	wrdreg s4  }
0x22: {  	[dreg:$0x4] =	wrdreg $0xC0  }
0x23: {  	_ =	task [dreg:s6], $0x5FFFF  }
0x24: {  	[dreg:$0x1] =	wrdreg $0xFFFFFFFF  }
0x25: {  	[dreg:$0x0] =	wrdreg $0x60  }
0x26: {  	[dreg:$0x2] =	wrdreg s25  }
0x27: {  	[dreg:$0x3] =	wrdreg $0x9  }
0x28: {  	_ =	task.clear_ibuf [dreg:s6], $0x4FFFF;
	_ =	strace $0x90000046  }
0x29: {  	s29 =	simm.s32 $0x9;
	_ =	strace $0x80000048  }
0x2a: {  	_ =	swait.ge [sflag:s29], $0x1  }
0x2b: {  	[sflag:s29] =	ssyncadd.s32 $0xFFFFFFFF  }
0x2c: {  	_ =	strace $0x90000048  }
0x2d: {  	_ =	sfence  }
0x2e: {  	s30 =	sld [smem:$0x0];
	_ =	sdelay $0x2  }
0x2f: {  	s31 =	sshll.u32 s3, $0xD;
	s3 =	sshrl.u32 s3, $0x2  }
0x30: {  	s2 =	sand.u32 $0x4000, s31;
	s1 =	sadd.s32 s3, s30  }
0x31: {  	s0 =	sor.u32 s2, s0;
	s1 =	sshll.u32 s1, $0x11  }
0x32: {  	s0 =	sor.u32 s1, s0  }
0x33: {  	s0 =	sadd.s32 $0x8F2B, s0  }
0x34: {  	[sflag:s0] =	ssyncadd.remote.s32 $0x1  }
0x35: {  	_ =	sfence.sel $0xFFFF  }
0x36: {  	[dreg:$0x0] =	wrdreg $0xFFFFFFFF;
	(pc) =	sbr.abs _section_cstart, $3  }
0x37: {  	[dreg:$0x1] =	wrdreg $0xFFFFFFFF  }
0x38: {  	_ =	task.clear_ibuf [dreg:s6], $0x2FFFF;
	_ =	strace $0x9FFFFFFF  }
0x39: {  	(tm) =	ssettm $0x7FFFFFFF  }
tec
execute0_lowered:
.L_overlay_start_1:
0x0: {  	(tag) =	ssettag $0x1  }
0x1: {  	s1 =	rddreg [dreg:$0x0]  }
0x2: {  	s0 =	rddreg [dreg:$0x1]  }
0x3: {  	_ =	strace $0x80000047;
	s4 =	srdreg.scid;
	s6 =	simm.s32 $0x2  }
0x4: {  	s11 =	simm.s32 $0x0;
	p0 =	por $0x0, $0x0;
	s7 =	simm.s32 $0x18800  }
.Ltmp0:
0x5: {  	s12 =	simm.s32 $0x0;
	s9 =	simm.s32 $0x0;
	(pc) =	sbr.rel .LBB1_1-.Ltmp0, $4  }
0x6: {  	s2 =	sadd.s32 $0x310000, s1;
	s3 =	sadd.s32 $0xF50000, s1;
	s5 =	sshll.u32 s4, $0x4  }
0x7: {  	s1 =	stileid.u32;
	s4 =	simm.s32 $0x1;
	s5 =	sand.u32 $0x10, s5  }
0x8: {  	s8 =	simm.s32 $0x0;
	[sflag:s4] =	ssyncpa.u1 $0x0;
	s5 =	sor.u32 s1, s5  }
0x9: {  	[sflag:s6] =	ssyncpa.u1 $0x0;
	s6 =	simm.s32 $0x800;
	s10 =	smov.u32 s5  }
.LBB1_7:
0xa: {  	s13 =	sadd.s32 $0x10, s9  }
0xb: {  	s11 =	sadd.s32 $0x20, s10;
	s15 =	smov.u32 s10;
	p2 =	sgt.s32 s13, $0x30F  }
0xc: {  	p1 =	slt.u32 s8, $0x2;
	s15 =	smov.u32 @p2 s11  }
0xd: {  	s8 =	sadd.s32 $0x1, s8;
	s13 =	simm.s32 @p2 $0x0;
	p2 =	sgt.s32 s15, $0x7F  }
0xe: {  	s15 =	smov.u32 @p2 s5;
	p2 =	sne.s32 s8, $0xC6  }
.Ltmp1:
0xf: {  	_ = 	snop;
	(pc) =	sbr.rel @!p2 .LBB1_8-.Ltmp1, $4  }
0x10: {  	s14 =	simm.s32 @!p1 $0x2  }
0x11: {  	s12 =	smov.u32 s10;
	_ =	swait.ge @!p1 [sflag:s14], $0x4000  }
0x12: {  	p0 =	por !p0, !p0;
	s11 =	smov.u32 s9;
	[sflag:s14] =	ssyncset.done @!p1 $0x0  }
0x13: {  	s9 =	smov.u32 s13;
	[sflag:s14] =	ssyncadd.s32 @!p1 $0xFFFFC000;
	s10 =	smov.u32 s15  }
.LBB1_1:
0x14: {  	p1 =	sgt.u32 s8, $0xC3  }
0x15: {  	s13 =	smul.u32 @!p1 $0x18800, s10  }
0x16: {  	s14 =	sxor.u32 @!p1 $0xFFFFFFFF, s8  }
0x17: {  	s15 =	sshll.u32 @!p1 s9, $0x7;
	s14 =	sshll.u32 @!p1 s14, $0xE;
	s13 =	sadd.s32 @!p1 s2, s13  }
0x18: {  	s14 =	sand.u32 @!p1 $0x4000, s14;
	s13 =	sadd.s32 @!p1 s15, s13;
	s15 =	simm.s32 @!p1 $0x0  }
0x19: {  	[tilespmem:s14], [sflag:$0x1] =	stream.linear.gather @!p1 [hbm4b:s13+s15], $0x4000, $0x38;
	[tilespmem:$0x10000] =	vst v63  }
0x1a: {  	p1 =	seq.s32 s8, $0x0  }
0x1b: {  	p2 =	seq.s32 @!p1 s8, $0xC5  }
0x1c: {  	p1 =	por p1, p2  }
.Ltmp2:
0x1d: {  	_ = 	snop;
	(pc) =	sbr.rel @p1 .LBB1_7-.Ltmp2, $1  }
0x1e: {  	_ =	sdelay $0x3  }
0x1f: {  	s13 =	simm.s32 $0x1;
	_ =	swait.ge [sflag:s4], $0x4000;
	s16 =	sshll.u32 s8, $0xE  }
0x20: {  	s13 =	simm.s32 @!p0 $0x0;
	[sflag:s4] =	ssyncset.done $0x0;
	s31 =	sand.u32 $0x4000, s16  }
0x21: {  	s16 =	simm.s32 $0x0;
	s13 =	sshll.u32 s13, $0xE;
	[sflag:s4] =	ssyncadd.s32 $0xFFFFC000  }
0x22: {  	s14 =	sor.u32 $0x8040, s13;
	s15 =	sor.u32 $0x40, s13;
	s13 =	sor.u32 $0x8000, s31  }
.LBB1_3:
0x23: {  	v0 =	vmov s15;
	_ =	sdelay $0x3  }
0x24: {  	s18 =	simm.s32 $0x0  }
0x25: {  	v6 =	vld.idx.msk [tilespmem:v0+s18+$0x30 ss:$0x1], $0xffff  }
0x26: {  	v7 =	vld.idx.msk [tilespmem:v0+s18+$0xFFFFFFC0 ss:$0x1], $0xffff  }
0x27: {  	v5 =	vld.idx.msk [tilespmem:v0+s18+$0xFFFFFFD0 ss:$0x1], $0xffff  }
0x28: {  	v4 =	vld.idx.msk [tilespmem:v0+s18+$0xFFFFFFE0 ss:$0x1], $0xffff  }
0x29: {  	v3 =	vld.idx.msk [tilespmem:v0+s18+$0xFFFFFFF0 ss:$0x1], $0xffff  }
0x2a: {  	v1 =	vld.idx.msk [tilespmem:v0+s18+$0x0 ss:$0x1], $0xffff  }
0x2b: {  	v2 =	vld.idx.msk [tilespmem:v0+s18+$0x10 ss:$0x1], $0xffff;
	[tilespmem:s14+$0x30] =	vst v6  }
0x2c: {  	s17 =	simm.s32 $0x80;
	s19 =	simm.s32 $0x400;
	[tilespmem:s14+$0xFFFFFFC0] =	vst v7;
	v6 =	vld.idx.msk [tilespmem:v0+s18+$0x20 ss:$0x1], $0xffff;
	s18 =	smov.u32 s14  }
.LBB1_4:
0x2d: {  	p1 =	sne.s32 s19, $0xE00;
	v7 =	vld.idx.msk [tilespmem:v0+s17+$0x30 ss:$0x1], $0xffff;
	[tilespmem:s18+$0xFFFFFFD0] =	vst v5  }
0x2e: {  	v8 =	vld.idx.msk [tilespmem:v0+s17+$0xFFFFFFC0 ss:$0x1], $0xffff;
	[tilespmem:s18+$0xFFFFFFE0] =	vst v4  }
0x2f: {  	v5 =	vld.idx.msk [tilespmem:v0+s17+$0xFFFFFFD0 ss:$0x1], $0xffff;
	[tilespmem:s18+$0xFFFFFFF0] =	vst v3  }
.Ltmp3:
0x30: {  	v4 =	vld.idx.msk [tilespmem:v0+s17+$0xFFFFFFE0 ss:$0x1], $0xffff;
	[tilespmem:s18+$0x0] =	vst v1;
	(pc) =	sbr.rel @p1 .LBB1_4-.Ltmp3, $4  }
0x31: {  	v3 =	vld.idx.msk [tilespmem:v0+s17+$0xFFFFFFF0 ss:$0x1], $0xffff;
	[tilespmem:s18+$0x10] =	vst v2  }
0x32: {  	v1 =	vld.idx.msk [tilespmem:v0+s17+$0x0 ss:$0x1], $0xffff;
	[tilespmem:s18+$0x20] =	vst v6;
	s18 =	sadd.s32 $0x800, s18  }
0x33: {  	v2 =	vld.idx.msk [tilespmem:v0+s17+$0x10 ss:$0x1], $0xffff;
	[tilespmem:s18+$0x30] =	vst v7  }
0x34: {  	[tilespmem:s18+$0xFFFFFFC0] =	vst v8;
	v6 =	vld.idx.msk [tilespmem:v0+s17+$0x20 ss:$0x1], $0xffff;
	s17 =	sshra.s32 s19, $0x2;
	s19 =	sadd.s32 $0x200, s19  }
0x35: {  	_ =	sdelay $0x2  }
0x36: {  	[tilespmem:s18+$0xFFFFFFD0] =	vst v5  }
0x37: {  	v56 =	vld.idx.msk [tilespmem:v0+s17+$0x30 ss:$0x1], $0xffff;
	[tilespmem:s18+$0xFFFFFFE0] =	vst v4  }
0x38: {  	v57 =	vld.idx.msk [tilespmem:v0+s17+$0xFFFFFFC0 ss:$0x1], $0xffff;
	[tilespmem:s18+$0xFFFFFFF0] =	vst v3  }
0x39: {  	v58 =	vld.idx.msk [tilespmem:v0+s17+$0xFFFFFFD0 ss:$0x1], $0xffff;
	[tilespmem:s18+$0x0] =	vst v1  }
0x3a: {  	v59 =	vld.idx.msk [tilespmem:v0+s17+$0xFFFFFFE0 ss:$0x1], $0xffff;
	[tilespmem:s18+$0x10] =	vst v2  }
0x3b: {  	v60 =	vld.idx.msk [tilespmem:v0+s17+$0xFFFFFFF0 ss:$0x1], $0xffff;
	s31 =	sadd.s32 $0x800, s18;
	[tilespmem:s18+$0x20] =	vst v6  }
0x3c: {  	v61 =	vld.idx.msk [tilespmem:v0+s17+$0x0 ss:$0x1], $0xffff;
	[tilespmem:s31+$0x30] =	vst v56  }
0x3d: {  	v62 =	vld.idx.msk [tilespmem:v0+s17+$0x10 ss:$0x1], $0xffff;
	s16 =	sadd.s32 $0x1, s16;
	[tilespmem:s31+$0xFFFFFFC0] =	vst v57  }
0x3e: {  	v63 =	vld.idx.msk [tilespmem:v0+s17+$0x20 ss:$0x1], $0xffff;
	p1 =	sne.s32 s16, $0x10;
	[tilespmem:s31+$0xFFFFFFD0] =	vst v58  }
.Ltmp4:
0x3f: {  	[tilespmem:s31+$0xFFFFFFE0] =	vst v59;
	(pc) =	sbr.rel @p1 .LBB1_3-.Ltmp4, $4  }
0x40: {  	[tilespmem:s31+$0xFFFFFFF0] =	vst v60  }
0x41: {  	[tilespmem:s31+$0x0] =	vst v61  }
0x42: {  	[tilespmem:s31+$0x10] =	vst v62  }
0x43: {  	s14 =	sadd.s32 $0x80, s14;
	s15 =	sadd.s32 $0x400, s15;
	[tilespmem:s31+$0x20] =	vst v63  }
0x44: {  	s11 =	sand.u32 $0x1FFFFFF, s11  }
0x45: {  	s14 =	smulhi.u32 $0x14E5E0B, s11;
	_ =	sdelay $0x1  }
0x46: {  	s12 =	smul.u32 $0x18800, s12;
	s14 =	sshrl.u32 s14, $0x2  }
0x47: {  	s14 =	smul.u32 $0x310, s14  }
.Ltmp5:
0x48: {  	_ = 	snop;
	(pc) =	sbr.rel .LBB1_7-.Ltmp5, $4  }
0x49: {  	s11 =	ssub.s32 s11, s14  }
0x4a: {  	s12 =	sadd.s32 s3, s12;
	s11 =	sshll.u32 s11, $0x4  }
0x4b: {  	s11 =	sadd.s32 s11, s12  }
0x4c: {  	[hbm4b:s11+s6] =	stream.strided.scatter [tilespmem:s13], [sflag:$0x2], $0x4000, s7, s6, $0x38;
	[tilespmem:$0x10000] =	vst v63  }
.LBB1_8:
0x4d: {  	_ =	sfence.sel $0x180000  }
0x4e: {  	s2 =	simm.s32 $0x1;
	[bflag:$0x0] =	sbarrier.arrive $0xFFFF  }
0x4f: {  	s31 =	simm.s32 $0x2;
	[sflag:s2] =	ssyncpa.u1 $0x1  }
0x50: {  	[sflag:s31] =	ssyncpa.u1 $0x1  }
0x51: {  	p0 =	sne.s32 s1, $0x0;
	_ =	strace $0x90000047  }
0x52: {  	s0 =	sadd.s32 @!p0 $0x100000, s0;
	[bflag:$0x2] =	sbarrier.arrive $0xFFFF  }
0x53: {  	[sflag:s0] =	ssyncadd.tile.s32 @!p0 $0x1;
	_ =	shalt  }
.Lfunc_end1:
_tile_overlayer_lowered:
.L_overlay_start_2:
0x54: {  	(tag) =	ssettag $0x2  }
0x55: {  	s0 =	rddreg [dreg:$0x0];
	s2 =	stileid.u32  }
0x56: {  	s1 =	rddreg [dreg:$0x1];
	p0 =	sne.s32 s2, $0x0  }
0x57: {  	s3 =	rddreg [dreg:$0x2];
	[bflag:$0x3] =	sbarrier.arrive $0xFFFF;
	s2 =	simm.s32 @!p0 $0x1C01  }
0x58: {  	[timem:s3], [sflag:s2] =	dma.local @!p0 [hbm:s0], s1  }
0x59: {  	s0 =	simm.s32 @!p0 $0x1  }
0x5a: {  	_ =	swait.ge @!p0 [sflag:s0], s1  }
0x5b: {  	s1 =	ssub.s32 @!p0 $0x0, s1;
	[sflag:s0] =	ssyncset.done @!p0 $0x0  }
0x5c: {  	[sflag:s0] =	ssyncadd.s32 @!p0 s1  }
0x5d: {  	[bflag:$0x3] =	sbarrier.arrive $0xFFFF  }
0x5e: {  	_ =	shalt  }

// kernel: sparse-core-data-format-call.cloned.1.call-start
scs
called_computation_lowered:
.L_overlay_start_0:
0x0: {  	s1 =	sld [smem:$0x3FD9]  }
0x1: {  	s2 =	sld [smem:$0x3FFE];
	_ =	sdelay $0x1  }
0x2: {  	s3 =	srdreg.scid  }
0x3: {  	s0 =	sand.u32 $0x1, s3  }
0x4: {  	s17 =	sshll.u32 s0, $0xA;
	s1 =	sadd.s32 s2, s1  }
0x5: {  	s1 =	sadd.s32 s1, s17  }
0x6: {  	[smem:$0x3FB9] =	sst s1  }
0x7: {  	_ = 	snop  }
0x8: {  	(tm) =	ssettm $0x1  }
0x9: {  	s18 =	sld [smem:$0x3FFB];
	_ =	sdelay $0x3  }
0xa: {  	_ =	strace s18  }
0xb: {  	s1 =	sld [smem:$0x3FFC];
	_ =	sdelay $0x3  }
0xc: {  	_ =	strace s1  }
0xd: {  	s1 =	sld [smem:$0x3FFD];
	_ =	sdelay $0x3  }
0xe: {  	_ =	strace s1  }
0xf: {  	_ =	strace $0x8FFFFFFF  }
0x10: {  	s19 =	sld [smem:$0x3FDB];
	_ =	sdelay $0x1  }
0x11: {  	s20 =	simm.s32 $_scs_section_size  }
0x12: {  	s4 =	simm.s32 $_size__tile_overlayer_lowered;
	s5 =	simm.s32 $_tile_overlayer_lowered  }
0x13: {  	s23 =	simm.s32 $0x1BFF;
	s22 =	sshll.u32 s5, $0x1;
	s1 =	sadd.s32 s20, s19  }
0x14: {  	s6 =	simm.s32 $0x0;
	s21 =	sshll.u32 s4, $0x1;
	s4 =	sadd.s32 s22, s1  }
0x15: {  	[timem:s6], [sflag:s23] =	dma.local [hbm:s4], s21  }
0x16: {  	_ =	swait.ge [sflag:s23], s21  }
0x17: {  	s2 =	ssub.s32 $0x0, s21;
	[sflag:s23] =	ssyncset.done $0x0  }
0x18: {  	[sflag:s23] =	ssyncadd.s32 s2;
	_ =	sdelay $0x1  }
0x19: {  	s24 =	simm.s32 $0x1B8B  }
0x1a: {  	_ =	swait.ge [sflag:s24], $0x1  }
0x1b: {  	[sflag:s24] =	ssyncset.done $0x0  }
0x1c: {  	s26 =	simm.s32 $0x1B8E;
	s25 =	sld [smem:$0x3FFE];
	[sflag:s24] =	ssyncadd.s32 $0xFFFFFFFF  }
0x1d: {  	s27 =	simm.s32 $execute0_lowered;
	[smem:$0x3FD2] =	sst s26  }
0x1e: {  	s4 =	sshll.u32 s27, $0x1;
	_ =	strace $0x8000004C;
	[dreg:$0x1] =	wrdreg $0xFFFFFFFF  }
0x1f: {  	s28 =	simm.s32 $_size_execute0_lowered;
	s1 =	sadd.s32 s1, s4;
	[dreg:$0x0] =	wrdreg $0x0  }
0x20: {  	s4 =	sshll.u32 s28, $0x1;
	[dreg:$0x2] =	wrdreg s1  }
0x21: {  	[dreg:$0x3] =	wrdreg s4  }
0x22: {  	[dreg:$0x4] =	wrdreg $0xC0  }
0x23: {  	_ =	task [dreg:s6], $0x5FFFF  }
0x24: {  	[dreg:$0x1] =	wrdreg $0xFFFFFFFF  }
0x25: {  	[dreg:$0x0] =	wrdreg $0x60  }
0x26: {  	[dreg:$0x2] =	wrdreg s25  }
0x27: {  	[dreg:$0x3] =	wrdreg $0x9  }
0x28: {  	_ =	task.clear_ibuf [dreg:s6], $0x4FFFF;
	_ =	strace $0x9000004C  }
0x29: {  	s29 =	simm.s32 $0x9;
	_ =	strace $0x8000004E  }
0x2a: {  	_ =	swait.ge [sflag:s29], $0x1  }
0x2b: {  	[sflag:s29] =	ssyncadd.s32 $0xFFFFFFFF  }
0x2c: {  	_ =	strace $0x9000004E  }
0x2d: {  	_ =	sfence  }
0x2e: {  	s30 =	sld [smem:$0x0];
	_ =	sdelay $0x2  }
0x2f: {  	s31 =	sshll.u32 s3, $0xD;
	s3 =	sshrl.u32 s3, $0x2  }
0x30: {  	s2 =	sand.u32 $0x4000, s31;
	s1 =	sadd.s32 s3, s30  }
0x31: {  	s0 =	sor.u32 s2, s0;
	s1 =	sshll.u32 s1, $0x11  }
0x32: {  	s0 =	sor.u32 s1, s0  }
0x33: {  	s0 =	sadd.s32 $0x8F2B, s0  }
0x34: {  	[sflag:s0] =	ssyncadd.remote.s32 $0x1  }
0x35: {  	_ =	sfence.sel $0xFFFF  }
0x36: {  	[dreg:$0x0] =	wrdreg $0xFFFFFFFF;
	(pc) =	sbr.abs _section_cstart, $3  }
0x37: {  	[dreg:$0x1] =	wrdreg $0xFFFFFFFF  }
0x38: {  	_ =	task.clear_ibuf [dreg:s6], $0x2FFFF;
	_ =	strace $0x9FFFFFFF  }
0x39: {  	(tm) =	ssettm $0x7FFFFFFF  }
tec
execute0_lowered:
.L_overlay_start_1:
0x0: {  	(tag) =	ssettag $0x1  }
0x1: {  	s0 =	srdreg.scid;
	s13 =	rddreg [dreg:$0x0];
	s4 =	simm.s32 $0x1  }
0x2: {  	s7 =	simm.s32 $0x2;
	s19 =	simm.s32 $0x0;
	s15 =	simm.s32 $0x2000  }
0x3: {  	s20 =	simm.s32 $0x0;
	s16 =	simm.s32 $0x0;
	s1 =	sshll.u32 s0, $0x4  }
0x4: {  	s18 =	simm.s32 $0x0;
	s0 =	stileid.u32;
	s1 =	sand.u32 $0x10, s1  }
0x5: {  	s3 =	sadd.s32 $0x208000, s13;
	s9 =	sadd.s32 $0x214000, s13;
	s2 =	sor.u32 s0, s1  }
0x6: {  	s10 =	sadd.s32 $0x218000, s13;
	s11 =	sadd.s32 $0x21C000, s13;
	s2 =	sshll.u32 s2, $0x3  }
0x7: {  	s1 =	rddreg [dreg:$0x1];
	_ =	strace $0x8000004D;
	s5 =	ssub.s32 $0x400, s2  }
0x8: {  	s12 =	sadd.s32 $0x220000, s13;
	[sflag:s4] =	ssyncpa.u1 $0x0;
	s6 =	sand.u32 $0xF8, s5  }
.Ltmp0:
0x9: {  	p0 =	sne.s32 s6, $0x0;
	s6 =	simm.s32 $0x1;
	(pc) =	sbr.rel .LBB1_1-.Ltmp0, $4  }
0xa: {  	[sflag:s7] =	ssyncpa.u1 $0x0;
	s8 =	sshrl.u32 s5, $0x8;
	s6 =	simm.s32 @!p0 $0x0  }
0xb: {  	s7 =	sadd.s32 $0x20C000, s13;
	s17 =	smov.u32 s2;
	s6 =	sadd.s32 s6, s8  }
0xc: {  	s5 =	sadd.s32 $0x8000, s13;
	p0 =	por $0x0, $0x0;
	s6 =	sshll.u32 s6, $0x3  }
0xd: {  	s8 =	sadd.s32 $0x210000, s13;
	s13 =	sadd.s32 $0x224000, s13;
	s14 =	sor.u32 $0x1, s6  }
.LBB1_7:
0xe: {  	s21 =	sadd.s32 $0x80, s16  }
0xf: {  	s19 =	sadd.s32 $0x100, s17;
	s23 =	smov.u32 s17;
	p2 =	sgt.s32 s21, $0x3FF  }
0x10: {  	s23 =	smov.u32 @p2 s19  }
0x11: {  	s21 =	simm.s32 @p2 $0x0;
	p2 =	sgt.s32 s23, $0x3FF  }
0x12: {  	s23 =	smov.u32 @p2 s2;
	p2 =	sne.s32 s18, s14  }
.Ltmp1:
0x13: {  	p1 =	slt.u32 s18, $0x2;
	(pc) =	sbr.rel @!p2 .LBB1_8-.Ltmp1, $4  }
0x14: {  	s22 =	simm.s32 @!p1 $0x2  }
0x15: {  	s20 =	smov.u32 s17;
	p0 =	por !p0, !p0;
	_ =	swait.ge @!p1 [sflag:s22], $0x4000  }
0x16: {  	s19 =	smov.u32 s16;
	[sflag:s22] =	ssyncset.done @!p1 $0x0;
	s16 =	smov.u32 s21  }
0x17: {  	s18 =	sadd.s32 $0x1, s18;
	[sflag:s22] =	ssyncadd.s32 @!p1 $0xFFFFC000;
	s17 =	smov.u32 s23  }
.LBB1_1:
0x18: {  	p1 =	sge.u32 s18, s6  }
0x19: {  	s21 =	sxor.u32 @!p1 $0xFFFFFFFF, s18  }
0x1a: {  	s22 =	sshll.u32 @!p1 s17, $0xE;
	s23 =	sshll.u32 @!p1 s16, $0x4;
	s25 =	simm.s32 @!p1 $0x10  }
0x1b: {  	s21 =	sshll.u32 @!p1 s21, $0xE;
	s23 =	sand.u32 @!p1 $0x3FF0, s23;
	s24 =	sadd.s32 @!p1 s3, s22  }
0x1c: {  	s26 =	simm.s32 @!p1 $0x80;
	s21 =	sand.u32 @!p1 $0x4000, s21;
	s24 =	sadd.s32 @!p1 s23, s24  }
0x1d: {  	[tilespmem:s21], [sflag:$0x1] =	stream.strided.gather @!p1 [hbm4b:s24+s25], $0x800, s26, s25, $0x38;
	[tilespmem:$0x10100] =	vst v63  }
0x1e: {  	s24 =	sadd.s32 @!p1 s22, s7  }
0x1f: {  	s27 =	sor.u32 @!p1 $0x800, s21;
	s24 =	sadd.s32 @!p1 s23, s24  }
0x20: {  	[tilespmem:s27], [sflag:$0x1] =	stream.strided.gather @!p1 [hbm4b:s24+s25], $0x800, s26, s25, $0x38;
	[tilespmem:$0x10100] =	vst v63  }
0x21: {  	s24 =	sadd.s32 @!p1 s22, s8  }
0x22: {  	s27 =	sor.u32 @!p1 $0x1000, s21;
	s24 =	sadd.s32 @!p1 s23, s24  }
0x23: {  	[tilespmem:s27], [sflag:$0x1] =	stream.strided.gather @!p1 [hbm4b:s24+s25], $0x800, s26, s25, $0x38;
	[tilespmem:$0x10100] =	vst v63  }
0x24: {  	s24 =	sadd.s32 @!p1 s22, s9  }
0x25: {  	s27 =	sor.u32 @!p1 $0x1800, s21;
	s24 =	sadd.s32 @!p1 s23, s24  }
0x26: {  	[tilespmem:s27], [sflag:$0x1] =	stream.strided.gather @!p1 [hbm4b:s24+s25], $0x800, s26, s25, $0x38;
	[tilespmem:$0x10100] =	vst v63  }
0x27: {  	s24 =	sadd.s32 @!p1 s22, s10  }
0x28: {  	s27 =	sor.u32 @!p1 $0x2000, s21;
	s24 =	sadd.s32 @!p1 s23, s24  }
0x29: {  	[tilespmem:s27], [sflag:$0x1] =	stream.strided.gather @!p1 [hbm4b:s24+s25], $0x800, s26, s25, $0x38;
	[tilespmem:$0x10100] =	vst v63  }
0x2a: {  	s24 =	sadd.s32 @!p1 s22, s11  }
0x2b: {  	s27 =	sor.u32 @!p1 $0x2800, s21;
	s24 =	sadd.s32 @!p1 s23, s24  }
0x2c: {  	[tilespmem:s27], [sflag:$0x1] =	stream.strided.gather @!p1 [hbm4b:s24+s25], $0x800, s26, s25, $0x38;
	[tilespmem:$0x10100] =	vst v63  }
0x2d: {  	s24 =	sadd.s32 @!p1 s22, s12  }
0x2e: {  	s27 =	sor.u32 @!p1 $0x3000, s21;
	s22 =	sadd.s32 @!p1 s22, s13;
	s24 =	sadd.s32 @!p1 s23, s24  }
0x2f: {  	[tilespmem:s27], [sflag:$0x1] =	stream.strided.gather @!p1 [hbm4b:s24+s25], $0x800, s26, s25, $0x38;
	[tilespmem:$0x10100] =	vst v63  }
0x30: {  	s31 =	sadd.s32 $0xFFFFFFFF, s18;
	s21 =	sor.u32 @!p1 $0x3800, s21;
	s22 =	sadd.s32 @!p1 s23, s22  }
0x31: {  	[tilespmem:s21], [sflag:$0x1] =	stream.strided.gather @!p1 [hbm4b:s22+s25], $0x800, s26, s25, $0x38;
	[tilespmem:$0x10100] =	vst v63  }
0x32: {  	p1 =	sge.u32 s31, s6  }
.Ltmp2:
0x33: {  	_ = 	snop;
	(pc) =	sbr.rel @p1 .LBB1_7-.Ltmp2, $1  }
0x34: {  	_ =	sdelay $0x3  }
0x35: {  	s21 =	simm.s32 $0x1;
	s23 =	sand.u32 $0x1, s18  }
0x36: {  	_ =	swait.ge [sflag:s4], $0x4000;
	s21 =	simm.s32 @!p0 $0x0;
	s24 =	smul.u32 $0x10200, s23  }
0x37: {  	[sflag:s4] =	ssyncset.done $0x0;
	s22 =	smul.u32 $0x10200, s21  }
0x38: {  	s21 =	sshll.u32 s21, $0xE;
	[sflag:s4] =	ssyncadd.s32 $0xFFFFC000  }
0x39: {  	s23 =	sor.u32 $0x40, s21;
	s31 =	sshrl.u32 s24, $0x2;
	s22 =	sshrl.u32 s22, $0x2  }
0x3a: {  	s24 =	simm.s32 $0x0;
	s21 =	sor.u32 $0x8000, s31;
	s22 =	sor.u32 $0x8007, s22  }
.LBB1_3:
0x3b: {  	v3 =	vld [tilespmem:s23+$0x30]  }
0x3c: {  	v4 =	vld [tilespmem:s23+$0xFFFFFFD0]  }
0x3d: {  	v5 =	vld [tilespmem:s23+$0xFFFFFFE0]  }
0x3e: {  	v1 =	vld [tilespmem:s23+$0xFFFFFFF0]  }
0x3f: {  	v0 =	vld [tilespmem:s23+$0x0]  }
0x40: {  	v2 =	vld [tilespmem:s23+$0x10];
	[tilespmem:s22+$0x0 ss:$0x81] =	vst.msk $0xffff, v3  }
0x41: {  	[tilespmem:s22+$0xFFFFFFFA ss:$0x81] =	vst.msk $0xffff, v4;
	v4 =	vld [tilespmem:s23+$0x20]  }
0x42: {  	s26 =	simm.s32 $0x0;
	s27 =	sadd.s32 $0x80, s23;
	s25 =	smov.u32 s22;
	v3 =	vld [tilespmem:s23+$0xFFFFFFC0];
	[tilespmem:s22+$0xFFFFFFFB ss:$0x81] =	vst.msk $0xffff, v5  }
.LBB1_4:
0x43: {  	v5 =	vld [tilespmem:s27+$0x30];
	s26 =	sadd.s32 $0x8, s26;
	[tilespmem:s25+$0xFFFFFFFC ss:$0x81] =	vst.msk $0xffff, v1  }
0x44: {  	v6 =	vld [tilespmem:s27+$0xFFFFFFD0];
	p1 =	slt.u32 s26, $0x78;
	[tilespmem:s25+$0xFFFFFFFD ss:$0x81] =	vst.msk $0xffff, v0  }
0x45: {  	v7 =	vld [tilespmem:s27+$0xFFFFFFE0];
	[tilespmem:s25+$0xFFFFFFFE ss:$0x81] =	vst.msk $0xffff, v2  }
.Ltmp3:
0x46: {  	v1 =	vld [tilespmem:s27+$0xFFFFFFF0];
	[tilespmem:s25+$0xFFFFFFFF ss:$0x81] =	vst.msk $0xffff, v4;
	(pc) =	sbr.rel @p1 .LBB1_4-.Ltmp3, $4  }
0x47: {  	v0 =	vld [tilespmem:s27+$0x0];
	[tilespmem:s25+$0xFFFFFFF9 ss:$0x81] =	vst.msk $0xffff, v3;
	s25 =	sadd.s32 $0x8, s25  }
0x48: {  	v2 =	vld [tilespmem:s27+$0x10];
	[tilespmem:s25+$0x0 ss:$0x81] =	vst.msk $0xffff, v5  }
0x49: {  	[tilespmem:s25+$0xFFFFFFFA ss:$0x81] =	vst.msk $0xffff, v6;
	v4 =	vld [tilespmem:s27+$0x20]  }
0x4a: {  	v3 =	vld [tilespmem:s27+$0xFFFFFFC0];
	[tilespmem:s25+$0xFFFFFFFB ss:$0x81] =	vst.msk $0xffff, v7;
	s27 =	sadd.s32 $0x80, s27  }
0x4b: {  	s24 =	sadd.s32 $0x1, s24  }
0x4c: {  	p1 =	sne.s32 s24, $0x8  }
.Ltmp4:
0x4d: {  	[tilespmem:s25+$0xFFFFFFFC ss:$0x81] =	vst.msk $0xffff, v1;
	(pc) =	sbr.rel @p1 .LBB1_3-.Ltmp4, $4  }
0x4e: {  	[tilespmem:s25+$0xFFFFFFFD ss:$0x81] =	vst.msk $0xffff, v0  }
0x4f: {  	[tilespmem:s25+$0xFFFFFFFE ss:$0x81] =	vst.msk $0xffff, v2  }
0x50: {  	[tilespmem:s25+$0xFFFFFFFF ss:$0x81] =	vst.msk $0xffff, v4  }
0x51: {  	s22 =	sadd.s32 $0x810, s22;
	s23 =	sadd.s32 $0x800, s23;
	[tilespmem:s25+$0xFFFFFFF9 ss:$0x81] =	vst.msk $0xffff, v3  }
.Ltmp5:
0x52: {  	s22 =	sand.u32 $0x780, s19;
	s20 =	sshll.u32 s20, $0xB;
	(pc) =	sbr.rel .LBB1_7-.Ltmp5, $4  }
0x53: {  	s23 =	sshrl.u32 s19, $0x3;
	s31 =	sand.u32 $0x7, s19;
	s20 =	sadd.s32 s5, s20  }
0x54: {  	s23 =	sand.u32 $0xF, s23;
	s19 =	sshll.u32 s31, $0x12;
	s20 =	sadd.s32 s22, s20  }
0x55: {  	s19 =	sor.u32 $0x400, s19;
	s20 =	sadd.s32 s23, s20  }
0x56: {  	[hbm4b:s20+s19] =	stream.strided.scatter [tilespmem:s21], [sflag:$0x2], $0x4000, s15, s19, $0x20;
	[tilespmem:$0x10100] =	vst v63  }
.LBB1_8:
0x57: {  	_ =	sfence.sel $0x180000  }
0x58: {  	s2 =	simm.s32 $0x1;
	[bflag:$0x0] =	sbarrier.arrive $0xFFFF  }
0x59: {  	s31 =	simm.s32 $0x2;
	[sflag:s2] =	ssyncpa.u1 $0x1  }
0x5a: {  	[sflag:s31] =	ssyncpa.u1 $0x1  }
0x5b: {  	p0 =	sne.s32 s0, $0x0;
	_ =	strace $0x9000004D  }
0x5c: {  	s0 =	sadd.s32 @!p0 $0x100000, s1;
	[bflag:$0x2] =	sbarrier.arrive $0xFFFF  }
0x5d: {  	[sflag:s0] =	ssyncadd.tile.s32 @!p0 $0x1;
	_ =	shalt  }
.Lfunc_end1:
_tile_overlayer_lowered:
.L_overlay_start_2:
0x5e: {  	(tag) =	ssettag $0x2  }
0x5f: {  	s0 =	rddreg [dreg:$0x0];
	s2 =	stileid.u32  }
0x60: {  	s1 =	rddreg [dreg:$0x1];
	p0 =	sne.s32 s2, $0x0  }
0x61: {  	s3 =	rddreg [dreg:$0x2];
	[bflag:$0x3] =	sbarrier.arrive $0xFFFF;
	s2 =	simm.s32 @!p0 $0x1C01  }
0x62: {  	[timem:s3], [sflag:s2] =	dma.local @!p0 [hbm:s0], s1  }
0x63: {  	s0 =	simm.s32 @!p0 $0x1  }
0x64: {  	_ =	swait.ge @!p0 [sflag:s0], s1  }
0x65: {  	s1 =	ssub.s32 @!p0 $0x0, s1;
	[sflag:s0] =	ssyncset.done @!p0 $0x0  }
0x66: {  	[sflag:s0] =	ssyncadd.s32 @!p0 s1  }
0x67: {  	[bflag:$0x3] =	sbarrier.arrive $0xFFFF  }
0x68: {  	_ =	shalt  }

</sc_bundles>
